<compile_context>
chip_gen: v7x
topology: tpu7x:2x2x1
jax: 0.10.2.dev20260603
libtpu: 0.0.44.dev20260713+nightly
codegen_flags: <defaults>
</compile_context>

<pallas_src>
import functools

import jax
import jax.numpy as jnp
from jax import lax
from jax.experimental import pallas as pl
from jax.experimental.pallas import tpu as pltpu
from jax.experimental.pallas import tpu_sc as plsc

VOCAB = 1000000
EMBED_DIM = 16
PADDING_IDX = 0
BATCH = 4096
SEQ_LEN = 200
TOTAL = BATCH * SEQ_LEN

_INFO = plsc.get_sparse_core_info()
NC = _INFO.num_cores
NS = _INFO.num_subcores
NW = NC * NS
PER_W = TOTAL // NW
CHUNK = 3200
N_CHUNKS = PER_W // CHUNK

_T1_VB = 65536
_T1_GRID = (VOCAB + _T1_VB - 1) // _T1_VB
_PERM_ROWS = _T1_GRID * _T1_VB // 8
_PERM_VOCAB = _PERM_ROWS * 128 // EMBED_DIM


def _gather_body(tokens_hbm, table_hbm, out_hbm, idx_v, rows_v,
                 gsem0, gsem1, wsem0, wsem1):
    wid = lax.axis_index("s") * NC + lax.axis_index("c")
    base = wid * PER_W
    gsems = (gsem0, gsem1)
    wsems = (wsem0, wsem1)

    pltpu.sync_copy(tokens_hbm.at[pl.ds(base, PER_W)], idx_v)

    def xform(j, _):
        v = idx_v[pl.ds(j * 16, 16)]
        rho = ((v & -1024) + ((v & 127) << 3)
               + ((v >> 7) & 7))
        idx_v[pl.ds(j * 16, 16)] = rho
        return 0

    lax.fori_loop(0, PER_W // 16, xform, 0, unroll=8)

    def start_gather(i, b):
        return pltpu.async_copy(
            table_hbm.at[idx_v.at[pl.ds(i * CHUNK, CHUNK)]],
            rows_v.at[b], gsems[b])

    def start_write(i, b):
        return pltpu.async_copy(
            rows_v.at[b], out_hbm.at[pl.ds(base + i * CHUNK, CHUNK)],
            wsems[b])

    g = [None, None]
    w = [None, None]
    g[0] = start_gather(0, 0)
    for i in range(N_CHUNKS):
        b = i & 1
        if i + 1 < N_CHUNKS:
            if w[1 - b] is not None:
                w[1 - b].wait()
            g[1 - b] = start_gather(i + 1, 1 - b)
        g[b].wait()
        w[b] = start_write(i, b)
    w[0].wait()
    w[1].wait()


_gather = functools.partial(
    pl.kernel,
    out_type=jax.ShapeDtypeStruct((TOTAL, EMBED_DIM), jnp.float32),
    mesh=plsc.VectorSubcoreMesh(core_axis_name="c", subcore_axis_name="s"),
    scratch_types=[
        pltpu.VMEM((PER_W,), jnp.int32),
        pltpu.VMEM((2, CHUNK, EMBED_DIM), jnp.float32),
        pltpu.SemaphoreType.DMA,
        pltpu.SemaphoreType.DMA,
        pltpu.SemaphoreType.DMA,
        pltpu.SemaphoreType.DMA,
    ],
    compiler_params=pltpu.CompilerParams(use_tc_tiling_on_sc=False),
)(_gather_body)



def _t1_body(tt_ref, out_ref):
    for k in range(_T1_VB // 1024):
        base = 1024 * k
        m = jnp.concatenate(
            [tt_ref[:, base + 128 * c:base + 128 * (c + 1)]
             for c in range(8)], axis=0)
        out_ref[128 * k:128 * (k + 1), :] = m.T


_table_to_rowmajor = pl.pallas_call(
    _t1_body,
    grid=(_T1_GRID,),
    in_specs=[pl.BlockSpec((16, _T1_VB), lambda i: (0, i))],
    out_specs=pl.BlockSpec((_T1_VB // 8, 128), lambda i: (i, 0)),
    out_shape=jax.ShapeDtypeStruct((_PERM_ROWS, 128), jnp.float32),
)

_T2_BB = 512


def _t2_body(rows_ref, out_ref):
    x = rows_ref[...]
    out_ref[...] = x.T.reshape(SEQ_LEN, EMBED_DIM, _T2_BB)


_rows_to_features = pl.pallas_call(
    _t2_body,
    grid=(BATCH // _T2_BB,),
    in_specs=[pl.BlockSpec((_T2_BB, SEQ_LEN * EMBED_DIM), lambda i: (i, 0))],
    out_specs=pl.BlockSpec((SEQ_LEN, EMBED_DIM, _T2_BB), lambda i: (0, 0, i)),
    out_shape=jax.ShapeDtypeStruct((SEQ_LEN, EMBED_DIM, BATCH), jnp.float32),
)


def _mask_body(tokens_ref, pad_ref, seq_ref):
    pad_ref[...] = tokens_ref[...] == PADDING_IDX
    row = lax.broadcasted_iota(jnp.int32, (SEQ_LEN, SEQ_LEN), 0)
    col = lax.broadcasted_iota(jnp.int32, (SEQ_LEN, SEQ_LEN), 1)
    seq_ref[...] = col > row


_masks = pl.pallas_call(
    _mask_body,
    out_shape=(
        jax.ShapeDtypeStruct((BATCH, SEQ_LEN), jnp.bool_),
        jax.ShapeDtypeStruct((SEQ_LEN, SEQ_LEN), jnp.bool_),
    ),
)


def kernel(tokens, table):
    flat = tokens.reshape(TOTAL)
    table_lin = (_table_to_rowmajor(table.T)
                 .reshape(_PERM_ROWS * 128)
                 .reshape(_PERM_VOCAB, EMBED_DIM))
    rows = _gather(flat, table_lin)
    feat_t = _rows_to_features(
        rows.reshape(TOTAL * EMBED_DIM)
            .reshape(BATCH, SEQ_LEN * EMBED_DIM))
    features = feat_t.transpose(2, 0, 1)
    pad, seqm = _masks(tokens)
    return (features, (pad, seqm))

# --- scband reference (transcript-rebuilt; emitter-appended) ---
"""Pipeline reference for scband-embedding-9835475108500 (READ-ONLY COPY).

The authoritative reference and input builder live on the scoring server;
editing this copy changes nothing except your own understanding.
"""

import jax, jax.numpy as jnp
import numpy as np

VOCAB = 1000000
EMBED_DIM = 16
PADDING_IDX = 0
BATCH = 4096
SEQ_LEN = 200


def generate_padding_mask(tokens, padding_idx):
    # bool mask, True where token is padding
    return (tokens == padding_idx)


def generate_sequential_mask(seq_len):
    # causal mask: True above the diagonal (positions to be masked)
    return jnp.triu(jnp.ones((seq_len, seq_len), dtype=bool), k=1)


def setup_inputs(seed: int = 0) -> dict:
    key = jax.random.key(seed)
    k1, k2 = jax.random.split(key)
    tokens = jax.random.randint(k1, (BATCH, SEQ_LEN), 0, VOCAB, dtype=jnp.int32)
    table = jax.random.normal(k2, (VOCAB, EMBED_DIM), dtype=jnp.float32) * 0.02
    table = table.at[PADDING_IDX].set(0.0)  # nn.Embedding zero-inits padding row
    return {"tokens": tokens, "table": table}


def reference(tokens, table):
    padding_masks = generate_padding_mask(tokens, PADDING_IDX)
    seq_len = tokens.shape[-1]
    sequential_masks = generate_sequential_mask(seq_len)
    features = jnp.take(table, tokens, axis=0)  # embedding gather
    return (features, (padding_masks, sequential_masks))

if __name__ == "__main__":
    import jax
    _d = setup_inputs()
    print(jax.jit(kernel)(*tuple(_d.values())))

</pallas_src>

<mosaic_0001>
#map = affine_map<(d0, d1) -> (0)>
#map1 = affine_map<(d0, d1) -> (0, 0)>
module attributes {stable_mosaic.version = 14 : i64} {
  func.func @_gather_body(%arg0: i32, %arg1: i32, %arg2: memref<819200xi32, #tpu.memory_space<hbm>>, %arg3: memref<1048576x16xf32, #tpu.memory_space<hbm>>, %arg4: memref<819200x16xf32, #tpu.memory_space<hbm>>, %arg5: memref<25600xi32, #tpu.memory_space<vmem>>, %arg6: memref<2x3200x16xf32, #tpu.memory_space<vmem>>, %arg7: memref<!tpu.dma_semaphore, #tpu.memory_space<semaphore_mem>>, %arg8: memref<!tpu.dma_semaphore, #tpu.memory_space<semaphore_mem>>, %arg9: memref<!tpu.dma_semaphore, #tpu.memory_space<semaphore_mem>>, %arg10: memref<!tpu.dma_semaphore, #tpu.memory_space<semaphore_mem>>) attributes {dimension_semantics = [#tpu.dimension_semantics<core_parallel>, #tpu.dimension_semantics<subcore_parallel>], iteration_bounds = array<i64: 2, 16>, scalar_prefetch = 0 : i64, scratch_operands = 6 : i64, tpu.core_type = #tpu.core_type<sc_vector_subcore>, window_params = [{transform_indices = #map}, {transform_indices = #map1}, {transform_indices = #map1}]} {
    %mul3A = arith.constant 2 : i32
    %mul3A_0 = arith.muli %arg1, %mul3A : i32
    %add3A = arith.addi %mul3A_0, %arg0 : i32
    %mul3A_1 = arith.constant 25600 : i32
    %mul3A_2 = arith.muli %add3A, %mul3A_1 : i32
    "tpu.region"() ({
      %run_scoped3A = tpu.sem_alloc : memref<!tpu.dma_semaphore, #tpu.memory_space<semaphore_mem>>
      %dma_start3A_391 = tpu.memref_slice %arg2[%mul3A_2] : memref<819200xi32, #tpu.memory_space<hbm>> -> memref<25600xi32, #tpu.memory_space<hbm>>
      %dma_start3A_392 = tpu.memref_slice %arg2[%mul3A_2] : memref<819200xi32, #tpu.memory_space<hbm>> -> memref<25600xi32, #tpu.memory_space<hbm>>
      tpu.enqueue_dma source(%dma_start3A_392 : memref<25600xi32, #tpu.memory_space<hbm>>) target(%arg5 : memref<25600xi32, #tpu.memory_space<vmem>>) target_semaphore(%run_scoped3A : memref<!tpu.dma_semaphore, #tpu.memory_space<semaphore_mem>>)
      %dma_wait3A_393 = tpu.memref_slice %arg2[%mul3A_2] : memref<819200xi32, #tpu.memory_space<hbm>> -> memref<25600xi32, #tpu.memory_space<hbm>>
      %dma_wait3A_394 = tpu.memref_slice %arg2[%mul3A_2] : memref<819200xi32, #tpu.memory_space<hbm>> -> memref<25600xi32, #tpu.memory_space<hbm>>
      tpu.wait_dma2 semaphore(%run_scoped3A : memref<!tpu.dma_semaphore, #tpu.memory_space<semaphore_mem>>) src(%dma_wait3A_394 : memref<25600xi32, #tpu.memory_space<hbm>>) dst(%arg5 : memref<25600xi32, #tpu.memory_space<vmem>>)
      tpu.yield
    }) : () -> ()
    %scan3A = arith.constant 0 : i32
    %scan3A_3 = arith.constant 0 : i32
    %scan3A_4 = arith.constant 1600 : i32
    %scan3A_5 = arith.addi %scan3A_3, %scan3A_4 : i32
    %scan3A_6 = arith.constant 8 : i32
    %scan3A_7 = scf.for %scan3A_391 = %scan3A_3 to %scan3A_5 step %scan3A_6 iter_args(%scan3A_392 = %scan3A) -> (i32)  : i32 {
      %mul3A_393 = arith.constant 16 : i32
      %mul3A_394 = arith.muli %scan3A_391, %mul3A_393 : i32
      %get3A = arith.index_cast %mul3A_394 : i32 to index
      %get3A_395 = tpu.vector_load %arg5[%get3A] {strides = array<i32>} : memref<25600xi32, #tpu.memory_space<vmem>>, vector<16xi32>,
      %get3A_396 = vector.shape_cast %get3A_395 : vector<16xi32> to vector<16xi32>
      %and3A = arith.constant -1024 : i32
      %and3A_397 = vector.broadcast %and3A : i32 to vector<16xi32>
      %and3A_398 = arith.andi %get3A_396, %and3A_397 : vector<16xi32>
      %and3A_399 = arith.constant 127 : i32
      %and3A_400 = vector.broadcast %and3A_399 : i32 to vector<16xi32>
      %and3A_401 = arith.andi %get3A_396, %and3A_400 : vector<16xi32>
      %shift_left3A = arith.constant 3 : i32
      %shift_left3A_402 = vector.broadcast %shift_left3A : i32 to vector<16xi32>
      %shift_left3A_403 = arith.shli %and3A_401, %shift_left3A_402 : vector<16xi32>
      %add3A_404 = arith.addi %and3A_398, %shift_left3A_403 : vector<16xi32>
      %shift_right_arithmetic3A = arith.constant 7 : i32
      %shift_right_arithmetic3A_405 = vector.broadcast %shift_right_arithmetic3A : i32 to vector<16xi32>
      %shift_right_arithmetic3A_406 = arith.shrsi %get3A_396, %shift_right_arithmetic3A_405 : vector<16xi32>
      %and3A_407 = arith.constant 7 : i32
      %and3A_408 = vector.broadcast %and3A_407 : i32 to vector<16xi32>
      %and3A_409 = arith.andi %shift_right_arithmetic3A_406, %and3A_408 : vector<16xi32>
      %add3A_410 = arith.addi %add3A_404, %and3A_409 : vector<16xi32>
      %mul3A_411 = arith.constant 16 : i32
      %mul3A_412 = arith.muli %scan3A_391, %mul3A_411 : i32
      %swap3A = arith.index_cast %mul3A_412 : i32 to index
      %swap3A_413 = tpu.vector_load %arg5[%swap3A] {strides = array<i32>} : memref<25600xi32, #tpu.memory_space<vmem>>, vector<16xi32>,
      %swap3A_414 = vector.shape_cast %swap3A_413 : vector<16xi32> to vector<16xi32>
      %swap3A_415 = vector.shape_cast %add3A_410 : vector<16xi32> to vector<16xi32>
      tpu.vector_store %arg5[%swap3A], %swap3A_415 {strides = array<i32>} : memref<25600xi32, #tpu.memory_space<vmem>>, vector<16xi32>,
      %scan3A_416 = arith.constant 0 : i32
      %scan3A_417 = arith.constant 1 : i32
      %scan3A_418 = arith.addi %scan3A_391, %scan3A_417 : i32
      %mul3A_419 = arith.constant 16 : i32
      %mul3A_420 = arith.muli %scan3A_418, %mul3A_419 : i32
      %get3A_421 = arith.index_cast %mul3A_420 : i32 to index
      %get3A_422 = tpu.vector_load %arg5[%get3A_421] {strides = array<i32>} : memref<25600xi32, #tpu.memory_space<vmem>>, vector<16xi32>,
      %get3A_423 = vector.shape_cast %get3A_422 : vector<16xi32> to vector<16xi32>
      %and3A_424 = arith.constant -1024 : i32
      %and3A_425 = vector.broadcast %and3A_424 : i32 to vector<16xi32>
      %and3A_426 = arith.andi %get3A_423, %and3A_425 : vector<16xi32>
      %and3A_427 = arith.constant 127 : i32
      %and3A_428 = vector.broadcast %and3A_427 : i32 to vector<16xi32>
      %and3A_429 = arith.andi %get3A_423, %and3A_428 : vector<16xi32>
      %shift_left3A_430 = arith.constant 3 : i32
      %shift_left3A_431 = vector.broadcast %shift_left3A_430 : i32 to vector<16xi32>
      %shift_left3A_432 = arith.shli %and3A_429, %shift_left3A_431 : vector<16xi32>
      %add3A_433 = arith.addi %and3A_426, %shift_left3A_432 : vector<16xi32>
      %shift_right_arithmetic3A_434 = arith.constant 7 : i32
      %shift_right_arithmetic3A_435 = vector.broadcast %shift_right_arithmetic3A_434 : i32 to vector<16xi32>
      %shift_right_arithmetic3A_436 = arith.shrsi %get3A_423, %shift_right_arithmetic3A_435 : vector<16xi32>
      %and3A_437 = arith.constant 7 : i32
      %and3A_438 = vector.broadcast %and3A_437 : i32 to vector<16xi32>
      %and3A_439 = arith.andi %shift_right_arithmetic3A_436, %and3A_438 : vector<16xi32>
      %add3A_440 = arith.addi %add3A_433, %and3A_439 : vector<16xi32>
      %mul3A_441 = arith.constant 16 : i32
      %mul3A_442 = arith.muli %scan3A_418, %mul3A_441 : i32
      %swap3A_443 = arith.index_cast %mul3A_442 : i32 to index
      %swap3A_444 = tpu.vector_load %arg5[%swap3A_443] {strides = array<i32>} : memref<25600xi32, #tpu.memory_space<vmem>>, vector<16xi32>,
      %swap3A_445 = vector.shape_cast %swap3A_444 : vector<16xi32> to vector<16xi32>
      %swap3A_446 = vector.shape_cast %add3A_440 : vector<16xi32> to vector<16xi32>
      tpu.vector_store %arg5[%swap3A_443], %swap3A_446 {strides = array<i32>} : memref<25600xi32, #tpu.memory_space<vmem>>, vector<16xi32>,
      %scan3A_447 = arith.constant 0 : i32
      %scan3A_448 = arith.constant 2 : i32
      %scan3A_449 = arith.addi %scan3A_391, %scan3A_448 : i32
      %mul3A_450 = arith.constant 16 : i32
      %mul3A_451 = arith.muli %scan3A_449, %mul3A_450 : i32
      %get3A_452 = arith.index_cast %mul3A_451 : i32 to index
      %get3A_453 = tpu.vector_load %arg5[%get3A_452] {strides = array<i32>} : memref<25600xi32, #tpu.memory_space<vmem>>, vector<16xi32>,
      %get3A_454 = vector.shape_cast %get3A_453 : vector<16xi32> to vector<16xi32>
      %and3A_455 = arith.constant -1024 : i32
      %and3A_456 = vector.broadcast %and3A_455 : i32 to vector<16xi32>
      %and3A_457 = arith.andi %get3A_454, %and3A_456 : vector<16xi32>
      %and3A_458 = arith.constant 127 : i32
      %and3A_459 = vector.broadcast %and3A_458 : i32 to vector<16xi32>
      %and3A_460 = arith.andi %get3A_454, %and3A_459 : vector<16xi32>
      %shift_left3A_461 = arith.constant 3 : i32
      %shift_left3A_462 = vector.broadcast %shift_left3A_461 : i32 to vector<16xi32>
      %shift_left3A_463 = arith.shli %and3A_460, %shift_left3A_462 : vector<16xi32>
      %add3A_464 = arith.addi %and3A_457, %shift_left3A_463 : vector<16xi32>
      %shift_right_arithmetic3A_465 = arith.constant 7 : i32
      %shift_right_arithmetic3A_466 = vector.broadcast %shift_right_arithmetic3A_465 : i32 to vector<16xi32>
      %shift_right_arithmetic3A_467 = arith.shrsi %get3A_454, %shift_right_arithmetic3A_466 : vector<16xi32>
      %and3A_468 = arith.constant 7 : i32
      %and3A_469 = vector.broadcast %and3A_468 : i32 to vector<16xi32>
      %and3A_470 = arith.andi %shift_right_arithmetic3A_467, %and3A_469 : vector<16xi32>
      %add3A_471 = arith.addi %add3A_464, %and3A_470 : vector<16xi32>
      %mul3A_472 = arith.constant 16 : i32
      %mul3A_473 = arith.muli %scan3A_449, %mul3A_472 : i32
      %swap3A_474 = arith.index_cast %mul3A_473 : i32 to index
      %swap3A_475 = tpu.vector_load %arg5[%swap3A_474] {strides = array<i32>} : memref<25600xi32, #tpu.memory_space<vmem>>, vector<16xi32>,
      %swap3A_476 = vector.shape_cast %swap3A_475 : vector<16xi32> to vector<16xi32>
      %swap3A_477 = vector.shape_cast %add3A_471 : vector<16xi32> to vector<16xi32>
      tpu.vector_store %arg5[%swap3A_474], %swap3A_477 {strides = array<i32>} : memref<25600xi32, #tpu.memory_space<vmem>>, vector<16xi32>,
      %scan3A_478 = arith.constant 0 : i32
      %scan3A_479 = arith.constant 3 : i32
      %scan3A_480 = arith.addi %scan3A_391, %scan3A_479 : i32
      %mul3A_481 = arith.constant 16 : i32
      %mul3A_482 = arith.muli %scan3A_480, %mul3A_481 : i32
      %get3A_483 = arith.index_cast %mul3A_482 : i32 to index
      %get3A_484 = tpu.vector_load %arg5[%get3A_483] {strides = array<i32>} : memref<25600xi32, #tpu.memory_space<vmem>>, vector<16xi32>,
      %get3A_485 = vector.shape_cast %get3A_484 : vector<16xi32> to vector<16xi32>
      %and3A_486 = arith.constant -1024 : i32
      %and3A_487 = vector.broadcast %and3A_486 : i32 to vector<16xi32>
      %and3A_488 = arith.andi %get3A_485, %and3A_487 : vector<16xi32>
      %and3A_489 = arith.constant 127 : i32
      %and3A_490 = vector.broadcast %and3A_489 : i32 to vector<16xi32>
      %and3A_491 = arith.andi %get3A_485, %and3A_490 : vector<16xi32>
      %shift_left3A_492 = arith.constant 3 : i32
      %shift_left3A_493 = vector.broadcast %shift_left3A_492 : i32 to vector<16xi32>
      %shift_left3A_494 = arith.shli %and3A_491, %shift_left3A_493 : vector<16xi32>
      %add3A_495 = arith.addi %and3A_488, %shift_left3A_494 : vector<16xi32>
      %shift_right_arithmetic3A_496 = arith.constant 7 : i32
      %shift_right_arithmetic3A_497 = vector.broadcast %shift_right_arithmetic3A_496 : i32 to vector<16xi32>
      %shift_right_arithmetic3A_498 = arith.shrsi %get3A_485, %shift_right_arithmetic3A_497 : vector<16xi32>
      %and3A_499 = arith.constant 7 : i32
      %and3A_500 = vector.broadcast %and3A_499 : i32 to vector<16xi32>
      %and3A_501 = arith.andi %shift_right_arithmetic3A_498, %and3A_500 : vector<16xi32>
      %add3A_502 = arith.addi %add3A_495, %and3A_501 : vector<16xi32>
      %mul3A_503 = arith.constant 16 : i32
      %mul3A_504 = arith.muli %scan3A_480, %mul3A_503 : i32
      %swap3A_505 = arith.index_cast %mul3A_504 : i32 to index
      %swap3A_506 = tpu.vector_load %arg5[%swap3A_505] {strides = array<i32>} : memref<25600xi32, #tpu.memory_space<vmem>>, vector<16xi32>,
      %swap3A_507 = vector.shape_cast %swap3A_506 : vector<16xi32> to vector<16xi32>
      %swap3A_508 = vector.shape_cast %add3A_502 : vector<16xi32> to vector<16xi32>
      tpu.vector_store %arg5[%swap3A_505], %swap3A_508 {strides = array<i32>} : memref<25600xi32, #tpu.memory_space<vmem>>, vector<16xi32>,
      %scan3A_509 = arith.constant 0 : i32
      %scan3A_510 = arith.constant 4 : i32
      %scan3A_511 = arith.addi %scan3A_391, %scan3A_510 : i32
      %mul3A_512 = arith.constant 16 : i32
      %mul3A_513 = arith.muli %scan3A_511, %mul3A_512 : i32
      %get3A_514 = arith.index_cast %mul3A_513 : i32 to index
      %get3A_515 = tpu.vector_load %arg5[%get3A_514] {strides = array<i32>} : memref<25600xi32, #tpu.memory_space<vmem>>, vector<16xi32>,
      %get3A_516 = vector.shape_cast %get3A_515 : vector<16xi32> to vector<16xi32>
      %and3A_517 = arith.constant -1024 : i32
      %and3A_518 = vector.broadcast %and3A_517 : i32 to vector<16xi32>
      %and3A_519 = arith.andi %get3A_516, %and3A_518 : vector<16xi32>
      %and3A_520 = arith.constant 127 : i32
      %and3A_521 = vector.broadcast %and3A_520 : i32 to vector<16xi32>
      %and3A_522 = arith.andi %get3A_516, %and3A_521 : vector<16xi32>
      %shift_left3A_523 = arith.constant 3 : i32
      %shift_left3A_524 = vector.broadcast %shift_left3A_523 : i32 to vector<16xi32>
      %shift_left3A_525 = arith.shli %and3A_522, %shift_left3A_524 : vector<16xi32>
      %add3A_526 = arith.addi %and3A_519, %shift_left3A_525 : vector<16xi32>
      %shift_right_arithmetic3A_527 = arith.constant 7 : i32
      %shift_right_arithmetic3A_528 = vector.broadcast %shift_right_arithmetic3A_527 : i32 to vector<16xi32>
      %shift_right_arithmetic3A_529 = arith.shrsi %get3A_516, %shift_right_arithmetic3A_528 : vector<16xi32>
      %and3A_530 = arith.constant 7 : i32
      %and3A_531 = vector.broadcast %and3A_530 : i32 to vector<16xi32>
      %and3A_532 = arith.andi %shift_right_arithmetic3A_529, %and3A_531 : vector<16xi32>
      %add3A_533 = arith.addi %add3A_526, %and3A_532 : vector<16xi32>
      %mul3A_534 = arith.constant 16 : i32
      %mul3A_535 = arith.muli %scan3A_511, %mul3A_534 : i32
      %swap3A_536 = arith.index_cast %mul3A_535 : i32 to index
      %swap3A_537 = tpu.vector_load %arg5[%swap3A_536] {strides = array<i32>} : memref<25600xi32, #tpu.memory_space<vmem>>, vector<16xi32>,
      %swap3A_538 = vector.shape_cast %swap3A_537 : vector<16xi32> to vector<16xi32>
      %swap3A_539 = vector.shape_cast %add3A_533 : vector<16xi32> to vector<16xi32>
      tpu.vector_store %arg5[%swap3A_536], %swap3A_539 {strides = array<i32>} : memref<25600xi32, #tpu.memory_space<vmem>>, vector<16xi32>,
      %scan3A_540 = arith.constant 0 : i32
      %scan3A_541 = arith.constant 5 : i32
      %scan3A_542 = arith.addi %scan3A_391, %scan3A_541 : i32
      %mul3A_543 = arith.constant 16 : i32
      %mul3A_544 = arith.muli %scan3A_542, %mul3A_543 : i32
      %get3A_545 = arith.index_cast %mul3A_544 : i32 to index
      %get3A_546 = tpu.vector_load %arg5[%get3A_545] {strides = array<i32>} : memref<25600xi32, #tpu.memory_space<vmem>>, vector<16xi32>,
      %get3A_547 = vector.shape_cast %get3A_546 : vector<16xi32> to vector<16xi32>
      %and3A_548 = arith.constant -1024 : i32
      %and3A_549 = vector.broadcast %and3A_548 : i32 to vector<16xi32>
      %and3A_550 = arith.andi %get3A_547, %and3A_549 : vector<16xi32>
      %and3A_551 = arith.constant 127 : i32
      %and3A_552 = vector.broadcast %and3A_551 : i32 to vector<16xi32>
      %and3A_553 = arith.andi %get3A_547, %and3A_552 : vector<16xi32>
      %shift_left3A_554 = arith.constant 3 : i32
      %shift_left3A_555 = vector.broadcast %shift_left3A_554 : i32 to vector<16xi32>
      %shift_left3A_556 = arith.shli %and3A_553, %shift_left3A_555 : vector<16xi32>
      %add3A_557 = arith.addi %and3A_550, %shift_left3A_556 : vector<16xi32>
      %shift_right_arithmetic3A_558 = arith.constant 7 : i32
      %shift_right_arithmetic3A_559 = vector.broadcast %shift_right_arithmetic3A_558 : i32 to vector<16xi32>
      %shift_right_arithmetic3A_560 = arith.shrsi %get3A_547, %shift_right_arithmetic3A_559 : vector<16xi32>
      %and3A_561 = arith.constant 7 : i32
      %and3A_562 = vector.broadcast %and3A_561 : i32 to vector<16xi32>
      %and3A_563 = arith.andi %shift_right_arithmetic3A_560, %and3A_562 : vector<16xi32>
      %add3A_564 = arith.addi %add3A_557, %and3A_563 : vector<16xi32>
      %mul3A_565 = arith.constant 16 : i32
      %mul3A_566 = arith.muli %scan3A_542, %mul3A_565 : i32
      %swap3A_567 = arith.index_cast %mul3A_566 : i32 to index
      %swap3A_568 = tpu.vector_load %arg5[%swap3A_567] {strides = array<i32>} : memref<25600xi32, #tpu.memory_space<vmem>>, vector<16xi32>,
      %swap3A_569 = vector.shape_cast %swap3A_568 : vector<16xi32> to vector<16xi32>
      %swap3A_570 = vector.shape_cast %add3A_564 : vector<16xi32> to vector<16xi32>
      tpu.vector_store %arg5[%swap3A_567], %swap3A_570 {strides = array<i32>} : memref<25600xi32, #tpu.memory_space<vmem>>, vector<16xi32>,
      %scan3A_571 = arith.constant 0 : i32
      %scan3A_572 = arith.constant 6 : i32
      %scan3A_573 = arith.addi %scan3A_391, %scan3A_572 : i32
      %mul3A_574 = arith.constant 16 : i32
      %mul3A_575 = arith.muli %scan3A_573, %mul3A_574 : i32
      %get3A_576 = arith.index_cast %mul3A_575 : i32 to index
      %get3A_577 = tpu.vector_load %arg5[%get3A_576] {strides = array<i32>} : memref<25600xi32, #tpu.memory_space<vmem>>, vector<16xi32>,
      %get3A_578 = vector.shape_cast %get3A_577 : vector<16xi32> to vector<16xi32>
      %and3A_579 = arith.constant -1024 : i32
      %and3A_580 = vector.broadcast %and3A_579 : i32 to vector<16xi32>
      %and3A_581 = arith.andi %get3A_578, %and3A_580 : vector<16xi32>
      %and3A_582 = arith.constant 127 : i32
      %and3A_583 = vector.broadcast %and3A_582 : i32 to vector<16xi32>
      %and3A_584 = arith.andi %get3A_578, %and3A_583 : vector<16xi32>
      %shift_left3A_585 = arith.constant 3 : i32
      %shift_left3A_586 = vector.broadcast %shift_left3A_585 : i32 to vector<16xi32>
      %shift_left3A_587 = arith.shli %and3A_584, %shift_left3A_586 : vector<16xi32>
      %add3A_588 = arith.addi %and3A_581, %shift_left3A_587 : vector<16xi32>
      %shift_right_arithmetic3A_589 = arith.constant 7 : i32
      %shift_right_arithmetic3A_590 = vector.broadcast %shift_right_arithmetic3A_589 : i32 to vector<16xi32>
      %shift_right_arithmetic3A_591 = arith.shrsi %get3A_578, %shift_right_arithmetic3A_590 : vector<16xi32>
      %and3A_592 = arith.constant 7 : i32
      %and3A_593 = vector.broadcast %and3A_592 : i32 to vector<16xi32>
      %and3A_594 = arith.andi %shift_right_arithmetic3A_591, %and3A_593 : vector<16xi32>
      %add3A_595 = arith.addi %add3A_588, %and3A_594 : vector<16xi32>
      %mul3A_596 = arith.constant 16 : i32
      %mul3A_597 = arith.muli %scan3A_573, %mul3A_596 : i32
      %swap3A_598 = arith.index_cast %mul3A_597 : i32 to index
      %swap3A_599 = tpu.vector_load %arg5[%swap3A_598] {strides = array<i32>} : memref<25600xi32, #tpu.memory_space<vmem>>, vector<16xi32>,
      %swap3A_600 = vector.shape_cast %swap3A_599 : vector<16xi32> to vector<16xi32>
      %swap3A_601 = vector.shape_cast %add3A_595 : vector<16xi32> to vector<16xi32>
      tpu.vector_store %arg5[%swap3A_598], %swap3A_601 {strides = array<i32>} : memref<25600xi32, #tpu.memory_space<vmem>>, vector<16xi32>,
      %scan3A_602 = arith.constant 0 : i32
      %scan3A_603 = arith.constant 7 : i32
      %scan3A_604 = arith.addi %scan3A_391, %scan3A_603 : i32
      %mul3A_605 = arith.constant 16 : i32
      %mul3A_606 = arith.muli %scan3A_604, %mul3A_605 : i32
      %get3A_607 = arith.index_cast %mul3A_606 : i32 to index
      %get3A_608 = tpu.vector_load %arg5[%get3A_607] {strides = array<i32>} : memref<25600xi32, #tpu.memory_space<vmem>>, vector<16xi32>,
      %get3A_609 = vector.shape_cast %get3A_608 : vector<16xi32> to vector<16xi32>
      %and3A_610 = arith.constant -1024 : i32
      %and3A_611 = vector.broadcast %and3A_610 : i32 to vector<16xi32>
      %and3A_612 = arith.andi %get3A_609, %and3A_611 : vector<16xi32>
      %and3A_613 = arith.constant 127 : i32
      %and3A_614 = vector.broadcast %and3A_613 : i32 to vector<16xi32>
      %and3A_615 = arith.andi %get3A_609, %and3A_614 : vector<16xi32>
      %shift_left3A_616 = arith.constant 3 : i32
      %shift_left3A_617 = vector.broadcast %shift_left3A_616 : i32 to vector<16xi32>
      %shift_left3A_618 = arith.shli %and3A_615, %shift_left3A_617 : vector<16xi32>
      %add3A_619 = arith.addi %and3A_612, %shift_left3A_618 : vector<16xi32>
      %shift_right_arithmetic3A_620 = arith.constant 7 : i32
      %shift_right_arithmetic3A_621 = vector.broadcast %shift_right_arithmetic3A_620 : i32 to vector<16xi32>
      %shift_right_arithmetic3A_622 = arith.shrsi %get3A_609, %shift_right_arithmetic3A_621 : vector<16xi32>
      %and3A_623 = arith.constant 7 : i32
      %and3A_624 = vector.broadcast %and3A_623 : i32 to vector<16xi32>
      %and3A_625 = arith.andi %shift_right_arithmetic3A_622, %and3A_624 : vector<16xi32>
      %add3A_626 = arith.addi %add3A_619, %and3A_625 : vector<16xi32>
      %mul3A_627 = arith.constant 16 : i32
      %mul3A_628 = arith.muli %scan3A_604, %mul3A_627 : i32
      %swap3A_629 = arith.index_cast %mul3A_628 : i32 to index
      %swap3A_630 = tpu.vector_load %arg5[%swap3A_629] {strides = array<i32>} : memref<25600xi32, #tpu.memory_space<vmem>>, vector<16xi32>,
      %swap3A_631 = vector.shape_cast %swap3A_630 : vector<16xi32> to vector<16xi32>
      %swap3A_632 = vector.shape_cast %add3A_626 : vector<16xi32> to vector<16xi32>
      tpu.vector_store %arg5[%swap3A_629], %swap3A_632 {strides = array<i32>} : memref<25600xi32, #tpu.memory_space<vmem>>, vector<16xi32>,
      %scan3A_633 = arith.constant 0 : i32
      scf.yield %scan3A_633 : i32
    }
    %scan3A_8 = arith.constant 1600 : i32
    %dma_start3A = arith.constant 0 : i32
    %dma_start3A_9 = arith.constant 0 : i32
    %dma_start3A_10 = arith.constant 0 : i32
    %dma_start3A_11 = tpu.memref_slice %arg6[%dma_start3A, %dma_start3A_9, %dma_start3A_10] : memref<2x3200x16xf32, #tpu.memory_space<vmem>> -> memref<1x3200x16xf32, #tpu.memory_space<vmem>>
    %dma_start3A_12 = tpu.memref_squeeze %dma_start3A_11 : memref<1x3200x16xf32, #tpu.memory_space<vmem>> -> memref<3200x16xf32, #tpu.memory_space<vmem>>
    %dma_start3A_13 = arith.constant 0 : i32
    %dma_start3A_14 = tpu.memref_slice %arg5[%dma_start3A_13] : memref<25600xi32, #tpu.memory_space<vmem>> -> memref<3200xi32, #tpu.memory_space<vmem>>
    %dma_start3A_15 = arith.constant 0 : i32
    %dma_start3A_16 = arith.constant 0 : i32
    %dma_start3A_17 = tpu.memref_slice %arg3[%dma_start3A_15, %dma_start3A_16] : memref<1048576x16xf32, #tpu.memory_space<hbm>> -> memref<1048576x16xf32, #tpu.memory_space<hbm>>
    tpu.enqueue_indirect_dma source(%dma_start3A_17 : memref<1048576x16xf32, #tpu.memory_space<hbm>>) target(%dma_start3A_12 : memref<3200x16xf32, #tpu.memory_space<vmem>>) offsets(%dma_start3A_14 : memref<3200xi32, #tpu.memory_space<vmem>>) semaphore(%arg7 : memref<!tpu.dma_semaphore, #tpu.memory_space<semaphore_mem>>)
    %dma_start3A_18 = arith.constant 1 : i32
    %dma_start3A_19 = arith.constant 0 : i32
    %dma_start3A_20 = arith.constant 0 : i32
    %dma_start3A_21 = tpu.memref_slice %arg6[%dma_start3A_18, %dma_start3A_19, %dma_start3A_20] : memref<2x3200x16xf32, #tpu.memory_space<vmem>> -> memref<1x3200x16xf32, #tpu.memory_space<vmem>>
    %dma_start3A_22 = tpu.memref_squeeze %dma_start3A_21 : memref<1x3200x16xf32, #tpu.memory_space<vmem>> -> memref<3200x16xf32, #tpu.memory_space<vmem>>
    %dma_start3A_23 = arith.constant 3200 : i32
    %dma_start3A_24 = tpu.memref_slice %arg5[%dma_start3A_23] : memref<25600xi32, #tpu.memory_space<vmem>> -> memref<3200xi32, #tpu.memory_space<vmem>>
    %dma_start3A_25 = arith.constant 0 : i32
    %dma_start3A_26 = arith.constant 0 : i32
    %dma_start3A_27 = tpu.memref_slice %arg3[%dma_start3A_25, %dma_start3A_26] : memref<1048576x16xf32, #tpu.memory_space<hbm>> -> memref<1048576x16xf32, #tpu.memory_space<hbm>>
    tpu.enqueue_indirect_dma source(%dma_start3A_27 : memref<1048576x16xf32, #tpu.memory_space<hbm>>) target(%dma_start3A_22 : memref<3200x16xf32, #tpu.memory_space<vmem>>) offsets(%dma_start3A_24 : memref<3200xi32, #tpu.memory_space<vmem>>) semaphore(%arg8 : memref<!tpu.dma_semaphore, #tpu.memory_space<semaphore_mem>>)
    %dma_wait3A = arith.constant 0 : i32
    %dma_wait3A_28 = arith.constant 0 : i32
    %dma_wait3A_29 = arith.constant 0 : i32
    %dma_wait3A_30 = tpu.memref_slice %arg6[%dma_wait3A, %dma_wait3A_28, %dma_wait3A_29] : memref<2x3200x16xf32, #tpu.memory_space<vmem>> -> memref<1x3200x16xf32, #tpu.memory_space<vmem>>
    %dma_wait3A_31 = tpu.memref_squeeze %dma_wait3A_30 : memref<1x3200x16xf32, #tpu.memory_space<vmem>> -> memref<3200x16xf32, #tpu.memory_space<vmem>>
    %dma_wait3A_32 = arith.constant 0 : i32
    %dma_wait3A_33 = tpu.memref_slice %arg5[%dma_wait3A_32] : memref<25600xi32, #tpu.memory_space<vmem>> -> memref<3200xi32, #tpu.memory_space<vmem>>
    %dma_wait3A_34 = arith.constant 0 : i32
    %dma_wait3A_35 = arith.constant 0 : i32
    %dma_wait3A_36 = tpu.memref_slice %arg3[%dma_wait3A_34, %dma_wait3A_35] : memref<1048576x16xf32, #tpu.memory_space<hbm>> -> memref<1048576x16xf32, #tpu.memory_space<hbm>>
    tpu.wait_indirect_dma semaphore(%arg7 : memref<!tpu.dma_semaphore, #tpu.memory_space<semaphore_mem>>) src(%dma_wait3A_36 : memref<1048576x16xf32, #tpu.memory_space<hbm>>) dst(%dma_wait3A_31 : memref<3200x16xf32, #tpu.memory_space<vmem>>)
    %add3A_37 = arith.constant 0 : i32
    %add3A_38 = arith.addi %mul3A_2, %add3A_37 : i32
    %dma_start3A_39 = arith.constant 0 : i32
    %dma_start3A_40 = arith.constant 0 : i32
    %dma_start3A_41 = arith.constant 0 : i32
    %dma_start3A_42 = tpu.memref_slice %arg6[%dma_start3A_39, %dma_start3A_40, %dma_start3A_41] : memref<2x3200x16xf32, #tpu.memory_space<vmem>> -> memref<1x3200x16xf32, #tpu.memory_space<vmem>>
    %dma_start3A_43 = tpu.memref_squeeze %dma_start3A_42 : memref<1x3200x16xf32, #tpu.memory_space<vmem>> -> memref<3200x16xf32, #tpu.memory_space<vmem>>
    %dma_start3A_44 = arith.constant 0 : i32
    %dma_start3A_45 = tpu.memref_slice %arg4[%add3A_38, %dma_start3A_44] : memref<819200x16xf32, #tpu.memory_space<hbm>> -> memref<3200x16xf32, #tpu.memory_space<hbm>>
    %dma_start3A_46 = arith.constant 0 : i32
    %dma_start3A_47 = tpu.memref_slice %arg4[%add3A_38, %dma_start3A_46] : memref<819200x16xf32, #tpu.memory_space<hbm>> -> memref<3200x16xf32, #tpu.memory_space<hbm>>
    %dma_start3A_48 = arith.constant 0 : i32
    %dma_start3A_49 = arith.constant 0 : i32
    %dma_start3A_50 = tpu.memref_slice %arg6[%dma_start3A_39, %dma_start3A_48, %dma_start3A_49] : memref<2x3200x16xf32, #tpu.memory_space<vmem>> -> memref<1x3200x16xf32, #tpu.memory_space<vmem>>
    %dma_start3A_51 = tpu.memref_squeeze %dma_start3A_50 : memref<1x3200x16xf32, #tpu.memory_space<vmem>> -> memref<3200x16xf32, #tpu.memory_space<vmem>>
    tpu.enqueue_dma source(%dma_start3A_51 : memref<3200x16xf32, #tpu.memory_space<vmem>>) target(%dma_start3A_47 : memref<3200x16xf32, #tpu.memory_space<hbm>>) target_semaphore(%arg9 : memref<!tpu.dma_semaphore, #tpu.memory_space<semaphore_mem>>)
    %dma_wait3A_52 = arith.constant 0 : i32
    %dma_wait3A_53 = arith.constant 0 : i32
    %dma_wait3A_54 = arith.constant 0 : i32
    %dma_wait3A_55 = tpu.memref_slice %arg6[%dma_wait3A_52, %dma_wait3A_53, %dma_wait3A_54] : memref<2x3200x16xf32, #tpu.memory_space<vmem>> -> memref<1x3200x16xf32, #tpu.memory_space<vmem>>
    %dma_wait3A_56 = tpu.memref_squeeze %dma_wait3A_55 : memref<1x3200x16xf32, #tpu.memory_space<vmem>> -> memref<3200x16xf32, #tpu.memory_space<vmem>>
    %dma_wait3A_57 = arith.constant 0 : i32
    %dma_wait3A_58 = tpu.memref_slice %arg4[%add3A_38, %dma_wait3A_57] : memref<819200x16xf32, #tpu.memory_space<hbm>> -> memref<3200x16xf32, #tpu.memory_space<hbm>>
    %dma_wait3A_59 = arith.constant 0 : i32
    %dma_wait3A_60 = tpu.memref_slice %arg4[%add3A_38, %dma_wait3A_59] : memref<819200x16xf32, #tpu.memory_space<hbm>> -> memref<3200x16xf32, #tpu.memory_space<hbm>>
    %dma_wait3A_61 = arith.constant 0 : i32
    %dma_wait3A_62 = arith.constant 0 : i32
    %dma_wait3A_63 = tpu.memref_slice %arg6[%dma_wait3A_52, %dma_wait3A_61, %dma_wait3A_62] : memref<2x3200x16xf32, #tpu.memory_space<vmem>> -> memref<1x3200x16xf32, #tpu.memory_space<vmem>>
    %dma_wait3A_64 = tpu.memref_squeeze %dma_wait3A_63 : memref<1x3200x16xf32, #tpu.memory_space<vmem>> -> memref<3200x16xf32, #tpu.memory_space<vmem>>
    tpu.wait_dma2 semaphore(%arg9 : memref<!tpu.dma_semaphore, #tpu.memory_space<semaphore_mem>>) src(%dma_wait3A_64 : memref<3200x16xf32, #tpu.memory_space<vmem>>) dst(%dma_wait3A_60 : memref<3200x16xf32, #tpu.memory_space<hbm>>)
    %dma_start3A_65 = arith.constant 0 : i32
    %dma_start3A_66 = arith.constant 0 : i32
    %dma_start3A_67 = arith.constant 0 : i32
    %dma_start3A_68 = tpu.memref_slice %arg6[%dma_start3A_65, %dma_start3A_66, %dma_start3A_67] : memref<2x3200x16xf32, #tpu.memory_space<vmem>> -> memref<1x3200x16xf32, #tpu.memory_space<vmem>>
    %dma_start3A_69 = tpu.memref_squeeze %dma_start3A_68 : memref<1x3200x16xf32, #tpu.memory_space<vmem>> -> memref<3200x16xf32, #tpu.memory_space<vmem>>
    %dma_start3A_70 = arith.constant 6400 : i32
    %dma_start3A_71 = tpu.memref_slice %arg5[%dma_start3A_70] : memref<25600xi32, #tpu.memory_space<vmem>> -> memref<3200xi32, #tpu.memory_space<vmem>>
    %dma_start3A_72 = arith.constant 0 : i32
    %dma_start3A_73 = arith.constant 0 : i32
    %dma_start3A_74 = tpu.memref_slice %arg3[%dma_start3A_72, %dma_start3A_73] : memref<1048576x16xf32, #tpu.memory_space<hbm>> -> memref<1048576x16xf32, #tpu.memory_space<hbm>>
    tpu.enqueue_indirect_dma source(%dma_start3A_74 : memref<1048576x16xf32, #tpu.memory_space<hbm>>) target(%dma_start3A_69 : memref<3200x16xf32, #tpu.memory_space<vmem>>) offsets(%dma_start3A_71 : memref<3200xi32, #tpu.memory_space<vmem>>) semaphore(%arg7 : memref<!tpu.dma_semaphore, #tpu.memory_space<semaphore_mem>>)
    %dma_wait3A_75 = arith.constant 1 : i32
    %dma_wait3A_76 = arith.constant 0 : i32
    %dma_wait3A_77 = arith.constant 0 : i32
    %dma_wait3A_78 = tpu.memref_slice %arg6[%dma_wait3A_75, %dma_wait3A_76, %dma_wait3A_77] : memref<2x3200x16xf32, #tpu.memory_space<vmem>> -> memref<1x3200x16xf32, #tpu.memory_space<vmem>>
    %dma_wait3A_79 = tpu.memref_squeeze %dma_wait3A_78 : memref<1x3200x16xf32, #tpu.memory_space<vmem>> -> memref<3200x16xf32, #tpu.memory_space<vmem>>
    %dma_wait3A_80 = arith.constant 3200 : i32
    %dma_wait3A_81 = tpu.memref_slice %arg5[%dma_wait3A_80] : memref<25600xi32, #tpu.memory_space<vmem>> -> memref<3200xi32, #tpu.memory_space<vmem>>
    %dma_wait3A_82 = arith.constant 0 : i32
    %dma_wait3A_83 = arith.constant 0 : i32
    %dma_wait3A_84 = tpu.memref_slice %arg3[%dma_wait3A_82, %dma_wait3A_83] : memref<1048576x16xf32, #tpu.memory_space<hbm>> -> memref<1048576x16xf32, #tpu.memory_space<hbm>>
    tpu.wait_indirect_dma semaphore(%arg8 : memref<!tpu.dma_semaphore, #tpu.memory_space<semaphore_mem>>) src(%dma_wait3A_84 : memref<1048576x16xf32, #tpu.memory_space<hbm>>) dst(%dma_wait3A_79 : memref<3200x16xf32, #tpu.memory_space<vmem>>)
    %add3A_85 = arith.constant 3200 : i32
    %add3A_86 = arith.addi %mul3A_2, %add3A_85 : i32
    %dma_start3A_87 = arith.constant 1 : i32
    %dma_start3A_88 = arith.constant 0 : i32
    %dma_start3A_89 = arith.constant 0 : i32
    %dma_start3A_90 = tpu.memref_slice %arg6[%dma_start3A_87, %dma_start3A_88, %dma_start3A_89] : memref<2x3200x16xf32, #tpu.memory_space<vmem>> -> memref<1x3200x16xf32, #tpu.memory_space<vmem>>
    %dma_start3A_91 = tpu.memref_squeeze %dma_start3A_90 : memref<1x3200x16xf32, #tpu.memory_space<vmem>> -> memref<3200x16xf32, #tpu.memory_space<vmem>>
    %dma_start3A_92 = arith.constant 0 : i32
    %dma_start3A_93 = tpu.memref_slice %arg4[%add3A_86, %dma_start3A_92] : memref<819200x16xf32, #tpu.memory_space<hbm>> -> memref<3200x16xf32, #tpu.memory_space<hbm>>
    %dma_start3A_94 = arith.constant 0 : i32
    %dma_start3A_95 = tpu.memref_slice %arg4[%add3A_86, %dma_start3A_94] : memref<819200x16xf32, #tpu.memory_space<hbm>> -> memref<3200x16xf32, #tpu.memory_space<hbm>>
    %dma_start3A_96 = arith.constant 0 : i32
    %dma_start3A_97 = arith.constant 0 : i32
    %dma_start3A_98 = tpu.memref_slice %arg6[%dma_start3A_87, %dma_start3A_96, %dma_start3A_97] : memref<2x3200x16xf32, #tpu.memory_space<vmem>> -> memref<1x3200x16xf32, #tpu.memory_space<vmem>>
    %dma_start3A_99 = tpu.memref_squeeze %dma_start3A_98 : memref<1x3200x16xf32, #tpu.memory_space<vmem>> -> memref<3200x16xf32, #tpu.memory_space<vmem>>
    tpu.enqueue_dma source(%dma_start3A_99 : memref<3200x16xf32, #tpu.memory_space<vmem>>) target(%dma_start3A_95 : memref<3200x16xf32, #tpu.memory_space<hbm>>) target_semaphore(%arg10 : memref<!tpu.dma_semaphore, #tpu.memory_space<semaphore_mem>>)
    %dma_wait3A_100 = arith.constant 1 : i32
    %dma_wait3A_101 = arith.constant 0 : i32
    %dma_wait3A_102 = arith.constant 0 : i32
    %dma_wait3A_103 = tpu.memref_slice %arg6[%dma_wait3A_100, %dma_wait3A_101, %dma_wait3A_102] : memref<2x3200x16xf32, #tpu.memory_space<vmem>> -> memref<1x3200x16xf32, #tpu.memory_space<vmem>>
    %dma_wait3A_104 = tpu.memref_squeeze %dma_wait3A_103 : memref<1x3200x16xf32, #tpu.memory_space<vmem>> -> memref<3200x16xf32, #tpu.memory_space<vmem>>
    %dma_wait3A_105 = arith.constant 0 : i32
    %dma_wait3A_106 = tpu.memref_slice %arg4[%add3A_86, %dma_wait3A_105] : memref<819200x16xf32, #tpu.memory_space<hbm>> -> memref<3200x16xf32, #tpu.memory_space<hbm>>
    %dma_wait3A_107 = arith.constant 0 : i32
    %dma_wait3A_108 = tpu.memref_slice %arg4[%add3A_86, %dma_wait3A_107] : memref<819200x16xf32, #tpu.memory_space<hbm>> -> memref<3200x16xf32, #tpu.memory_space<hbm>>
    %dma_wait3A_109 = arith.constant 0 : i32
    %dma_wait3A_110 = arith.constant 0 : i32
    %dma_wait3A_111 = tpu.memref_slice %arg6[%dma_wait3A_100, %dma_wait3A_109, %dma_wait3A_110] : memref<2x3200x16xf32, #tpu.memory_space<vmem>> -> memref<1x3200x16xf32, #tpu.memory_space<vmem>>
    %dma_wait3A_112 = tpu.memref_squeeze %dma_wait3A_111 : memref<1x3200x16xf32, #tpu.memory_space<vmem>> -> memref<3200x16xf32, #tpu.memory_space<vmem>>
    tpu.wait_dma2 semaphore(%arg10 : memref<!tpu.dma_semaphore, #tpu.memory_space<semaphore_mem>>) src(%dma_wait3A_112 : memref<3200x16xf32, #tpu.memory_space<vmem>>) dst(%dma_wait3A_108 : memref<3200x16xf32, #tpu.memory_space<hbm>>)
    %dma_start3A_113 = arith.constant 1 : i32
    %dma_start3A_114 = arith.constant 0 : i32
    %dma_start3A_115 = arith.constant 0 : i32
    %dma_start3A_116 = tpu.memref_slice %arg6[%dma_start3A_113, %dma_start3A_114, %dma_start3A_115] : memref<2x3200x16xf32, #tpu.memory_space<vmem>> -> memref<1x3200x16xf32, #tpu.memory_space<vmem>>
    %dma_start3A_117 = tpu.memref_squeeze %dma_start3A_116 : memref<1x3200x16xf32, #tpu.memory_space<vmem>> -> memref<3200x16xf32, #tpu.memory_space<vmem>>
    %dma_start3A_118 = arith.constant 9600 : i32
    %dma_start3A_119 = tpu.memref_slice %arg5[%dma_start3A_118] : memref<25600xi32, #tpu.memory_space<vmem>> -> memref<3200xi32, #tpu.memory_space<vmem>>
    %dma_start3A_120 = arith.constant 0 : i32
    %dma_start3A_121 = arith.constant 0 : i32
    %dma_start3A_122 = tpu.memref_slice %arg3[%dma_start3A_120, %dma_start3A_121] : memref<1048576x16xf32, #tpu.memory_space<hbm>> -> memref<1048576x16xf32, #tpu.memory_space<hbm>>
    tpu.enqueue_indirect_dma source(%dma_start3A_122 : memref<1048576x16xf32, #tpu.memory_space<hbm>>) target(%dma_start3A_117 : memref<3200x16xf32, #tpu.memory_space<vmem>>) offsets(%dma_start3A_119 : memref<3200xi32, #tpu.memory_space<vmem>>) semaphore(%arg8 : memref<!tpu.dma_semaphore, #tpu.memory_space<semaphore_mem>>)
    %dma_wait3A_123 = arith.constant 0 : i32
    %dma_wait3A_124 = arith.constant 0 : i32
    %dma_wait3A_125 = arith.constant 0 : i32
    %dma_wait3A_126 = tpu.memref_slice %arg6[%dma_wait3A_123, %dma_wait3A_124, %dma_wait3A_125] : memref<2x3200x16xf32, #tpu.memory_space<vmem>> -> memref<1x3200x16xf32, #tpu.memory_space<vmem>>
    %dma_wait3A_127 = tpu.memref_squeeze %dma_wait3A_126 : memref<1x3200x16xf32, #tpu.memory_space<vmem>> -> memref<3200x16xf32, #tpu.memory_space<vmem>>
    %dma_wait3A_128 = arith.constant 6400 : i32
    %dma_wait3A_129 = tpu.memref_slice %arg5[%dma_wait3A_128] : memref<25600xi32, #tpu.memory_space<vmem>> -> memref<3200xi32, #tpu.memory_space<vmem>>
    %dma_wait3A_130 = arith.constant 0 : i32
    %dma_wait3A_131 = arith.constant 0 : i32
    %dma_wait3A_132 = tpu.memref_slice %arg3[%dma_wait3A_130, %dma_wait3A_131] : memref<1048576x16xf32, #tpu.memory_space<hbm>> -> memref<1048576x16xf32, #tpu.memory_space<hbm>>
    tpu.wait_indirect_dma semaphore(%arg7 : memref<!tpu.dma_semaphore, #tpu.memory_space<semaphore_mem>>) src(%dma_wait3A_132 : memref<1048576x16xf32, #tpu.memory_space<hbm>>) dst(%dma_wait3A_127 : memref<3200x16xf32, #tpu.memory_space<vmem>>)
    %add3A_133 = arith.constant 6400 : i32
    %add3A_134 = arith.addi %mul3A_2, %add3A_133 : i32
    %dma_start3A_135 = arith.constant 0 : i32
    %dma_start3A_136 = arith.constant 0 : i32
    %dma_start3A_137 = arith.constant 0 : i32
    %dma_start3A_138 = tpu.memref_slice %arg6[%dma_start3A_135, %dma_start3A_136, %dma_start3A_137] : memref<2x3200x16xf32, #tpu.memory_space<vmem>> -> memref<1x3200x16xf32, #tpu.memory_space<vmem>>
    %dma_start3A_139 = tpu.memref_squeeze %dma_start3A_138 : memref<1x3200x16xf32, #tpu.memory_space<vmem>> -> memref<3200x16xf32, #tpu.memory_space<vmem>>
    %dma_start3A_140 = arith.constant 0 : i32
    %dma_start3A_141 = tpu.memref_slice %arg4[%add3A_134, %dma_start3A_140] : memref<819200x16xf32, #tpu.memory_space<hbm>> -> memref<3200x16xf32, #tpu.memory_space<hbm>>
    %dma_start3A_142 = arith.constant 0 : i32
    %dma_start3A_143 = tpu.memref_slice %arg4[%add3A_134, %dma_start3A_142] : memref<819200x16xf32, #tpu.memory_space<hbm>> -> memref<3200x16xf32, #tpu.memory_space<hbm>>
    %dma_start3A_144 = arith.constant 0 : i32
    %dma_start3A_145 = arith.constant 0 : i32
    %dma_start3A_146 = tpu.memref_slice %arg6[%dma_start3A_135, %dma_start3A_144, %dma_start3A_145] : memref<2x3200x16xf32, #tpu.memory_space<vmem>> -> memref<1x3200x16xf32, #tpu.memory_space<vmem>>
    %dma_start3A_147 = tpu.memref_squeeze %dma_start3A_146 : memref<1x3200x16xf32, #tpu.memory_space<vmem>> -> memref<3200x16xf32, #tpu.memory_space<vmem>>
    tpu.enqueue_dma source(%dma_start3A_147 : memref<3200x16xf32, #tpu.memory_space<vmem>>) target(%dma_start3A_143 : memref<3200x16xf32, #tpu.memory_space<hbm>>) target_semaphore(%arg9 : memref<!tpu.dma_semaphore, #tpu.memory_space<semaphore_mem>>)
    %dma_wait3A_148 = arith.constant 0 : i32
    %dma_wait3A_149 = arith.constant 0 : i32
    %dma_wait3A_150 = arith.constant 0 : i32
    %dma_wait3A_151 = tpu.memref_slice %arg6[%dma_wait3A_148, %dma_wait3A_149, %dma_wait3A_150] : memref<2x3200x16xf32, #tpu.memory_space<vmem>> -> memref<1x3200x16xf32, #tpu.memory_space<vmem>>
    %dma_wait3A_152 = tpu.memref_squeeze %dma_wait3A_151 : memref<1x3200x16xf32, #tpu.memory_space<vmem>> -> memref<3200x16xf32, #tpu.memory_space<vmem>>
    %dma_wait3A_153 = arith.constant 0 : i32
    %dma_wait3A_154 = tpu.memref_slice %arg4[%add3A_134, %dma_wait3A_153] : memref<819200x16xf32, #tpu.memory_space<hbm>> -> memref<3200x16xf32, #tpu.memory_space<hbm>>
    %dma_wait3A_155 = arith.constant 0 : i32
    %dma_wait3A_156 = tpu.memref_slice %arg4[%add3A_134, %dma_wait3A_155] : memref<819200x16xf32, #tpu.memory_space<hbm>> -> memref<3200x16xf32, #tpu.memory_space<hbm>>
    %dma_wait3A_157 = arith.constant 0 : i32
    %dma_wait3A_158 = arith.constant 0 : i32
    %dma_wait3A_159 = tpu.memref_slice %arg6[%dma_wait3A_148, %dma_wait3A_157, %dma_wait3A_158] : memref<2x3200x16xf32, #tpu.memory_space<vmem>> -> memref<1x3200x16xf32, #tpu.memory_space<vmem>>
    %dma_wait3A_160 = tpu.memref_squeeze %dma_wait3A_159 : memref<1x3200x16xf32, #tpu.memory_space<vmem>> -> memref<3200x16xf32, #tpu.memory_space<vmem>>
    tpu.wait_dma2 semaphore(%arg9 : memref<!tpu.dma_semaphore, #tpu.memory_space<semaphore_mem>>) src(%dma_wait3A_160 : memref<3200x16xf32, #tpu.memory_space<vmem>>) dst(%dma_wait3A_156 : memref<3200x16xf32, #tpu.memory_space<hbm>>)
    %dma_start3A_161 = arith.constant 0 : i32
    %dma_start3A_162 = arith.constant 0 : i32
    %dma_start3A_163 = arith.constant 0 : i32
    %dma_start3A_164 = tpu.memref_slice %arg6[%dma_start3A_161, %dma_start3A_162, %dma_start3A_163] : memref<2x3200x16xf32, #tpu.memory_space<vmem>> -> memref<1x3200x16xf32, #tpu.memory_space<vmem>>
    %dma_start3A_165 = tpu.memref_squeeze %dma_start3A_164 : memref<1x3200x16xf32, #tpu.memory_space<vmem>> -> memref<3200x16xf32, #tpu.memory_space<vmem>>
    %dma_start3A_166 = arith.constant 12800 : i32
    %dma_start3A_167 = tpu.memref_slice %arg5[%dma_start3A_166] : memref<25600xi32, #tpu.memory_space<vmem>> -> memref<3200xi32, #tpu.memory_space<vmem>>
    %dma_start3A_168 = arith.constant 0 : i32
    %dma_start3A_169 = arith.constant 0 : i32
    %dma_start3A_170 = tpu.memref_slice %arg3[%dma_start3A_168, %dma_start3A_169] : memref<1048576x16xf32, #tpu.memory_space<hbm>> -> memref<1048576x16xf32, #tpu.memory_space<hbm>>
    tpu.enqueue_indirect_dma source(%dma_start3A_170 : memref<1048576x16xf32, #tpu.memory_space<hbm>>) target(%dma_start3A_165 : memref<3200x16xf32, #tpu.memory_space<vmem>>) offsets(%dma_start3A_167 : memref<3200xi32, #tpu.memory_space<vmem>>) semaphore(%arg7 : memref<!tpu.dma_semaphore, #tpu.memory_space<semaphore_mem>>)
    %dma_wait3A_171 = arith.constant 1 : i32
    %dma_wait3A_172 = arith.constant 0 : i32
    %dma_wait3A_173 = arith.constant 0 : i32
    %dma_wait3A_174 = tpu.memref_slice %arg6[%dma_wait3A_171, %dma_wait3A_172, %dma_wait3A_173] : memref<2x3200x16xf32, #tpu.memory_space<vmem>> -> memref<1x3200x16xf32, #tpu.memory_space<vmem>>
    %dma_wait3A_175 = tpu.memref_squeeze %dma_wait3A_174 : memref<1x3200x16xf32, #tpu.memory_space<vmem>> -> memref<3200x16xf32, #tpu.memory_space<vmem>>
    %dma_wait3A_176 = arith.constant 9600 : i32
    %dma_wait3A_177 = tpu.memref_slice %arg5[%dma_wait3A_176] : memref<25600xi32, #tpu.memory_space<vmem>> -> memref<3200xi32, #tpu.memory_space<vmem>>
    %dma_wait3A_178 = arith.constant 0 : i32
    %dma_wait3A_179 = arith.constant 0 : i32
    %dma_wait3A_180 = tpu.memref_slice %arg3[%dma_wait3A_178, %dma_wait3A_179] : memref<1048576x16xf32, #tpu.memory_space<hbm>> -> memref<1048576x16xf32, #tpu.memory_space<hbm>>
    tpu.wait_indirect_dma semaphore(%arg8 : memref<!tpu.dma_semaphore, #tpu.memory_space<semaphore_mem>>) src(%dma_wait3A_180 : memref<1048576x16xf32, #tpu.memory_space<hbm>>) dst(%dma_wait3A_175 : memref<3200x16xf32, #tpu.memory_space<vmem>>)
    %add3A_181 = arith.constant 9600 : i32
    %add3A_182 = arith.addi %mul3A_2, %add3A_181 : i32
    %dma_start3A_183 = arith.constant 1 : i32
    %dma_start3A_184 = arith.constant 0 : i32
    %dma_start3A_185 = arith.constant 0 : i32
    %dma_start3A_186 = tpu.memref_slice %arg6[%dma_start3A_183, %dma_start3A_184, %dma_start3A_185] : memref<2x3200x16xf32, #tpu.memory_space<vmem>> -> memref<1x3200x16xf32, #tpu.memory_space<vmem>>
    %dma_start3A_187 = tpu.memref_squeeze %dma_start3A_186 : memref<1x3200x16xf32, #tpu.memory_space<vmem>> -> memref<3200x16xf32, #tpu.memory_space<vmem>>
    %dma_start3A_188 = arith.constant 0 : i32
    %dma_start3A_189 = tpu.memref_slice %arg4[%add3A_182, %dma_start3A_188] : memref<819200x16xf32, #tpu.memory_space<hbm>> -> memref<3200x16xf32, #tpu.memory_space<hbm>>
    %dma_start3A_190 = arith.constant 0 : i32
    %dma_start3A_191 = tpu.memref_slice %arg4[%add3A_182, %dma_start3A_190] : memref<819200x16xf32, #tpu.memory_space<hbm>> -> memref<3200x16xf32, #tpu.memory_space<hbm>>
    %dma_start3A_192 = arith.constant 0 : i32
    %dma_start3A_193 = arith.constant 0 : i32
    %dma_start3A_194 = tpu.memref_slice %arg6[%dma_start3A_183, %dma_start3A_192, %dma_start3A_193] : memref<2x3200x16xf32, #tpu.memory_space<vmem>> -> memref<1x3200x16xf32, #tpu.memory_space<vmem>>
    %dma_start3A_195 = tpu.memref_squeeze %dma_start3A_194 : memref<1x3200x16xf32, #tpu.memory_space<vmem>> -> memref<3200x16xf32, #tpu.memory_space<vmem>>
    tpu.enqueue_dma source(%dma_start3A_195 : memref<3200x16xf32, #tpu.memory_space<vmem>>) target(%dma_start3A_191 : memref<3200x16xf32, #tpu.memory_space<hbm>>) target_semaphore(%arg10 : memref<!tpu.dma_semaphore, #tpu.memory_space<semaphore_mem>>)
    %dma_wait3A_196 = arith.constant 1 : i32
    %dma_wait3A_197 = arith.constant 0 : i32
    %dma_wait3A_198 = arith.constant 0 : i32
    %dma_wait3A_199 = tpu.memref_slice %arg6[%dma_wait3A_196, %dma_wait3A_197, %dma_wait3A_198] : memref<2x3200x16xf32, #tpu.memory_space<vmem>> -> memref<1x3200x16xf32, #tpu.memory_space<vmem>>
    %dma_wait3A_200 = tpu.memref_squeeze %dma_wait3A_199 : memref<1x3200x16xf32, #tpu.memory_space<vmem>> -> memref<3200x16xf32, #tpu.memory_space<vmem>>
    %dma_wait3A_201 = arith.constant 0 : i32
    %dma_wait3A_202 = tpu.memref_slice %arg4[%add3A_182, %dma_wait3A_201] : memref<819200x16xf32, #tpu.memory_space<hbm>> -> memref<3200x16xf32, #tpu.memory_space<hbm>>
    %dma_wait3A_203 = arith.constant 0 : i32
    %dma_wait3A_204 = tpu.memref_slice %arg4[%add3A_182, %dma_wait3A_203] : memref<819200x16xf32, #tpu.memory_space<hbm>> -> memref<3200x16xf32, #tpu.memory_space<hbm>>
    %dma_wait3A_205 = arith.constant 0 : i32
    %dma_wait3A_206 = arith.constant 0 : i32
    %dma_wait3A_207 = tpu.memref_slice %arg6[%dma_wait3A_196, %dma_wait3A_205, %dma_wait3A_206] : memref<2x3200x16xf32, #tpu.memory_space<vmem>> -> memref<1x3200x16xf32, #tpu.memory_space<vmem>>
    %dma_wait3A_208 = tpu.memref_squeeze %dma_wait3A_207 : memref<1x3200x16xf32, #tpu.memory_space<vmem>> -> memref<3200x16xf32, #tpu.memory_space<vmem>>
    tpu.wait_dma2 semaphore(%arg10 : memref<!tpu.dma_semaphore, #tpu.memory_space<semaphore_mem>>) src(%dma_wait3A_208 : memref<3200x16xf32, #tpu.memory_space<vmem>>) dst(%dma_wait3A_204 : memref<3200x16xf32, #tpu.memory_space<hbm>>)
    %dma_start3A_209 = arith.constant 1 : i32
    %dma_start3A_210 = arith.constant 0 : i32
    %dma_start3A_211 = arith.constant 0 : i32
    %dma_start3A_212 = tpu.memref_slice %arg6[%dma_start3A_209, %dma_start3A_210, %dma_start3A_211] : memref<2x3200x16xf32, #tpu.memory_space<vmem>> -> memref<1x3200x16xf32, #tpu.memory_space<vmem>>
    %dma_start3A_213 = tpu.memref_squeeze %dma_start3A_212 : memref<1x3200x16xf32, #tpu.memory_space<vmem>> -> memref<3200x16xf32, #tpu.memory_space<vmem>>
    %dma_start3A_214 = arith.constant 16000 : i32
    %dma_start3A_215 = tpu.memref_slice %arg5[%dma_start3A_214] : memref<25600xi32, #tpu.memory_space<vmem>> -> memref<3200xi32, #tpu.memory_space<vmem>>
    %dma_start3A_216 = arith.constant 0 : i32
    %dma_start3A_217 = arith.constant 0 : i32
    %dma_start3A_218 = tpu.memref_slice %arg3[%dma_start3A_216, %dma_start3A_217] : memref<1048576x16xf32, #tpu.memory_space<hbm>> -> memref<1048576x16xf32, #tpu.memory_space<hbm>>
    tpu.enqueue_indirect_dma source(%dma_start3A_218 : memref<1048576x16xf32, #tpu.memory_space<hbm>>) target(%dma_start3A_213 : memref<3200x16xf32, #tpu.memory_space<vmem>>) offsets(%dma_start3A_215 : memref<3200xi32, #tpu.memory_space<vmem>>) semaphore(%arg8 : memref<!tpu.dma_semaphore, #tpu.memory_space<semaphore_mem>>)
    %dma_wait3A_219 = arith.constant 0 : i32
    %dma_wait3A_220 = arith.constant 0 : i32
    %dma_wait3A_221 = arith.constant 0 : i32
    %dma_wait3A_222 = tpu.memref_slice %arg6[%dma_wait3A_219, %dma_wait3A_220, %dma_wait3A_221] : memref<2x3200x16xf32, #tpu.memory_space<vmem>> -> memref<1x3200x16xf32, #tpu.memory_space<vmem>>
    %dma_wait3A_223 = tpu.memref_squeeze %dma_wait3A_222 : memref<1x3200x16xf32, #tpu.memory_space<vmem>> -> memref<3200x16xf32, #tpu.memory_space<vmem>>
    %dma_wait3A_224 = arith.constant 12800 : i32
    %dma_wait3A_225 = tpu.memref_slice %arg5[%dma_wait3A_224] : memref<25600xi32, #tpu.memory_space<vmem>> -> memref<3200xi32, #tpu.memory_space<vmem>>
    %dma_wait3A_226 = arith.constant 0 : i32
    %dma_wait3A_227 = arith.constant 0 : i32
    %dma_wait3A_228 = tpu.memref_slice %arg3[%dma_wait3A_226, %dma_wait3A_227] : memref<1048576x16xf32, #tpu.memory_space<hbm>> -> memref<1048576x16xf32, #tpu.memory_space<hbm>>
    tpu.wait_indirect_dma semaphore(%arg7 : memref<!tpu.dma_semaphore, #tpu.memory_space<semaphore_mem>>) src(%dma_wait3A_228 : memref<1048576x16xf32, #tpu.memory_space<hbm>>) dst(%dma_wait3A_223 : memref<3200x16xf32, #tpu.memory_space<vmem>>)
    %add3A_229 = arith.constant 12800 : i32
    %add3A_230 = arith.addi %mul3A_2, %add3A_229 : i32
    %dma_start3A_231 = arith.constant 0 : i32
    %dma_start3A_232 = arith.constant 0 : i32
    %dma_start3A_233 = arith.constant 0 : i32
    %dma_start3A_234 = tpu.memref_slice %arg6[%dma_start3A_231, %dma_start3A_232, %dma_start3A_233] : memref<2x3200x16xf32, #tpu.memory_space<vmem>> -> memref<1x3200x16xf32, #tpu.memory_space<vmem>>
    %dma_start3A_235 = tpu.memref_squeeze %dma_start3A_234 : memref<1x3200x16xf32, #tpu.memory_space<vmem>> -> memref<3200x16xf32, #tpu.memory_space<vmem>>
    %dma_start3A_236 = arith.constant 0 : i32
    %dma_start3A_237 = tpu.memref_slice %arg4[%add3A_230, %dma_start3A_236] : memref<819200x16xf32, #tpu.memory_space<hbm>> -> memref<3200x16xf32, #tpu.memory_space<hbm>>
    %dma_start3A_238 = arith.constant 0 : i32
    %dma_start3A_239 = tpu.memref_slice %arg4[%add3A_230, %dma_start3A_238] : memref<819200x16xf32, #tpu.memory_space<hbm>> -> memref<3200x16xf32, #tpu.memory_space<hbm>>
    %dma_start3A_240 = arith.constant 0 : i32
    %dma_start3A_241 = arith.constant 0 : i32
    %dma_start3A_242 = tpu.memref_slice %arg6[%dma_start3A_231, %dma_start3A_240, %dma_start3A_241] : memref<2x3200x16xf32, #tpu.memory_space<vmem>> -> memref<1x3200x16xf32, #tpu.memory_space<vmem>>
    %dma_start3A_243 = tpu.memref_squeeze %dma_start3A_242 : memref<1x3200x16xf32, #tpu.memory_space<vmem>> -> memref<3200x16xf32, #tpu.memory_space<vmem>>
    tpu.enqueue_dma source(%dma_start3A_243 : memref<3200x16xf32, #tpu.memory_space<vmem>>) target(%dma_start3A_239 : memref<3200x16xf32, #tpu.memory_space<hbm>>) target_semaphore(%arg9 : memref<!tpu.dma_semaphore, #tpu.memory_space<semaphore_mem>>)
    %dma_wait3A_244 = arith.constant 0 : i32
    %dma_wait3A_245 = arith.constant 0 : i32
    %dma_wait3A_246 = arith.constant 0 : i32
    %dma_wait3A_247 = tpu.memref_slice %arg6[%dma_wait3A_244, %dma_wait3A_245, %dma_wait3A_246] : memref<2x3200x16xf32, #tpu.memory_space<vmem>> -> memref<1x3200x16xf32, #tpu.memory_space<vmem>>
    %dma_wait3A_248 = tpu.memref_squeeze %dma_wait3A_247 : memref<1x3200x16xf32, #tpu.memory_space<vmem>> -> memref<3200x16xf32, #tpu.memory_space<vmem>>
    %dma_wait3A_249 = arith.constant 0 : i32
    %dma_wait3A_250 = tpu.memref_slice %arg4[%add3A_230, %dma_wait3A_249] : memref<819200x16xf32, #tpu.memory_space<hbm>> -> memref<3200x16xf32, #tpu.memory_space<hbm>>
    %dma_wait3A_251 = arith.constant 0 : i32
    %dma_wait3A_252 = tpu.memref_slice %arg4[%add3A_230, %dma_wait3A_251] : memref<819200x16xf32, #tpu.memory_space<hbm>> -> memref<3200x16xf32, #tpu.memory_space<hbm>>
    %dma_wait3A_253 = arith.constant 0 : i32
    %dma_wait3A_254 = arith.constant 0 : i32
    %dma_wait3A_255 = tpu.memref_slice %arg6[%dma_wait3A_244, %dma_wait3A_253, %dma_wait3A_254] : memref<2x3200x16xf32, #tpu.memory_space<vmem>> -> memref<1x3200x16xf32, #tpu.memory_space<vmem>>
    %dma_wait3A_256 = tpu.memref_squeeze %dma_wait3A_255 : memref<1x3200x16xf32, #tpu.memory_space<vmem>> -> memref<3200x16xf32, #tpu.memory_space<vmem>>
    tpu.wait_dma2 semaphore(%arg9 : memref<!tpu.dma_semaphore, #tpu.memory_space<semaphore_mem>>) src(%dma_wait3A_256 : memref<3200x16xf32, #tpu.memory_space<vmem>>) dst(%dma_wait3A_252 : memref<3200x16xf32, #tpu.memory_space<hbm>>)
    %dma_start3A_257 = arith.constant 0 : i32
    %dma_start3A_258 = arith.constant 0 : i32
    %dma_start3A_259 = arith.constant 0 : i32
    %dma_start3A_260 = tpu.memref_slice %arg6[%dma_start3A_257, %dma_start3A_258, %dma_start3A_259] : memref<2x3200x16xf32, #tpu.memory_space<vmem>> -> memref<1x3200x16xf32, #tpu.memory_space<vmem>>
    %dma_start3A_261 = tpu.memref_squeeze %dma_start3A_260 : memref<1x3200x16xf32, #tpu.memory_space<vmem>> -> memref<3200x16xf32, #tpu.memory_space<vmem>>
    %dma_start3A_262 = arith.constant 19200 : i32
    %dma_start3A_263 = tpu.memref_slice %arg5[%dma_start3A_262] : memref<25600xi32, #tpu.memory_space<vmem>> -> memref<3200xi32, #tpu.memory_space<vmem>>
    %dma_start3A_264 = arith.constant 0 : i32
    %dma_start3A_265 = arith.constant 0 : i32
    %dma_start3A_266 = tpu.memref_slice %arg3[%dma_start3A_264, %dma_start3A_265] : memref<1048576x16xf32, #tpu.memory_space<hbm>> -> memref<1048576x16xf32, #tpu.memory_space<hbm>>
    tpu.enqueue_indirect_dma source(%dma_start3A_266 : memref<1048576x16xf32, #tpu.memory_space<hbm>>) target(%dma_start3A_261 : memref<3200x16xf32, #tpu.memory_space<vmem>>) offsets(%dma_start3A_263 : memref<3200xi32, #tpu.memory_space<vmem>>) semaphore(%arg7 : memref<!tpu.dma_semaphore, #tpu.memory_space<semaphore_mem>>)
    %dma_wait3A_267 = arith.constant 1 : i32
    %dma_wait3A_268 = arith.constant 0 : i32
    %dma_wait3A_269 = arith.constant 0 : i32
    %dma_wait3A_270 = tpu.memref_slice %arg6[%dma_wait3A_267, %dma_wait3A_268, %dma_wait3A_269] : memref<2x3200x16xf32, #tpu.memory_space<vmem>> -> memref<1x3200x16xf32, #tpu.memory_space<vmem>>
    %dma_wait3A_271 = tpu.memref_squeeze %dma_wait3A_270 : memref<1x3200x16xf32, #tpu.memory_space<vmem>> -> memref<3200x16xf32, #tpu.memory_space<vmem>>
    %dma_wait3A_272 = arith.constant 16000 : i32
    %dma_wait3A_273 = tpu.memref_slice %arg5[%dma_wait3A_272] : memref<25600xi32, #tpu.memory_space<vmem>> -> memref<3200xi32, #tpu.memory_space<vmem>>
    %dma_wait3A_274 = arith.constant 0 : i32
    %dma_wait3A_275 = arith.constant 0 : i32
    %dma_wait3A_276 = tpu.memref_slice %arg3[%dma_wait3A_274, %dma_wait3A_275] : memref<1048576x16xf32, #tpu.memory_space<hbm>> -> memref<1048576x16xf32, #tpu.memory_space<hbm>>
    tpu.wait_indirect_dma semaphore(%arg8 : memref<!tpu.dma_semaphore, #tpu.memory_space<semaphore_mem>>) src(%dma_wait3A_276 : memref<1048576x16xf32, #tpu.memory_space<hbm>>) dst(%dma_wait3A_271 : memref<3200x16xf32, #tpu.memory_space<vmem>>)
    %add3A_277 = arith.constant 16000 : i32
    %add3A_278 = arith.addi %mul3A_2, %add3A_277 : i32
    %dma_start3A_279 = arith.constant 1 : i32
    %dma_start3A_280 = arith.constant 0 : i32
    %dma_start3A_281 = arith.constant 0 : i32
    %dma_start3A_282 = tpu.memref_slice %arg6[%dma_start3A_279, %dma_start3A_280, %dma_start3A_281] : memref<2x3200x16xf32, #tpu.memory_space<vmem>> -> memref<1x3200x16xf32, #tpu.memory_space<vmem>>
    %dma_start3A_283 = tpu.memref_squeeze %dma_start3A_282 : memref<1x3200x16xf32, #tpu.memory_space<vmem>> -> memref<3200x16xf32, #tpu.memory_space<vmem>>
    %dma_start3A_284 = arith.constant 0 : i32
    %dma_start3A_285 = tpu.memref_slice %arg4[%add3A_278, %dma_start3A_284] : memref<819200x16xf32, #tpu.memory_space<hbm>> -> memref<3200x16xf32, #tpu.memory_space<hbm>>
    %dma_start3A_286 = arith.constant 0 : i32
    %dma_start3A_287 = tpu.memref_slice %arg4[%add3A_278, %dma_start3A_286] : memref<819200x16xf32, #tpu.memory_space<hbm>> -> memref<3200x16xf32, #tpu.memory_space<hbm>>
    %dma_start3A_288 = arith.constant 0 : i32
    %dma_start3A_289 = arith.constant 0 : i32
    %dma_start3A_290 = tpu.memref_slice %arg6[%dma_start3A_279, %dma_start3A_288, %dma_start3A_289] : memref<2x3200x16xf32, #tpu.memory_space<vmem>> -> memref<1x3200x16xf32, #tpu.memory_space<vmem>>
    %dma_start3A_291 = tpu.memref_squeeze %dma_start3A_290 : memref<1x3200x16xf32, #tpu.memory_space<vmem>> -> memref<3200x16xf32, #tpu.memory_space<vmem>>
    tpu.enqueue_dma source(%dma_start3A_291 : memref<3200x16xf32, #tpu.memory_space<vmem>>) target(%dma_start3A_287 : memref<3200x16xf32, #tpu.memory_space<hbm>>) target_semaphore(%arg10 : memref<!tpu.dma_semaphore, #tpu.memory_space<semaphore_mem>>)
    %dma_wait3A_292 = arith.constant 1 : i32
    %dma_wait3A_293 = arith.constant 0 : i32
    %dma_wait3A_294 = arith.constant 0 : i32
    %dma_wait3A_295 = tpu.memref_slice %arg6[%dma_wait3A_292, %dma_wait3A_293, %dma_wait3A_294] : memref<2x3200x16xf32, #tpu.memory_space<vmem>> -> memref<1x3200x16xf32, #tpu.memory_space<vmem>>
    %dma_wait3A_296 = tpu.memref_squeeze %dma_wait3A_295 : memref<1x3200x16xf32, #tpu.memory_space<vmem>> -> memref<3200x16xf32, #tpu.memory_space<vmem>>
    %dma_wait3A_297 = arith.constant 0 : i32
    %dma_wait3A_298 = tpu.memref_slice %arg4[%add3A_278, %dma_wait3A_297] : memref<819200x16xf32, #tpu.memory_space<hbm>> -> memref<3200x16xf32, #tpu.memory_space<hbm>>
    %dma_wait3A_299 = arith.constant 0 : i32
    %dma_wait3A_300 = tpu.memref_slice %arg4[%add3A_278, %dma_wait3A_299] : memref<819200x16xf32, #tpu.memory_space<hbm>> -> memref<3200x16xf32, #tpu.memory_space<hbm>>
    %dma_wait3A_301 = arith.constant 0 : i32
    %dma_wait3A_302 = arith.constant 0 : i32
    %dma_wait3A_303 = tpu.memref_slice %arg6[%dma_wait3A_292, %dma_wait3A_301, %dma_wait3A_302] : memref<2x3200x16xf32, #tpu.memory_space<vmem>> -> memref<1x3200x16xf32, #tpu.memory_space<vmem>>
    %dma_wait3A_304 = tpu.memref_squeeze %dma_wait3A_303 : memref<1x3200x16xf32, #tpu.memory_space<vmem>> -> memref<3200x16xf32, #tpu.memory_space<vmem>>
    tpu.wait_dma2 semaphore(%arg10 : memref<!tpu.dma_semaphore, #tpu.memory_space<semaphore_mem>>) src(%dma_wait3A_304 : memref<3200x16xf32, #tpu.memory_space<vmem>>) dst(%dma_wait3A_300 : memref<3200x16xf32, #tpu.memory_space<hbm>>)
    %dma_start3A_305 = arith.constant 1 : i32
    %dma_start3A_306 = arith.constant 0 : i32
    %dma_start3A_307 = arith.constant 0 : i32
    %dma_start3A_308 = tpu.memref_slice %arg6[%dma_start3A_305, %dma_start3A_306, %dma_start3A_307] : memref<2x3200x16xf32, #tpu.memory_space<vmem>> -> memref<1x3200x16xf32, #tpu.memory_space<vmem>>
    %dma_start3A_309 = tpu.memref_squeeze %dma_start3A_308 : memref<1x3200x16xf32, #tpu.memory_space<vmem>> -> memref<3200x16xf32, #tpu.memory_space<vmem>>
    %dma_start3A_310 = arith.constant 22400 : i32
    %dma_start3A_311 = tpu.memref_slice %arg5[%dma_start3A_310] : memref<25600xi32, #tpu.memory_space<vmem>> -> memref<3200xi32, #tpu.memory_space<vmem>>
    %dma_start3A_312 = arith.constant 0 : i32
    %dma_start3A_313 = arith.constant 0 : i32
    %dma_start3A_314 = tpu.memref_slice %arg3[%dma_start3A_312, %dma_start3A_313] : memref<1048576x16xf32, #tpu.memory_space<hbm>> -> memref<1048576x16xf32, #tpu.memory_space<hbm>>
    tpu.enqueue_indirect_dma source(%dma_start3A_314 : memref<1048576x16xf32, #tpu.memory_space<hbm>>) target(%dma_start3A_309 : memref<3200x16xf32, #tpu.memory_space<vmem>>) offsets(%dma_start3A_311 : memref<3200xi32, #tpu.memory_space<vmem>>) semaphore(%arg8 : memref<!tpu.dma_semaphore, #tpu.memory_space<semaphore_mem>>)
    %dma_wait3A_315 = arith.constant 0 : i32
    %dma_wait3A_316 = arith.constant 0 : i32
    %dma_wait3A_317 = arith.constant 0 : i32
    %dma_wait3A_318 = tpu.memref_slice %arg6[%dma_wait3A_315, %dma_wait3A_316, %dma_wait3A_317] : memref<2x3200x16xf32, #tpu.memory_space<vmem>> -> memref<1x3200x16xf32, #tpu.memory_space<vmem>>
    %dma_wait3A_319 = tpu.memref_squeeze %dma_wait3A_318 : memref<1x3200x16xf32, #tpu.memory_space<vmem>> -> memref<3200x16xf32, #tpu.memory_space<vmem>>
    %dma_wait3A_320 = arith.constant 19200 : i32
    %dma_wait3A_321 = tpu.memref_slice %arg5[%dma_wait3A_320] : memref<25600xi32, #tpu.memory_space<vmem>> -> memref<3200xi32, #tpu.memory_space<vmem>>
    %dma_wait3A_322 = arith.constant 0 : i32
    %dma_wait3A_323 = arith.constant 0 : i32
    %dma_wait3A_324 = tpu.memref_slice %arg3[%dma_wait3A_322, %dma_wait3A_323] : memref<1048576x16xf32, #tpu.memory_space<hbm>> -> memref<1048576x16xf32, #tpu.memory_space<hbm>>
    tpu.wait_indirect_dma semaphore(%arg7 : memref<!tpu.dma_semaphore, #tpu.memory_space<semaphore_mem>>) src(%dma_wait3A_324 : memref<1048576x16xf32, #tpu.memory_space<hbm>>) dst(%dma_wait3A_319 : memref<3200x16xf32, #tpu.memory_space<vmem>>)
    %add3A_325 = arith.constant 19200 : i32
    %add3A_326 = arith.addi %mul3A_2, %add3A_325 : i32
    %dma_start3A_327 = arith.constant 0 : i32
    %dma_start3A_328 = arith.constant 0 : i32
    %dma_start3A_329 = arith.constant 0 : i32
    %dma_start3A_330 = tpu.memref_slice %arg6[%dma_start3A_327, %dma_start3A_328, %dma_start3A_329] : memref<2x3200x16xf32, #tpu.memory_space<vmem>> -> memref<1x3200x16xf32, #tpu.memory_space<vmem>>
    %dma_start3A_331 = tpu.memref_squeeze %dma_start3A_330 : memref<1x3200x16xf32, #tpu.memory_space<vmem>> -> memref<3200x16xf32, #tpu.memory_space<vmem>>
    %dma_start3A_332 = arith.constant 0 : i32
    %dma_start3A_333 = tpu.memref_slice %arg4[%add3A_326, %dma_start3A_332] : memref<819200x16xf32, #tpu.memory_space<hbm>> -> memref<3200x16xf32, #tpu.memory_space<hbm>>
    %dma_start3A_334 = arith.constant 0 : i32
    %dma_start3A_335 = tpu.memref_slice %arg4[%add3A_326, %dma_start3A_334] : memref<819200x16xf32, #tpu.memory_space<hbm>> -> memref<3200x16xf32, #tpu.memory_space<hbm>>
    %dma_start3A_336 = arith.constant 0 : i32
    %dma_start3A_337 = arith.constant 0 : i32
    %dma_start3A_338 = tpu.memref_slice %arg6[%dma_start3A_327, %dma_start3A_336, %dma_start3A_337] : memref<2x3200x16xf32, #tpu.memory_space<vmem>> -> memref<1x3200x16xf32, #tpu.memory_space<vmem>>
    %dma_start3A_339 = tpu.memref_squeeze %dma_start3A_338 : memref<1x3200x16xf32, #tpu.memory_space<vmem>> -> memref<3200x16xf32, #tpu.memory_space<vmem>>
    tpu.enqueue_dma source(%dma_start3A_339 : memref<3200x16xf32, #tpu.memory_space<vmem>>) target(%dma_start3A_335 : memref<3200x16xf32, #tpu.memory_space<hbm>>) target_semaphore(%arg9 : memref<!tpu.dma_semaphore, #tpu.memory_space<semaphore_mem>>)
    %dma_wait3A_340 = arith.constant 1 : i32
    %dma_wait3A_341 = arith.constant 0 : i32
    %dma_wait3A_342 = arith.constant 0 : i32
    %dma_wait3A_343 = tpu.memref_slice %arg6[%dma_wait3A_340, %dma_wait3A_341, %dma_wait3A_342] : memref<2x3200x16xf32, #tpu.memory_space<vmem>> -> memref<1x3200x16xf32, #tpu.memory_space<vmem>>
    %dma_wait3A_344 = tpu.memref_squeeze %dma_wait3A_343 : memref<1x3200x16xf32, #tpu.memory_space<vmem>> -> memref<3200x16xf32, #tpu.memory_space<vmem>>
    %dma_wait3A_345 = arith.constant 22400 : i32
    %dma_wait3A_346 = tpu.memref_slice %arg5[%dma_wait3A_345] : memref<25600xi32, #tpu.memory_space<vmem>> -> memref<3200xi32, #tpu.memory_space<vmem>>
    %dma_wait3A_347 = arith.constant 0 : i32
    %dma_wait3A_348 = arith.constant 0 : i32
    %dma_wait3A_349 = tpu.memref_slice %arg3[%dma_wait3A_347, %dma_wait3A_348] : memref<1048576x16xf32, #tpu.memory_space<hbm>> -> memref<1048576x16xf32, #tpu.memory_space<hbm>>
    tpu.wait_indirect_dma semaphore(%arg8 : memref<!tpu.dma_semaphore, #tpu.memory_space<semaphore_mem>>) src(%dma_wait3A_349 : memref<1048576x16xf32, #tpu.memory_space<hbm>>) dst(%dma_wait3A_344 : memref<3200x16xf32, #tpu.memory_space<vmem>>)
    %add3A_350 = arith.constant 22400 : i32
    %add3A_351 = arith.addi %mul3A_2, %add3A_350 : i32
    %dma_start3A_352 = arith.constant 1 : i32
    %dma_start3A_353 = arith.constant 0 : i32
    %dma_start3A_354 = arith.constant 0 : i32
    %dma_start3A_355 = tpu.memref_slice %arg6[%dma_start3A_352, %dma_start3A_353, %dma_start3A_354] : memref<2x3200x16xf32, #tpu.memory_space<vmem>> -> memref<1x3200x16xf32, #tpu.memory_space<vmem>>
    %dma_start3A_356 = tpu.memref_squeeze %dma_start3A_355 : memref<1x3200x16xf32, #tpu.memory_space<vmem>> -> memref<3200x16xf32, #tpu.memory_space<vmem>>
    %dma_start3A_357 = arith.constant 0 : i32
    %dma_start3A_358 = tpu.memref_slice %arg4[%add3A_351, %dma_start3A_357] : memref<819200x16xf32, #tpu.memory_space<hbm>> -> memref<3200x16xf32, #tpu.memory_space<hbm>>
    %dma_start3A_359 = arith.constant 0 : i32
    %dma_start3A_360 = tpu.memref_slice %arg4[%add3A_351, %dma_start3A_359] : memref<819200x16xf32, #tpu.memory_space<hbm>> -> memref<3200x16xf32, #tpu.memory_space<hbm>>
    %dma_start3A_361 = arith.constant 0 : i32
    %dma_start3A_362 = arith.constant 0 : i32
    %dma_start3A_363 = tpu.memref_slice %arg6[%dma_start3A_352, %dma_start3A_361, %dma_start3A_362] : memref<2x3200x16xf32, #tpu.memory_space<vmem>> -> memref<1x3200x16xf32, #tpu.memory_space<vmem>>
    %dma_start3A_364 = tpu.memref_squeeze %dma_start3A_363 : memref<1x3200x16xf32, #tpu.memory_space<vmem>> -> memref<3200x16xf32, #tpu.memory_space<vmem>>
    tpu.enqueue_dma source(%dma_start3A_364 : memref<3200x16xf32, #tpu.memory_space<vmem>>) target(%dma_start3A_360 : memref<3200x16xf32, #tpu.memory_space<hbm>>) target_semaphore(%arg10 : memref<!tpu.dma_semaphore, #tpu.memory_space<semaphore_mem>>)
    %dma_wait3A_365 = arith.constant 0 : i32
    %dma_wait3A_366 = arith.constant 0 : i32
    %dma_wait3A_367 = arith.constant 0 : i32
    %dma_wait3A_368 = tpu.memref_slice %arg6[%dma_wait3A_365, %dma_wait3A_366, %dma_wait3A_367] : memref<2x3200x16xf32, #tpu.memory_space<vmem>> -> memref<1x3200x16xf32, #tpu.memory_space<vmem>>
    %dma_wait3A_369 = tpu.memref_squeeze %dma_wait3A_368 : memref<1x3200x16xf32, #tpu.memory_space<vmem>> -> memref<3200x16xf32, #tpu.memory_space<vmem>>
    %dma_wait3A_370 = arith.constant 0 : i32
    %dma_wait3A_371 = tpu.memref_slice %arg4[%add3A_326, %dma_wait3A_370] : memref<819200x16xf32, #tpu.memory_space<hbm>> -> memref<3200x16xf32, #tpu.memory_space<hbm>>
    %dma_wait3A_372 = arith.constant 0 : i32
    %dma_wait3A_373 = tpu.memref_slice %arg4[%add3A_326, %dma_wait3A_372] : memref<819200x16xf32, #tpu.memory_space<hbm>> -> memref<3200x16xf32, #tpu.memory_space<hbm>>
    %dma_wait3A_374 = arith.constant 0 : i32
    %dma_wait3A_375 = arith.constant 0 : i32
    %dma_wait3A_376 = tpu.memref_slice %arg6[%dma_wait3A_365, %dma_wait3A_374, %dma_wait3A_375] : memref<2x3200x16xf32, #tpu.memory_space<vmem>> -> memref<1x3200x16xf32, #tpu.memory_space<vmem>>
    %dma_wait3A_377 = tpu.memref_squeeze %dma_wait3A_376 : memref<1x3200x16xf32, #tpu.memory_space<vmem>> -> memref<3200x16xf32, #tpu.memory_space<vmem>>
    tpu.wait_dma2 semaphore(%arg9 : memref<!tpu.dma_semaphore, #tpu.memory_space<semaphore_mem>>) src(%dma_wait3A_377 : memref<3200x16xf32, #tpu.memory_space<vmem>>) dst(%dma_wait3A_373 : memref<3200x16xf32, #tpu.memory_space<hbm>>)
    %dma_wait3A_378 = arith.constant 1 : i32
    %dma_wait3A_379 = arith.constant 0 : i32
    %dma_wait3A_380 = arith.constant 0 : i32
    %dma_wait3A_381 = tpu.memref_slice %arg6[%dma_wait3A_378, %dma_wait3A_379, %dma_wait3A_380] : memref<2x3200x16xf32, #tpu.memory_space<vmem>> -> memref<1x3200x16xf32, #tpu.memory_space<vmem>>
    %dma_wait3A_382 = tpu.memref_squeeze %dma_wait3A_381 : memref<1x3200x16xf32, #tpu.memory_space<vmem>> -> memref<3200x16xf32, #tpu.memory_space<vmem>>
    %dma_wait3A_383 = arith.constant 0 : i32
    %dma_wait3A_384 = tpu.memref_slice %arg4[%add3A_351, %dma_wait3A_383] : memref<819200x16xf32, #tpu.memory_space<hbm>> -> memref<3200x16xf32, #tpu.memory_space<hbm>>
    %dma_wait3A_385 = arith.constant 0 : i32
    %dma_wait3A_386 = tpu.memref_slice %arg4[%add3A_351, %dma_wait3A_385] : memref<819200x16xf32, #tpu.memory_space<hbm>> -> memref<3200x16xf32, #tpu.memory_space<hbm>>
    %dma_wait3A_387 = arith.constant 0 : i32
    %dma_wait3A_388 = arith.constant 0 : i32
    %dma_wait3A_389 = tpu.memref_slice %arg6[%dma_wait3A_378, %dma_wait3A_387, %dma_wait3A_388] : memref<2x3200x16xf32, #tpu.memory_space<vmem>> -> memref<1x3200x16xf32, #tpu.memory_space<vmem>>
    %dma_wait3A_390 = tpu.memref_squeeze %dma_wait3A_389 : memref<1x3200x16xf32, #tpu.memory_space<vmem>> -> memref<3200x16xf32, #tpu.memory_space<vmem>>
    tpu.wait_dma2 semaphore(%arg10 : memref<!tpu.dma_semaphore, #tpu.memory_space<semaphore_mem>>) src(%dma_wait3A_390 : memref<3200x16xf32, #tpu.memory_space<vmem>>) dst(%dma_wait3A_386 : memref<3200x16xf32, #tpu.memory_space<hbm>>)
    return
  }
}

module attributes {stable_mosaic.version = 14 : i64} {
  func.func @_mask_body(%arg0: memref<4096x200xi32, #tpu.memory_space<vmem>>, %arg1: memref<4096x200xi32, #tpu.memory_space<vmem>>, %arg2: memref<200x200xi32, #tpu.memory_space<vmem>>) attributes {dimension_semantics = [], scalar_prefetch = 0 : i64, scratch_operands = 0 : i64, tpu.core_type = #tpu.core_type<tc>} {
    %get3A = arith.constant 0 : index
    %get3A_0 = arith.constant 0 : index
    %get3A_1 = vector.load %arg0[%get3A, %get3A_0] : memref<4096x200xi32, #tpu.memory_space<vmem>>, vector<4096x200xi32>
    %eq3A = arith.constant 0 : i32
    %eq3A_2 = vector.broadcast %eq3A : i32 to vector<4096x200xi32>
    %eq3A_3 = arith.cmpi eq, %get3A_1, %eq3A_2 : vector<4096x200xi32>
    %swap3A = arith.constant 0 : index
    %swap3A_4 = arith.constant 0 : index
    %swap3A_5 = vector.load %arg1[%swap3A, %swap3A_4] : memref<4096x200xi32, #tpu.memory_space<vmem>>, vector<4096x200xi32>
    %swap3A_6 = arith.extui %eq3A_3 : vector<4096x200xi1> to vector<4096x200xi32>
    %swap3A_7 = arith.constant dense<0> : vector<4096x200xi32>
    %swap3A_8 = arith.cmpi ne, %swap3A_5, %swap3A_7 : vector<4096x200xi32>
    tpu.vector_store %arg1[%swap3A, %swap3A_4], %swap3A_6 {strides = array<i32>} : memref<4096x200xi32, #tpu.memory_space<vmem>>, vector<4096x200xi32>,
    %iota3A = tpu.iota {dimensions = array<i32: 0>} : vector<200x200xi32>
    %iota3A_9 = tpu.iota {dimensions = array<i32: 1>} : vector<200x200xi32>
    %gt3A = arith.cmpi sgt, %iota3A_9, %iota3A : vector<200x200xi32>
    %swap3A_10 = arith.constant 0 : index
    %swap3A_11 = arith.constant 0 : index
    %swap3A_12 = vector.load %arg2[%swap3A_10, %swap3A_11] : memref<200x200xi32, #tpu.memory_space<vmem>>, vector<200x200xi32>
    %swap3A_13 = arith.extui %gt3A : vector<200x200xi1> to vector<200x200xi32>
    %swap3A_14 = arith.constant dense<0> : vector<200x200xi32>
    %swap3A_15 = arith.cmpi ne, %swap3A_12, %swap3A_14 : vector<200x200xi32>
    tpu.vector_store %arg2[%swap3A_10, %swap3A_11], %swap3A_13 {strides = array<i32>} : memref<200x200xi32, #tpu.memory_space<vmem>>, vector<200x200xi32>,
    return
  }
}

module attributes {stable_mosaic.version = 14 : i64} {
  func.func @_t1_body(%arg0: i32, %arg1: memref<16x65536xf32, #tpu.memory_space<vmem>>, %arg2: memref<8192x128xf32, #tpu.memory_space<vmem>>) attributes {dimension_semantics = [#tpu.dimension_semantics<arbitrary>], iteration_bounds = array<i64: 16>, scalar_prefetch = 0 : i64, scratch_operands = 0 : i64, tpu.core_type = #tpu.core_type<tc>, window_params = [{transform_indices = @transform_0, window_bounds = array<i64: 16, 65536>}, {transform_indices = @transform_1, window_bounds = array<i64: 8192, 128>}]} {
    %get3A = arith.constant 0 : index
    %get3A_0 = arith.constant 0 : index
    %get3A_1 = vector.load %arg1[%get3A, %get3A_0] : memref<16x65536xf32, #tpu.memory_space<vmem>>, vector<16x128xf32>
    %get3A_2 = arith.constant 0 : index
    %get3A_3 = arith.constant 128 : index
    %get3A_4 = vector.load %arg1[%get3A_2, %get3A_3] : memref<16x65536xf32, #tpu.memory_space<vmem>>, vector<16x128xf32>
    %get3A_5 = arith.constant 0 : index
    %get3A_6 = arith.constant 256 : index
    %get3A_7 = vector.load %arg1[%get3A_5, %get3A_6] : memref<16x65536xf32, #tpu.memory_space<vmem>>, vector<16x128xf32>
    %get3A_8 = arith.constant 0 : index
    %get3A_9 = arith.constant 384 : index
    %get3A_10 = vector.load %arg1[%get3A_8, %get3A_9] : memref<16x65536xf32, #tpu.memory_space<vmem>>, vector<16x128xf32>
    %get3A_11 = arith.constant 0 : index
    %get3A_12 = arith.constant 512 : index
    %get3A_13 = vector.load %arg1[%get3A_11, %get3A_12] : memref<16x65536xf32, #tpu.memory_space<vmem>>, vector<16x128xf32>
    %get3A_14 = arith.constant 0 : index
    %get3A_15 = arith.constant 640 : index
    %get3A_16 = vector.load %arg1[%get3A_14, %get3A_15] : memref<16x65536xf32, #tpu.memory_space<vmem>>, vector<16x128xf32>
    %get3A_17 = arith.constant 0 : index
    %get3A_18 = arith.constant 768 : index
    %get3A_19 = vector.load %arg1[%get3A_17, %get3A_18] : memref<16x65536xf32, #tpu.memory_space<vmem>>, vector<16x128xf32>
    %get3A_20 = arith.constant 0 : index
    %get3A_21 = arith.constant 896 : index
    %get3A_22 = vector.load %arg1[%get3A_20, %get3A_21] : memref<16x65536xf32, #tpu.memory_space<vmem>>, vector<16x128xf32>
    %concatenate3A = tpu.concatenate %get3A_1, %get3A_4, %get3A_7, %get3A_10, %get3A_13, %get3A_16, %get3A_19, %get3A_22 in 0 : vector<16x128xf32>, vector<16x128xf32>, vector<16x128xf32>, vector<16x128xf32>, vector<16x128xf32>, vector<16x128xf32>, vector<16x128xf32>, vector<16x128xf32> -> vector<128x128xf32>
    %transpose3A = tpu.transpose %concatenate3A, [1, 0] : vector<128x128xf32> -> vector<128x128xf32>
    %swap3A = arith.constant 0 : index
    %swap3A_23 = arith.constant 0 : index
    %swap3A_24 = vector.load %arg2[%swap3A, %swap3A_23] : memref<8192x128xf32, #tpu.memory_space<vmem>>, vector<128x128xf32>
    tpu.vector_store %arg2[%swap3A, %swap3A_23], %transpose3A {strides = array<i32>} : memref<8192x128xf32, #tpu.memory_space<vmem>>, vector<128x128xf32>,
    %get3A_25 = arith.constant 0 : index
    %get3A_26 = arith.constant 1024 : index
    %get3A_27 = vector.load %arg1[%get3A_25, %get3A_26] : memref<16x65536xf32, #tpu.memory_space<vmem>>, vector<16x128xf32>
    %get3A_28 = arith.constant 0 : index
    %get3A_29 = arith.constant 1152 : index
    %get3A_30 = vector.load %arg1[%get3A_28, %get3A_29] : memref<16x65536xf32, #tpu.memory_space<vmem>>, vector<16x128xf32>
    %get3A_31 = arith.constant 0 : index
    %get3A_32 = arith.constant 1280 : index
    %get3A_33 = vector.load %arg1[%get3A_31, %get3A_32] : memref<16x65536xf32, #tpu.memory_space<vmem>>, vector<16x128xf32>
    %get3A_34 = arith.constant 0 : index
    %get3A_35 = arith.constant 1408 : index
    %get3A_36 = vector.load %arg1[%get3A_34, %get3A_35] : memref<16x65536xf32, #tpu.memory_space<vmem>>, vector<16x128xf32>
    %get3A_37 = arith.constant 0 : index
    %get3A_38 = arith.constant 1536 : index
    %get3A_39 = vector.load %arg1[%get3A_37, %get3A_38] : memref<16x65536xf32, #tpu.memory_space<vmem>>, vector<16x128xf32>
    %get3A_40 = arith.constant 0 : index
    %get3A_41 = arith.constant 1664 : index
    %get3A_42 = vector.load %arg1[%get3A_40, %get3A_41] : memref<16x65536xf32, #tpu.memory_space<vmem>>, vector<16x128xf32>
    %get3A_43 = arith.constant 0 : index
    %get3A_44 = arith.constant 1792 : index
    %get3A_45 = vector.load %arg1[%get3A_43, %get3A_44] : memref<16x65536xf32, #tpu.memory_space<vmem>>, vector<16x128xf32>
    %get3A_46 = arith.constant 0 : index
    %get3A_47 = arith.constant 1920 : index
    %get3A_48 = vector.load %arg1[%get3A_46, %get3A_47] : memref<16x65536xf32, #tpu.memory_space<vmem>>, vector<16x128xf32>
    %concatenate3A_49 = tpu.concatenate %get3A_27, %get3A_30, %get3A_33, %get3A_36, %get3A_39, %get3A_42, %get3A_45, %get3A_48 in 0 : vector<16x128xf32>, vector<16x128xf32>, vector<16x128xf32>, vector<16x128xf32>, vector<16x128xf32>, vector<16x128xf32>, vector<16x128xf32>, vector<16x128xf32> -> vector<128x128xf32>
    %transpose3A_50 = tpu.transpose %concatenate3A_49, [1, 0] : vector<128x128xf32> -> vector<128x128xf32>
    %swap3A_51 = arith.constant 128 : index
    %swap3A_52 = arith.constant 0 : index
    %swap3A_53 = vector.load %arg2[%swap3A_51, %swap3A_52] : memref<8192x128xf32, #tpu.memory_space<vmem>>, vector<128x128xf32>
    tpu.vector_store %arg2[%swap3A_51, %swap3A_52], %transpose3A_50 {strides = array<i32>} : memref<8192x128xf32, #tpu.memory_space<vmem>>, vector<128x128xf32>,
    %get3A_54 = arith.constant 0 : index
    %get3A_55 = arith.constant 2048 : index
    %get3A_56 = vector.load %arg1[%get3A_54, %get3A_55] : memref<16x65536xf32, #tpu.memory_space<vmem>>, vector<16x128xf32>
    %get3A_57 = arith.constant 0 : index
    %get3A_58 = arith.constant 2176 : index
    %get3A_59 = vector.load %arg1[%get3A_57, %get3A_58] : memref<16x65536xf32, #tpu.memory_space<vmem>>, vector<16x128xf32>
    %get3A_60 = arith.constant 0 : index
    %get3A_61 = arith.constant 2304 : index
    %get3A_62 = vector.load %arg1[%get3A_60, %get3A_61] : memref<16x65536xf32, #tpu.memory_space<vmem>>, vector<16x128xf32>
    %get3A_63 = arith.constant 0 : index
    %get3A_64 = arith.constant 2432 : index
    %get3A_65 = vector.load %arg1[%get3A_63, %get3A_64] : memref<16x65536xf32, #tpu.memory_space<vmem>>, vector<16x128xf32>
    %get3A_66 = arith.constant 0 : index
    %get3A_67 = arith.constant 2560 : index
    %get3A_68 = vector.load %arg1[%get3A_66, %get3A_67] : memref<16x65536xf32, #tpu.memory_space<vmem>>, vector<16x128xf32>
    %get3A_69 = arith.constant 0 : index
    %get3A_70 = arith.constant 2688 : index
    %get3A_71 = vector.load %arg1[%get3A_69, %get3A_70] : memref<16x65536xf32, #tpu.memory_space<vmem>>, vector<16x128xf32>
    %get3A_72 = arith.constant 0 : index
    %get3A_73 = arith.constant 2816 : index
    %get3A_74 = vector.load %arg1[%get3A_72, %get3A_73] : memref<16x65536xf32, #tpu.memory_space<vmem>>, vector<16x128xf32>
    %get3A_75 = arith.constant 0 : index
    %get3A_76 = arith.constant 2944 : index
    %get3A_77 = vector.load %arg1[%get3A_75, %get3A_76] : memref<16x65536xf32, #tpu.memory_space<vmem>>, vector<16x128xf32>
    %concatenate3A_78 = tpu.concatenate %get3A_56, %get3A_59, %get3A_62, %get3A_65, %get3A_68, %get3A_71, %get3A_74, %get3A_77 in 0 : vector<16x128xf32>, vector<16x128xf32>, vector<16x128xf32>, vector<16x128xf32>, vector<16x128xf32>, vector<16x128xf32>, vector<16x128xf32>, vector<16x128xf32> -> vector<128x128xf32>
    %transpose3A_79 = tpu.transpose %concatenate3A_78, [1, 0] : vector<128x128xf32> -> vector<128x128xf32>
    %swap3A_80 = arith.constant 256 : index
    %swap3A_81 = arith.constant 0 : index
    %swap3A_82 = vector.load %arg2[%swap3A_80, %swap3A_81] : memref<8192x128xf32, #tpu.memory_space<vmem>>, vector<128x128xf32>
    tpu.vector_store %arg2[%swap3A_80, %swap3A_81], %transpose3A_79 {strides = array<i32>} : memref<8192x128xf32, #tpu.memory_space<vmem>>, vector<128x128xf32>,
    %get3A_83 = arith.constant 0 : index
    %get3A_84 = arith.constant 3072 : index
    %get3A_85 = vector.load %arg1[%get3A_83, %get3A_84] : memref<16x65536xf32, #tpu.memory_space<vmem>>, vector<16x128xf32>
    %get3A_86 = arith.constant 0 : index
    %get3A_87 = arith.constant 3200 : index
    %get3A_88 = vector.load %arg1[%get3A_86, %get3A_87] : memref<16x65536xf32, #tpu.memory_space<vmem>>, vector<16x128xf32>
    %get3A_89 = arith.constant 0 : index
    %get3A_90 = arith.constant 3328 : index
    %get3A_91 = vector.load %arg1[%get3A_89, %get3A_90] : memref<16x65536xf32, #tpu.memory_space<vmem>>, vector<16x128xf32>
    %get3A_92 = arith.constant 0 : index
    %get3A_93 = arith.constant 3456 : index
    %get3A_94 = vector.load %arg1[%get3A_92, %get3A_93] : memref<16x65536xf32, #tpu.memory_space<vmem>>, vector<16x128xf32>
    %get3A_95 = arith.constant 0 : index
    %get3A_96 = arith.constant 3584 : index
    %get3A_97 = vector.load %arg1[%get3A_95, %get3A_96] : memref<16x65536xf32, #tpu.memory_space<vmem>>, vector<16x128xf32>
    %get3A_98 = arith.constant 0 : index
    %get3A_99 = arith.constant 3712 : index
    %get3A_100 = vector.load %arg1[%get3A_98, %get3A_99] : memref<16x65536xf32, #tpu.memory_space<vmem>>, vector<16x128xf32>
    %get3A_101 = arith.constant 0 : index
    %get3A_102 = arith.constant 3840 : index
    %get3A_103 = vector.load %arg1[%get3A_101, %get3A_102] : memref<16x65536xf32, #tpu.memory_space<vmem>>, vector<16x128xf32>
    %get3A_104 = arith.constant 0 : index
    %get3A_105 = arith.constant 3968 : index
    %get3A_106 = vector.load %arg1[%get3A_104, %get3A_105] : memref<16x65536xf32, #tpu.memory_space<vmem>>, vector<16x128xf32>
    %concatenate3A_107 = tpu.concatenate %get3A_85, %get3A_88, %get3A_91, %get3A_94, %get3A_97, %get3A_100, %get3A_103, %get3A_106 in 0 : vector<16x128xf32>, vector<16x128xf32>, vector<16x128xf32>, vector<16x128xf32>, vector<16x128xf32>, vector<16x128xf32>, vector<16x128xf32>, vector<16x128xf32> -> vector<128x128xf32>
    %transpose3A_108 = tpu.transpose %concatenate3A_107, [1, 0] : vector<128x128xf32> -> vector<128x128xf32>
    %swap3A_109 = arith.constant 384 : index
    %swap3A_110 = arith.constant 0 : index
    %swap3A_111 = vector.load %arg2[%swap3A_109, %swap3A_110] : memref<8192x128xf32, #tpu.memory_space<vmem>>, vector<128x128xf32>
    tpu.vector_store %arg2[%swap3A_109, %swap3A_110], %transpose3A_108 {strides = array<i32>} : memref<8192x128xf32, #tpu.memory_space<vmem>>, vector<128x128xf32>,
    %get3A_112 = arith.constant 0 : index
    %get3A_113 = arith.constant 4096 : index
    %get3A_114 = vector.load %arg1[%get3A_112, %get3A_113] : memref<16x65536xf32, #tpu.memory_space<vmem>>, vector<16x128xf32>
    %get3A_115 = arith.constant 0 : index
    %get3A_116 = arith.constant 4224 : index
    %get3A_117 = vector.load %arg1[%get3A_115, %get3A_116] : memref<16x65536xf32, #tpu.memory_space<vmem>>, vector<16x128xf32>
    %get3A_118 = arith.constant 0 : index
    %get3A_119 = arith.constant 4352 : index
    %get3A_120 = vector.load %arg1[%get3A_118, %get3A_119] : memref<16x65536xf32, #tpu.memory_space<vmem>>, vector<16x128xf32>
    %get3A_121 = arith.constant 0 : index
    %get3A_122 = arith.constant 4480 : index
    %get3A_123 = vector.load %arg1[%get3A_121, %get3A_122] : memref<16x65536xf32, #tpu.memory_space<vmem>>, vector<16x128xf32>
    %get3A_124 = arith.constant 0 : index
    %get3A_125 = arith.constant 4608 : index
    %get3A_126 = vector.load %arg1[%get3A_124, %get3A_125] : memref<16x65536xf32, #tpu.memory_space<vmem>>, vector<16x128xf32>
    %get3A_127 = arith.constant 0 : index
    %get3A_128 = arith.constant 4736 : index
    %get3A_129 = vector.load %arg1[%get3A_127, %get3A_128] : memref<16x65536xf32, #tpu.memory_space<vmem>>, vector<16x128xf32>
    %get3A_130 = arith.constant 0 : index
    %get3A_131 = arith.constant 4864 : index
    %get3A_132 = vector.load %arg1[%get3A_130, %get3A_131] : memref<16x65536xf32, #tpu.memory_space<vmem>>, vector<16x128xf32>
    %get3A_133 = arith.constant 0 : index
    %get3A_134 = arith.constant 4992 : index
    %get3A_135 = vector.load %arg1[%get3A_133, %get3A_134] : memref<16x65536xf32, #tpu.memory_space<vmem>>, vector<16x128xf32>
    %concatenate3A_136 = tpu.concatenate %get3A_114, %get3A_117, %get3A_120, %get3A_123, %get3A_126, %get3A_129, %get3A_132, %get3A_135 in 0 : vector<16x128xf32>, vector<16x128xf32>, vector<16x128xf32>, vector<16x128xf32>, vector<16x128xf32>, vector<16x128xf32>, vector<16x128xf32>, vector<16x128xf32> -> vector<128x128xf32>
    %transpose3A_137 = tpu.transpose %concatenate3A_136, [1, 0] : vector<128x128xf32> -> vector<128x128xf32>
    %swap3A_138 = arith.constant 512 : index
    %swap3A_139 = arith.constant 0 : index
    %swap3A_140 = vector.load %arg2[%swap3A_138, %swap3A_139] : memref<8192x128xf32, #tpu.memory_space<vmem>>, vector<128x128xf32>
    tpu.vector_store %arg2[%swap3A_138, %swap3A_139], %transpose3A_137 {strides = array<i32>} : memref<8192x128xf32, #tpu.memory_space<vmem>>, vector<128x128xf32>,
    %get3A_141 = arith.constant 0 : index
    %get3A_142 = arith.constant 5120 : index
    %get3A_143 = vector.load %arg1[%get3A_141, %get3A_142] : memref<16x65536xf32, #tpu.memory_space<vmem>>, vector<16x128xf32>
    %get3A_144 = arith.constant 0 : index
    %get3A_145 = arith.constant 5248 : index
    %get3A_146 = vector.load %arg1[%get3A_144, %get3A_145] : memref<16x65536xf32, #tpu.memory_space<vmem>>, vector<16x128xf32>
    %get3A_147 = arith.constant 0 : index
    %get3A_148 = arith.constant 5376 : index
    %get3A_149 = vector.load %arg1[%get3A_147, %get3A_148] : memref<16x65536xf32, #tpu.memory_space<vmem>>, vector<16x128xf32>
    %get3A_150 = arith.constant 0 : index
    %get3A_151 = arith.constant 5504 : index
    %get3A_152 = vector.load %arg1[%get3A_150, %get3A_151] : memref<16x65536xf32, #tpu.memory_space<vmem>>, vector<16x128xf32>
    %get3A_153 = arith.constant 0 : index
    %get3A_154 = arith.constant 5632 : index
    %get3A_155 = vector.load %arg1[%get3A_153, %get3A_154] : memref<16x65536xf32, #tpu.memory_space<vmem>>, vector<16x128xf32>
    %get3A_156 = arith.constant 0 : index
    %get3A_157 = arith.constant 5760 : index
    %get3A_158 = vector.load %arg1[%get3A_156, %get3A_157] : memref<16x65536xf32, #tpu.memory_space<vmem>>, vector<16x128xf32>
    %get3A_159 = arith.constant 0 : index
    %get3A_160 = arith.constant 5888 : index
    %get3A_161 = vector.load %arg1[%get3A_159, %get3A_160] : memref<16x65536xf32, #tpu.memory_space<vmem>>, vector<16x128xf32>
    %get3A_162 = arith.constant 0 : index
    %get3A_163 = arith.constant 6016 : index
    %get3A_164 = vector.load %arg1[%get3A_162, %get3A_163] : memref<16x65536xf32, #tpu.memory_space<vmem>>, vector<16x128xf32>
    %concatenate3A_165 = tpu.concatenate %get3A_143, %get3A_146, %get3A_149, %get3A_152, %get3A_155, %get3A_158, %get3A_161, %get3A_164 in 0 : vector<16x128xf32>, vector<16x128xf32>, vector<16x128xf32>, vector<16x128xf32>, vector<16x128xf32>, vector<16x128xf32>, vector<16x128xf32>, vector<16x128xf32> -> vector<128x128xf32>
    %transpose3A_166 = tpu.transpose %concatenate3A_165, [1, 0] : vector<128x128xf32> -> vector<128x128xf32>
    %swap3A_167 = arith.constant 640 : index
    %swap3A_168 = arith.constant 0 : index
    %swap3A_169 = vector.load %arg2[%swap3A_167, %swap3A_168] : memref<8192x128xf32, #tpu.memory_space<vmem>>, vector<128x128xf32>
    tpu.vector_store %arg2[%swap3A_167, %swap3A_168], %transpose3A_166 {strides = array<i32>} : memref<8192x128xf32, #tpu.memory_space<vmem>>, vector<128x128xf32>,
    %get3A_170 = arith.constant 0 : index
    %get3A_171 = arith.constant 6144 : index
    %get3A_172 = vector.load %arg1[%get3A_170, %get3A_171] : memref<16x65536xf32, #tpu.memory_space<vmem>>, vector<16x128xf32>
    %get3A_173 = arith.constant 0 : index
    %get3A_174 = arith.constant 6272 : index
    %get3A_175 = vector.load %arg1[%get3A_173, %get3A_174] : memref<16x65536xf32, #tpu.memory_space<vmem>>, vector<16x128xf32>
    %get3A_176 = arith.constant 0 : index
    %get3A_177 = arith.constant 6400 : index
    %get3A_178 = vector.load %arg1[%get3A_176, %get3A_177] : memref<16x65536xf32, #tpu.memory_space<vmem>>, vector<16x128xf32>
    %get3A_179 = arith.constant 0 : index
    %get3A_180 = arith.constant 6528 : index
    %get3A_181 = vector.load %arg1[%get3A_179, %get3A_180] : memref<16x65536xf32, #tpu.memory_space<vmem>>, vector<16x128xf32>
    %get3A_182 = arith.constant 0 : index
    %get3A_183 = arith.constant 6656 : index
    %get3A_184 = vector.load %arg1[%get3A_182, %get3A_183] : memref<16x65536xf32, #tpu.memory_space<vmem>>, vector<16x128xf32>
    %get3A_185 = arith.constant 0 : index
    %get3A_186 = arith.constant 6784 : index
    %get3A_187 = vector.load %arg1[%get3A_185, %get3A_186] : memref<16x65536xf32, #tpu.memory_space<vmem>>, vector<16x128xf32>
    %get3A_188 = arith.constant 0 : index
    %get3A_189 = arith.constant 6912 : index
    %get3A_190 = vector.load %arg1[%get3A_188, %get3A_189] : memref<16x65536xf32, #tpu.memory_space<vmem>>, vector<16x128xf32>
    %get3A_191 = arith.constant 0 : index
    %get3A_192 = arith.constant 7040 : index
    %get3A_193 = vector.load %arg1[%get3A_191, %get3A_192] : memref<16x65536xf32, #tpu.memory_space<vmem>>, vector<16x128xf32>
    %concatenate3A_194 = tpu.concatenate %get3A_172, %get3A_175, %get3A_178, %get3A_181, %get3A_184, %get3A_187, %get3A_190, %get3A_193 in 0 : vector<16x128xf32>, vector<16x128xf32>, vector<16x128xf32>, vector<16x128xf32>, vector<16x128xf32>, vector<16x128xf32>, vector<16x128xf32>, vector<16x128xf32> -> vector<128x128xf32>
    %transpose3A_195 = tpu.transpose %concatenate3A_194, [1, 0] : vector<128x128xf32> -> vector<128x128xf32>
    %swap3A_196 = arith.constant 768 : index
    %swap3A_197 = arith.constant 0 : index
    %swap3A_198 = vector.load %arg2[%swap3A_196, %swap3A_197] : memref<8192x128xf32, #tpu.memory_space<vmem>>, vector<128x128xf32>
    tpu.vector_store %arg2[%swap3A_196, %swap3A_197], %transpose3A_195 {strides = array<i32>} : memref<8192x128xf32, #tpu.memory_space<vmem>>, vector<128x128xf32>,
    %get3A_199 = arith.constant 0 : index
    %get3A_200 = arith.constant 7168 : index
    %get3A_201 = vector.load %arg1[%get3A_199, %get3A_200] : memref<16x65536xf32, #tpu.memory_space<vmem>>, vector<16x128xf32>
    %get3A_202 = arith.constant 0 : index
    %get3A_203 = arith.constant 7296 : index
    %get3A_204 = vector.load %arg1[%get3A_202, %get3A_203] : memref<16x65536xf32, #tpu.memory_space<vmem>>, vector<16x128xf32>
    %get3A_205 = arith.constant 0 : index
    %get3A_206 = arith.constant 7424 : index
    %get3A_207 = vector.load %arg1[%get3A_205, %get3A_206] : memref<16x65536xf32, #tpu.memory_space<vmem>>, vector<16x128xf32>
    %get3A_208 = arith.constant 0 : index
    %get3A_209 = arith.constant 7552 : index
    %get3A_210 = vector.load %arg1[%get3A_208, %get3A_209] : memref<16x65536xf32, #tpu.memory_space<vmem>>, vector<16x128xf32>
    %get3A_211 = arith.constant 0 : index
    %get3A_212 = arith.constant 7680 : index
    %get3A_213 = vector.load %arg1[%get3A_211, %get3A_212] : memref<16x65536xf32, #tpu.memory_space<vmem>>, vector<16x128xf32>
    %get3A_214 = arith.constant 0 : index
    %get3A_215 = arith.constant 7808 : index
    %get3A_216 = vector.load %arg1[%get3A_214, %get3A_215] : memref<16x65536xf32, #tpu.memory_space<vmem>>, vector<16x128xf32>
    %get3A_217 = arith.constant 0 : index
    %get3A_218 = arith.constant 7936 : index
    %get3A_219 = vector.load %arg1[%get3A_217, %get3A_218] : memref<16x65536xf32, #tpu.memory_space<vmem>>, vector<16x128xf32>
    %get3A_220 = arith.constant 0 : index
    %get3A_221 = arith.constant 8064 : index
    %get3A_222 = vector.load %arg1[%get3A_220, %get3A_221] : memref<16x65536xf32, #tpu.memory_space<vmem>>, vector<16x128xf32>
    %concatenate3A_223 = tpu.concatenate %get3A_201, %get3A_204, %get3A_207, %get3A_210, %get3A_213, %get3A_216, %get3A_219, %get3A_222 in 0 : vector<16x128xf32>, vector<16x128xf32>, vector<16x128xf32>, vector<16x128xf32>, vector<16x128xf32>, vector<16x128xf32>, vector<16x128xf32>, vector<16x128xf32> -> vector<128x128xf32>
    %transpose3A_224 = tpu.transpose %concatenate3A_223, [1, 0] : vector<128x128xf32> -> vector<128x128xf32>
    %swap3A_225 = arith.constant 896 : index
    %swap3A_226 = arith.constant 0 : index
    %swap3A_227 = vector.load %arg2[%swap3A_225, %swap3A_226] : memref<8192x128xf32, #tpu.memory_space<vmem>>, vector<128x128xf32>
    tpu.vector_store %arg2[%swap3A_225, %swap3A_226], %transpose3A_224 {strides = array<i32>} : memref<8192x128xf32, #tpu.memory_space<vmem>>, vector<128x128xf32>,
    %get3A_228 = arith.constant 0 : index
    %get3A_229 = arith.constant 8192 : index
    %get3A_230 = vector.load %arg1[%get3A_228, %get3A_229] : memref<16x65536xf32, #tpu.memory_space<vmem>>, vector<16x128xf32>
    %get3A_231 = arith.constant 0 : index
    %get3A_232 = arith.constant 8320 : index
    %get3A_233 = vector.load %arg1[%get3A_231, %get3A_232] : memref<16x65536xf32, #tpu.memory_space<vmem>>, vector<16x128xf32>
    %get3A_234 = arith.constant 0 : index
    %get3A_235 = arith.constant 8448 : index
    %get3A_236 = vector.load %arg1[%get3A_234, %get3A_235] : memref<16x65536xf32, #tpu.memory_space<vmem>>, vector<16x128xf32>
    %get3A_237 = arith.constant 0 : index
    %get3A_238 = arith.constant 8576 : index
    %get3A_239 = vector.load %arg1[%get3A_237, %get3A_238] : memref<16x65536xf32, #tpu.memory_space<vmem>>, vector<16x128xf32>
    %get3A_240 = arith.constant 0 : index
    %get3A_241 = arith.constant 8704 : index
    %get3A_242 = vector.load %arg1[%get3A_240, %get3A_241] : memref<16x65536xf32, #tpu.memory_space<vmem>>, vector<16x128xf32>
    %get3A_243 = arith.constant 0 : index
    %get3A_244 = arith.constant 8832 : index
    %get3A_245 = vector.load %arg1[%get3A_243, %get3A_244] : memref<16x65536xf32, #tpu.memory_space<vmem>>, vector<16x128xf32>
    %get3A_246 = arith.constant 0 : index
    %get3A_247 = arith.constant 8960 : index
    %get3A_248 = vector.load %arg1[%get3A_246, %get3A_247] : memref<16x65536xf32, #tpu.memory_space<vmem>>, vector<16x128xf32>
    %get3A_249 = arith.constant 0 : index
    %get3A_250 = arith.constant 9088 : index
    %get3A_251 = vector.load %arg1[%get3A_249, %get3A_250] : memref<16x65536xf32, #tpu.memory_space<vmem>>, vector<16x128xf32>
    %concatenate3A_252 = tpu.concatenate %get3A_230, %get3A_233, %get3A_236, %get3A_239, %get3A_242, %get3A_245, %get3A_248, %get3A_251 in 0 : vector<16x128xf32>, vector<16x128xf32>, vector<16x128xf32>, vector<16x128xf32>, vector<16x128xf32>, vector<16x128xf32>, vector<16x128xf32>, vector<16x128xf32> -> vector<128x128xf32>
    %transpose3A_253 = tpu.transpose %concatenate3A_252, [1, 0] : vector<128x128xf32> -> vector<128x128xf32>
    %swap3A_254 = arith.constant 1024 : index
    %swap3A_255 = arith.constant 0 : index
    %swap3A_256 = vector.load %arg2[%swap3A_254, %swap3A_255] : memref<8192x128xf32, #tpu.memory_space<vmem>>, vector<128x128xf32>
    tpu.vector_store %arg2[%swap3A_254, %swap3A_255], %transpose3A_253 {strides = array<i32>} : memref<8192x128xf32, #tpu.memory_space<vmem>>, vector<128x128xf32>,
    %get3A_257 = arith.constant 0 : index
    %get3A_258 = arith.constant 9216 : index
    %get3A_259 = vector.load %arg1[%get3A_257, %get3A_258] : memref<16x65536xf32, #tpu.memory_space<vmem>>, vector<16x128xf32>
    %get3A_260 = arith.constant 0 : index
    %get3A_261 = arith.constant 9344 : index
    %get3A_262 = vector.load %arg1[%get3A_260, %get3A_261] : memref<16x65536xf32, #tpu.memory_space<vmem>>, vector<16x128xf32>
    %get3A_263 = arith.constant 0 : index
    %get3A_264 = arith.constant 9472 : index
    %get3A_265 = vector.load %arg1[%get3A_263, %get3A_264] : memref<16x65536xf32, #tpu.memory_space<vmem>>, vector<16x128xf32>
    %get3A_266 = arith.constant 0 : index
    %get3A_267 = arith.constant 9600 : index
    %get3A_268 = vector.load %arg1[%get3A_266, %get3A_267] : memref<16x65536xf32, #tpu.memory_space<vmem>>, vector<16x128xf32>
    %get3A_269 = arith.constant 0 : index
    %get3A_270 = arith.constant 9728 : index
    %get3A_271 = vector.load %arg1[%get3A_269, %get3A_270] : memref<16x65536xf32, #tpu.memory_space<vmem>>, vector<16x128xf32>
    %get3A_272 = arith.constant 0 : index
    %get3A_273 = arith.constant 9856 : index
    %get3A_274 = vector.load %arg1[%get3A_272, %get3A_273] : memref<16x65536xf32, #tpu.memory_space<vmem>>, vector<16x128xf32>
    %get3A_275 = arith.constant 0 : index
    %get3A_276 = arith.constant 9984 : index
    %get3A_277 = vector.load %arg1[%get3A_275, %get3A_276] : memref<16x65536xf32, #tpu.memory_space<vmem>>, vector<16x128xf32>
    %get3A_278 = arith.constant 0 : index
    %get3A_279 = arith.constant 10112 : index
    %get3A_280 = vector.load %arg1[%get3A_278, %get3A_279] : memref<16x65536xf32, #tpu.memory_space<vmem>>, vector<16x128xf32>
    %concatenate3A_281 = tpu.concatenate %get3A_259, %get3A_262, %get3A_265, %get3A_268, %get3A_271, %get3A_274, %get3A_277, %get3A_280 in 0 : vector<16x128xf32>, vector<16x128xf32>, vector<16x128xf32>, vector<16x128xf32>, vector<16x128xf32>, vector<16x128xf32>, vector<16x128xf32>, vector<16x128xf32> -> vector<128x128xf32>
    %transpose3A_282 = tpu.transpose %concatenate3A_281, [1, 0] : vector<128x128xf32> -> vector<128x128xf32>
    %swap3A_283 = arith.constant 1152 : index
    %swap3A_284 = arith.constant 0 : index
    %swap3A_285 = vector.load %arg2[%swap3A_283, %swap3A_284] : memref<8192x128xf32, #tpu.memory_space<vmem>>, vector<128x128xf32>
    tpu.vector_store %arg2[%swap3A_283, %swap3A_284], %transpose3A_282 {strides = array<i32>} : memref<8192x128xf32, #tpu.memory_space<vmem>>, vector<128x128xf32>,
    %get3A_286 = arith.constant 0 : index
    %get3A_287 = arith.constant 10240 : index
    %get3A_288 = vector.load %arg1[%get3A_286, %get3A_287] : memref<16x65536xf32, #tpu.memory_space<vmem>>, vector<16x128xf32>
    %get3A_289 = arith.constant 0 : index
    %get3A_290 = arith.constant 10368 : index
    %get3A_291 = vector.load %arg1[%get3A_289, %get3A_290] : memref<16x65536xf32, #tpu.memory_space<vmem>>, vector<16x128xf32>
    %get3A_292 = arith.constant 0 : index
    %get3A_293 = arith.constant 10496 : index
    %get3A_294 = vector.load %arg1[%get3A_292, %get3A_293] : memref<16x65536xf32, #tpu.memory_space<vmem>>, vector<16x128xf32>
    %get3A_295 = arith.constant 0 : index
    %get3A_296 = arith.constant 10624 : index
    %get3A_297 = vector.load %arg1[%get3A_295, %get3A_296] : memref<16x65536xf32, #tpu.memory_space<vmem>>, vector<16x128xf32>
    %get3A_298 = arith.constant 0 : index
    %get3A_299 = arith.constant 10752 : index
    %get3A_300 = vector.load %arg1[%get3A_298, %get3A_299] : memref<16x65536xf32, #tpu.memory_space<vmem>>, vector<16x128xf32>
    %get3A_301 = arith.constant 0 : index
    %get3A_302 = arith.constant 10880 : index
    %get3A_303 = vector.load %arg1[%get3A_301, %get3A_302] : memref<16x65536xf32, #tpu.memory_space<vmem>>, vector<16x128xf32>
    %get3A_304 = arith.constant 0 : index
    %get3A_305 = arith.constant 11008 : index
    %get3A_306 = vector.load %arg1[%get3A_304, %get3A_305] : memref<16x65536xf32, #tpu.memory_space<vmem>>, vector<16x128xf32>
    %get3A_307 = arith.constant 0 : index
    %get3A_308 = arith.constant 11136 : index
    %get3A_309 = vector.load %arg1[%get3A_307, %get3A_308] : memref<16x65536xf32, #tpu.memory_space<vmem>>, vector<16x128xf32>
    %concatenate3A_310 = tpu.concatenate %get3A_288, %get3A_291, %get3A_294, %get3A_297, %get3A_300, %get3A_303, %get3A_306, %get3A_309 in 0 : vector<16x128xf32>, vector<16x128xf32>, vector<16x128xf32>, vector<16x128xf32>, vector<16x128xf32>, vector<16x128xf32>, vector<16x128xf32>, vector<16x128xf32> -> vector<128x128xf32>
    %transpose3A_311 = tpu.transpose %concatenate3A_310, [1, 0] : vector<128x128xf32> -> vector<128x128xf32>
    %swap3A_312 = arith.constant 1280 : index
    %swap3A_313 = arith.constant 0 : index
    %swap3A_314 = vector.load %arg2[%swap3A_312, %swap3A_313] : memref<8192x128xf32, #tpu.memory_space<vmem>>, vector<128x128xf32>
    tpu.vector_store %arg2[%swap3A_312, %swap3A_313], %transpose3A_311 {strides = array<i32>} : memref<8192x128xf32, #tpu.memory_space<vmem>>, vector<128x128xf32>,
    %get3A_315 = arith.constant 0 : index
    %get3A_316 = arith.constant 11264 : index
    %get3A_317 = vector.load %arg1[%get3A_315, %get3A_316] : memref<16x65536xf32, #tpu.memory_space<vmem>>, vector<16x128xf32>
    %get3A_318 = arith.constant 0 : index
    %get3A_319 = arith.constant 11392 : index
    %get3A_320 = vector.load %arg1[%get3A_318, %get3A_319] : memref<16x65536xf32, #tpu.memory_space<vmem>>, vector<16x128xf32>
    %get3A_321 = arith.constant 0 : index
    %get3A_322 = arith.constant 11520 : index
    %get3A_323 = vector.load %arg1[%get3A_321, %get3A_322] : memref<16x65536xf32, #tpu.memory_space<vmem>>, vector<16x128xf32>
    %get3A_324 = arith.constant 0 : index
    %get3A_325 = arith.constant 11648 : index
    %get3A_326 = vector.load %arg1[%get3A_324, %get3A_325] : memref<16x65536xf32, #tpu.memory_space<vmem>>, vector<16x128xf32>
    %get3A_327 = arith.constant 0 : index
    %get3A_328 = arith.constant 11776 : index
    %get3A_329 = vector.load %arg1[%get3A_327, %get3A_328] : memref<16x65536xf32, #tpu.memory_space<vmem>>, vector<16x128xf32>
    %get3A_330 = arith.constant 0 : index
    %get3A_331 = arith.constant 11904 : index
    %get3A_332 = vector.load %arg1[%get3A_330, %get3A_331] : memref<16x65536xf32, #tpu.memory_space<vmem>>, vector<16x128xf32>
    %get3A_333 = arith.constant 0 : index
    %get3A_334 = arith.constant 12032 : index
    %get3A_335 = vector.load %arg1[%get3A_333, %get3A_334] : memref<16x65536xf32, #tpu.memory_space<vmem>>, vector<16x128xf32>
    %get3A_336 = arith.constant 0 : index
    %get3A_337 = arith.constant 12160 : index
    %get3A_338 = vector.load %arg1[%get3A_336, %get3A_337] : memref<16x65536xf32, #tpu.memory_space<vmem>>, vector<16x128xf32>
    %concatenate3A_339 = tpu.concatenate %get3A_317, %get3A_320, %get3A_323, %get3A_326, %get3A_329, %get3A_332, %get3A_335, %get3A_338 in 0 : vector<16x128xf32>, vector<16x128xf32>, vector<16x128xf32>, vector<16x128xf32>, vector<16x128xf32>, vector<16x128xf32>, vector<16x128xf32>, vector<16x128xf32> -> vector<128x128xf32>
    %transpose3A_340 = tpu.transpose %concatenate3A_339, [1, 0] : vector<128x128xf32> -> vector<128x128xf32>
    %swap3A_341 = arith.constant 1408 : index
    %swap3A_342 = arith.constant 0 : index
    %swap3A_343 = vector.load %arg2[%swap3A_341, %swap3A_342] : memref<8192x128xf32, #tpu.memory_space<vmem>>, vector<128x128xf32>
    tpu.vector_store %arg2[%swap3A_341, %swap3A_342], %transpose3A_340 {strides = array<i32>} : memref<8192x128xf32, #tpu.memory_space<vmem>>, vector<128x128xf32>,
    %get3A_344 = arith.constant 0 : index
    %get3A_345 = arith.constant 12288 : index
    %get3A_346 = vector.load %arg1[%get3A_344, %get3A_345] : memref<16x65536xf32, #tpu.memory_space<vmem>>, vector<16x128xf32>
    %get3A_347 = arith.constant 0 : index
    %get3A_348 = arith.constant 12416 : index
    %get3A_349 = vector.load %arg1[%get3A_347, %get3A_348] : memref<16x65536xf32, #tpu.memory_space<vmem>>, vector<16x128xf32>
    %get3A_350 = arith.constant 0 : index
    %get3A_351 = arith.constant 12544 : index
    %get3A_352 = vector.load %arg1[%get3A_350, %get3A_351] : memref<16x65536xf32, #tpu.memory_space<vmem>>, vector<16x128xf32>
    %get3A_353 = arith.constant 0 : index
    %get3A_354 = arith.constant 12672 : index
    %get3A_355 = vector.load %arg1[%get3A_353, %get3A_354] : memref<16x65536xf32, #tpu.memory_space<vmem>>, vector<16x128xf32>
    %get3A_356 = arith.constant 0 : index
    %get3A_357 = arith.constant 12800 : index
    %get3A_358 = vector.load %arg1[%get3A_356, %get3A_357] : memref<16x65536xf32, #tpu.memory_space<vmem>>, vector<16x128xf32>
    %get3A_359 = arith.constant 0 : index
    %get3A_360 = arith.constant 12928 : index
    %get3A_361 = vector.load %arg1[%get3A_359, %get3A_360] : memref<16x65536xf32, #tpu.memory_space<vmem>>, vector<16x128xf32>
    %get3A_362 = arith.constant 0 : index
    %get3A_363 = arith.constant 13056 : index
    %get3A_364 = vector.load %arg1[%get3A_362, %get3A_363] : memref<16x65536xf32, #tpu.memory_space<vmem>>, vector<16x128xf32>
    %get3A_365 = arith.constant 0 : index
    %get3A_366 = arith.constant 13184 : index
    %get3A_367 = vector.load %arg1[%get3A_365, %get3A_366] : memref<16x65536xf32, #tpu.memory_space<vmem>>, vector<16x128xf32>
    %concatenate3A_368 = tpu.concatenate %get3A_346, %get3A_349, %get3A_352, %get3A_355, %get3A_358, %get3A_361, %get3A_364, %get3A_367 in 0 : vector<16x128xf32>, vector<16x128xf32>, vector<16x128xf32>, vector<16x128xf32>, vector<16x128xf32>, vector<16x128xf32>, vector<16x128xf32>, vector<16x128xf32> -> vector<128x128xf32>
    %transpose3A_369 = tpu.transpose %concatenate3A_368, [1, 0] : vector<128x128xf32> -> vector<128x128xf32>
    %swap3A_370 = arith.constant 1536 : index
    %swap3A_371 = arith.constant 0 : index
    %swap3A_372 = vector.load %arg2[%swap3A_370, %swap3A_371] : memref<8192x128xf32, #tpu.memory_space<vmem>>, vector<128x128xf32>
    tpu.vector_store %arg2[%swap3A_370, %swap3A_371], %transpose3A_369 {strides = array<i32>} : memref<8192x128xf32, #tpu.memory_space<vmem>>, vector<128x128xf32>,
    %get3A_373 = arith.constant 0 : index
    %get3A_374 = arith.constant 13312 : index
    %get3A_375 = vector.load %arg1[%get3A_373, %get3A_374] : memref<16x65536xf32, #tpu.memory_space<vmem>>, vector<16x128xf32>
    %get3A_376 = arith.constant 0 : index
    %get3A_377 = arith.constant 13440 : index
    %get3A_378 = vector.load %arg1[%get3A_376, %get3A_377] : memref<16x65536xf32, #tpu.memory_space<vmem>>, vector<16x128xf32>
    %get3A_379 = arith.constant 0 : index
    %get3A_380 = arith.constant 13568 : index
    %get3A_381 = vector.load %arg1[%get3A_379, %get3A_380] : memref<16x65536xf32, #tpu.memory_space<vmem>>, vector<16x128xf32>
    %get3A_382 = arith.constant 0 : index
    %get3A_383 = arith.constant 13696 : index
    %get3A_384 = vector.load %arg1[%get3A_382, %get3A_383] : memref<16x65536xf32, #tpu.memory_space<vmem>>, vector<16x128xf32>
    %get3A_385 = arith.constant 0 : index
    %get3A_386 = arith.constant 13824 : index
    %get3A_387 = vector.load %arg1[%get3A_385, %get3A_386] : memref<16x65536xf32, #tpu.memory_space<vmem>>, vector<16x128xf32>
    %get3A_388 = arith.constant 0 : index
    %get3A_389 = arith.constant 13952 : index
    %get3A_390 = vector.load %arg1[%get3A_388, %get3A_389] : memref<16x65536xf32, #tpu.memory_space<vmem>>, vector<16x128xf32>
    %get3A_391 = arith.constant 0 : index
    %get3A_392 = arith.constant 14080 : index
    %get3A_393 = vector.load %arg1[%get3A_391, %get3A_392] : memref<16x65536xf32, #tpu.memory_space<vmem>>, vector<16x128xf32>
    %get3A_394 = arith.constant 0 : index
    %get3A_395 = arith.constant 14208 : index
    %get3A_396 = vector.load %arg1[%get3A_394, %get3A_395] : memref<16x65536xf32, #tpu.memory_space<vmem>>, vector<16x128xf32>
    %concatenate3A_397 = tpu.concatenate %get3A_375, %get3A_378, %get3A_381, %get3A_384, %get3A_387, %get3A_390, %get3A_393, %get3A_396 in 0 : vector<16x128xf32>, vector<16x128xf32>, vector<16x128xf32>, vector<16x128xf32>, vector<16x128xf32>, vector<16x128xf32>, vector<16x128xf32>, vector<16x128xf32> -> vector<128x128xf32>
    %transpose3A_398 = tpu.transpose %concatenate3A_397, [1, 0] : vector<128x128xf32> -> vector<128x128xf32>
    %swap3A_399 = arith.constant 1664 : index
    %swap3A_400 = arith.constant 0 : index
    %swap3A_401 = vector.load %arg2[%swap3A_399, %swap3A_400] : memref<8192x128xf32, #tpu.memory_space<vmem>>, vector<128x128xf32>
    tpu.vector_store %arg2[%swap3A_399, %swap3A_400], %transpose3A_398 {strides = array<i32>} : memref<8192x128xf32, #tpu.memory_space<vmem>>, vector<128x128xf32>,
    %get3A_402 = arith.constant 0 : index
    %get3A_403 = arith.constant 14336 : index
    %get3A_404 = vector.load %arg1[%get3A_402, %get3A_403] : memref<16x65536xf32, #tpu.memory_space<vmem>>, vector<16x128xf32>
    %get3A_405 = arith.constant 0 : index
    %get3A_406 = arith.constant 14464 : index
    %get3A_407 = vector.load %arg1[%get3A_405, %get3A_406] : memref<16x65536xf32, #tpu.memory_space<vmem>>, vector<16x128xf32>
    %get3A_408 = arith.constant 0 : index
    %get3A_409 = arith.constant 14592 : index
    %get3A_410 = vector.load %arg1[%get3A_408, %get3A_409] : memref<16x65536xf32, #tpu.memory_space<vmem>>, vector<16x128xf32>
    %get3A_411 = arith.constant 0 : index
    %get3A_412 = arith.constant 14720 : index
    %get3A_413 = vector.load %arg1[%get3A_411, %get3A_412] : memref<16x65536xf32, #tpu.memory_space<vmem>>, vector<16x128xf32>
    %get3A_414 = arith.constant 0 : index
    %get3A_415 = arith.constant 14848 : index
    %get3A_416 = vector.load %arg1[%get3A_414, %get3A_415] : memref<16x65536xf32, #tpu.memory_space<vmem>>, vector<16x128xf32>
    %get3A_417 = arith.constant 0 : index
    %get3A_418 = arith.constant 14976 : index
    %get3A_419 = vector.load %arg1[%get3A_417, %get3A_418] : memref<16x65536xf32, #tpu.memory_space<vmem>>, vector<16x128xf32>
    %get3A_420 = arith.constant 0 : index
    %get3A_421 = arith.constant 15104 : index
    %get3A_422 = vector.load %arg1[%get3A_420, %get3A_421] : memref<16x65536xf32, #tpu.memory_space<vmem>>, vector<16x128xf32>
    %get3A_423 = arith.constant 0 : index
    %get3A_424 = arith.constant 15232 : index
    %get3A_425 = vector.load %arg1[%get3A_423, %get3A_424] : memref<16x65536xf32, #tpu.memory_space<vmem>>, vector<16x128xf32>
    %concatenate3A_426 = tpu.concatenate %get3A_404, %get3A_407, %get3A_410, %get3A_413, %get3A_416, %get3A_419, %get3A_422, %get3A_425 in 0 : vector<16x128xf32>, vector<16x128xf32>, vector<16x128xf32>, vector<16x128xf32>, vector<16x128xf32>, vector<16x128xf32>, vector<16x128xf32>, vector<16x128xf32> -> vector<128x128xf32>
    %transpose3A_427 = tpu.transpose %concatenate3A_426, [1, 0] : vector<128x128xf32> -> vector<128x128xf32>
    %swap3A_428 = arith.constant 1792 : index
    %swap3A_429 = arith.constant 0 : index
    %swap3A_430 = vector.load %arg2[%swap3A_428, %swap3A_429] : memref<8192x128xf32, #tpu.memory_space<vmem>>, vector<128x128xf32>
    tpu.vector_store %arg2[%swap3A_428, %swap3A_429], %transpose3A_427 {strides = array<i32>} : memref<8192x128xf32, #tpu.memory_space<vmem>>, vector<128x128xf32>,
    %get3A_431 = arith.constant 0 : index
    %get3A_432 = arith.constant 15360 : index
    %get3A_433 = vector.load %arg1[%get3A_431, %get3A_432] : memref<16x65536xf32, #tpu.memory_space<vmem>>, vector<16x128xf32>
    %get3A_434 = arith.constant 0 : index
    %get3A_435 = arith.constant 15488 : index
    %get3A_436 = vector.load %arg1[%get3A_434, %get3A_435] : memref<16x65536xf32, #tpu.memory_space<vmem>>, vector<16x128xf32>
    %get3A_437 = arith.constant 0 : index
    %get3A_438 = arith.constant 15616 : index
    %get3A_439 = vector.load %arg1[%get3A_437, %get3A_438] : memref<16x65536xf32, #tpu.memory_space<vmem>>, vector<16x128xf32>
    %get3A_440 = arith.constant 0 : index
    %get3A_441 = arith.constant 15744 : index
    %get3A_442 = vector.load %arg1[%get3A_440, %get3A_441] : memref<16x65536xf32, #tpu.memory_space<vmem>>, vector<16x128xf32>
    %get3A_443 = arith.constant 0 : index
    %get3A_444 = arith.constant 15872 : index
    %get3A_445 = vector.load %arg1[%get3A_443, %get3A_444] : memref<16x65536xf32, #tpu.memory_space<vmem>>, vector<16x128xf32>
    %get3A_446 = arith.constant 0 : index
    %get3A_447 = arith.constant 16000 : index
    %get3A_448 = vector.load %arg1[%get3A_446, %get3A_447] : memref<16x65536xf32, #tpu.memory_space<vmem>>, vector<16x128xf32>
    %get3A_449 = arith.constant 0 : index
    %get3A_450 = arith.constant 16128 : index
    %get3A_451 = vector.load %arg1[%get3A_449, %get3A_450] : memref<16x65536xf32, #tpu.memory_space<vmem>>, vector<16x128xf32>
    %get3A_452 = arith.constant 0 : index
    %get3A_453 = arith.constant 16256 : index
    %get3A_454 = vector.load %arg1[%get3A_452, %get3A_453] : memref<16x65536xf32, #tpu.memory_space<vmem>>, vector<16x128xf32>
    %concatenate3A_455 = tpu.concatenate %get3A_433, %get3A_436, %get3A_439, %get3A_442, %get3A_445, %get3A_448, %get3A_451, %get3A_454 in 0 : vector<16x128xf32>, vector<16x128xf32>, vector<16x128xf32>, vector<16x128xf32>, vector<16x128xf32>, vector<16x128xf32>, vector<16x128xf32>, vector<16x128xf32> -> vector<128x128xf32>
    %transpose3A_456 = tpu.transpose %concatenate3A_455, [1, 0] : vector<128x128xf32> -> vector<128x128xf32>
    %swap3A_457 = arith.constant 1920 : index
    %swap3A_458 = arith.constant 0 : index
    %swap3A_459 = vector.load %arg2[%swap3A_457, %swap3A_458] : memref<8192x128xf32, #tpu.memory_space<vmem>>, vector<128x128xf32>
    tpu.vector_store %arg2[%swap3A_457, %swap3A_458], %transpose3A_456 {strides = array<i32>} : memref<8192x128xf32, #tpu.memory_space<vmem>>, vector<128x128xf32>,
    %get3A_460 = arith.constant 0 : index
    %get3A_461 = arith.constant 16384 : index
    %get3A_462 = vector.load %arg1[%get3A_460, %get3A_461] : memref<16x65536xf32, #tpu.memory_space<vmem>>, vector<16x128xf32>
    %get3A_463 = arith.constant 0 : index
    %get3A_464 = arith.constant 16512 : index
    %get3A_465 = vector.load %arg1[%get3A_463, %get3A_464] : memref<16x65536xf32, #tpu.memory_space<vmem>>, vector<16x128xf32>
    %get3A_466 = arith.constant 0 : index
    %get3A_467 = arith.constant 16640 : index
    %get3A_468 = vector.load %arg1[%get3A_466, %get3A_467] : memref<16x65536xf32, #tpu.memory_space<vmem>>, vector<16x128xf32>
    %get3A_469 = arith.constant 0 : index
    %get3A_470 = arith.constant 16768 : index
    %get3A_471 = vector.load %arg1[%get3A_469, %get3A_470] : memref<16x65536xf32, #tpu.memory_space<vmem>>, vector<16x128xf32>
    %get3A_472 = arith.constant 0 : index
    %get3A_473 = arith.constant 16896 : index
    %get3A_474 = vector.load %arg1[%get3A_472, %get3A_473] : memref<16x65536xf32, #tpu.memory_space<vmem>>, vector<16x128xf32>
    %get3A_475 = arith.constant 0 : index
    %get3A_476 = arith.constant 17024 : index
    %get3A_477 = vector.load %arg1[%get3A_475, %get3A_476] : memref<16x65536xf32, #tpu.memory_space<vmem>>, vector<16x128xf32>
    %get3A_478 = arith.constant 0 : index
    %get3A_479 = arith.constant 17152 : index
    %get3A_480 = vector.load %arg1[%get3A_478, %get3A_479] : memref<16x65536xf32, #tpu.memory_space<vmem>>, vector<16x128xf32>
    %get3A_481 = arith.constant 0 : index
    %get3A_482 = arith.constant 17280 : index
    %get3A_483 = vector.load %arg1[%get3A_481, %get3A_482] : memref<16x65536xf32, #tpu.memory_space<vmem>>, vector<16x128xf32>
    %concatenate3A_484 = tpu.concatenate %get3A_462, %get3A_465, %get3A_468, %get3A_471, %get3A_474, %get3A_477, %get3A_480, %get3A_483 in 0 : vector<16x128xf32>, vector<16x128xf32>, vector<16x128xf32>, vector<16x128xf32>, vector<16x128xf32>, vector<16x128xf32>, vector<16x128xf32>, vector<16x128xf32> -> vector<128x128xf32>
    %transpose3A_485 = tpu.transpose %concatenate3A_484, [1, 0] : vector<128x128xf32> -> vector<128x128xf32>
    %swap3A_486 = arith.constant 2048 : index
    %swap3A_487 = arith.constant 0 : index
    %swap3A_488 = vector.load %arg2[%swap3A_486, %swap3A_487] : memref<8192x128xf32, #tpu.memory_space<vmem>>, vector<128x128xf32>
    tpu.vector_store %arg2[%swap3A_486, %swap3A_487], %transpose3A_485 {strides = array<i32>} : memref<8192x128xf32, #tpu.memory_space<vmem>>, vector<128x128xf32>,
    %get3A_489 = arith.constant 0 : index
    %get3A_490 = arith.constant 17408 : index
    %get3A_491 = vector.load %arg1[%get3A_489, %get3A_490] : memref<16x65536xf32, #tpu.memory_space<vmem>>, vector<16x128xf32>
    %get3A_492 = arith.constant 0 : index
    %get3A_493 = arith.constant 17536 : index
    %get3A_494 = vector.load %arg1[%get3A_492, %get3A_493] : memref<16x65536xf32, #tpu.memory_space<vmem>>, vector<16x128xf32>
    %get3A_495 = arith.constant 0 : index
    %get3A_496 = arith.constant 17664 : index
    %get3A_497 = vector.load %arg1[%get3A_495, %get3A_496] : memref<16x65536xf32, #tpu.memory_space<vmem>>, vector<16x128xf32>
    %get3A_498 = arith.constant 0 : index
    %get3A_499 = arith.constant 17792 : index
    %get3A_500 = vector.load %arg1[%get3A_498, %get3A_499] : memref<16x65536xf32, #tpu.memory_space<vmem>>, vector<16x128xf32>
    %get3A_501 = arith.constant 0 : index
    %get3A_502 = arith.constant 17920 : index
    %get3A_503 = vector.load %arg1[%get3A_501, %get3A_502] : memref<16x65536xf32, #tpu.memory_space<vmem>>, vector<16x128xf32>
    %get3A_504 = arith.constant 0 : index
    %get3A_505 = arith.constant 18048 : index
    %get3A_506 = vector.load %arg1[%get3A_504, %get3A_505] : memref<16x65536xf32, #tpu.memory_space<vmem>>, vector<16x128xf32>
    %get3A_507 = arith.constant 0 : index
    %get3A_508 = arith.constant 18176 : index
    %get3A_509 = vector.load %arg1[%get3A_507, %get3A_508] : memref<16x65536xf32, #tpu.memory_space<vmem>>, vector<16x128xf32>
    %get3A_510 = arith.constant 0 : index
    %get3A_511 = arith.constant 18304 : index
    %get3A_512 = vector.load %arg1[%get3A_510, %get3A_511] : memref<16x65536xf32, #tpu.memory_space<vmem>>, vector<16x128xf32>
    %concatenate3A_513 = tpu.concatenate %get3A_491, %get3A_494, %get3A_497, %get3A_500, %get3A_503, %get3A_506, %get3A_509, %get3A_512 in 0 : vector<16x128xf32>, vector<16x128xf32>, vector<16x128xf32>, vector<16x128xf32>, vector<16x128xf32>, vector<16x128xf32>, vector<16x128xf32>, vector<16x128xf32> -> vector<128x128xf32>
    %transpose3A_514 = tpu.transpose %concatenate3A_513, [1, 0] : vector<128x128xf32> -> vector<128x128xf32>
    %swap3A_515 = arith.constant 2176 : index
    %swap3A_516 = arith.constant 0 : index
    %swap3A_517 = vector.load %arg2[%swap3A_515, %swap3A_516] : memref<8192x128xf32, #tpu.memory_space<vmem>>, vector<128x128xf32>
    tpu.vector_store %arg2[%swap3A_515, %swap3A_516], %transpose3A_514 {strides = array<i32>} : memref<8192x128xf32, #tpu.memory_space<vmem>>, vector<128x128xf32>,
    %get3A_518 = arith.constant 0 : index
    %get3A_519 = arith.constant 18432 : index
    %get3A_520 = vector.load %arg1[%get3A_518, %get3A_519] : memref<16x65536xf32, #tpu.memory_space<vmem>>, vector<16x128xf32>
    %get3A_521 = arith.constant 0 : index
    %get3A_522 = arith.constant 18560 : index
    %get3A_523 = vector.load %arg1[%get3A_521, %get3A_522] : memref<16x65536xf32, #tpu.memory_space<vmem>>, vector<16x128xf32>
    %get3A_524 = arith.constant 0 : index
    %get3A_525 = arith.constant 18688 : index
    %get3A_526 = vector.load %arg1[%get3A_524, %get3A_525] : memref<16x65536xf32, #tpu.memory_space<vmem>>, vector<16x128xf32>
    %get3A_527 = arith.constant 0 : index
    %get3A_528 = arith.constant 18816 : index
    %get3A_529 = vector.load %arg1[%get3A_527, %get3A_528] : memref<16x65536xf32, #tpu.memory_space<vmem>>, vector<16x128xf32>
    %get3A_530 = arith.constant 0 : index
    %get3A_531 = arith.constant 18944 : index
    %get3A_532 = vector.load %arg1[%get3A_530, %get3A_531] : memref<16x65536xf32, #tpu.memory_space<vmem>>, vector<16x128xf32>
    %get3A_533 = arith.constant 0 : index
    %get3A_534 = arith.constant 19072 : index
    %get3A_535 = vector.load %arg1[%get3A_533, %get3A_534] : memref<16x65536xf32, #tpu.memory_space<vmem>>, vector<16x128xf32>
    %get3A_536 = arith.constant 0 : index
    %get3A_537 = arith.constant 19200 : index
    %get3A_538 = vector.load %arg1[%get3A_536, %get3A_537] : memref<16x65536xf32, #tpu.memory_space<vmem>>, vector<16x128xf32>
    %get3A_539 = arith.constant 0 : index
    %get3A_540 = arith.constant 19328 : index
    %get3A_541 = vector.load %arg1[%get3A_539, %get3A_540] : memref<16x65536xf32, #tpu.memory_space<vmem>>, vector<16x128xf32>
    %concatenate3A_542 = tpu.concatenate %get3A_520, %get3A_523, %get3A_526, %get3A_529, %get3A_532, %get3A_535, %get3A_538, %get3A_541 in 0 : vector<16x128xf32>, vector<16x128xf32>, vector<16x128xf32>, vector<16x128xf32>, vector<16x128xf32>, vector<16x128xf32>, vector<16x128xf32>, vector<16x128xf32> -> vector<128x128xf32>
    %transpose3A_543 = tpu.transpose %concatenate3A_542, [1, 0] : vector<128x128xf32> -> vector<128x128xf32>
    %swap3A_544 = arith.constant 2304 : index
    %swap3A_545 = arith.constant 0 : index
    %swap3A_546 = vector.load %arg2[%swap3A_544, %swap3A_545] : memref<8192x128xf32, #tpu.memory_space<vmem>>, vector<128x128xf32>
    tpu.vector_store %arg2[%swap3A_544, %swap3A_545], %transpose3A_543 {strides = array<i32>} : memref<8192x128xf32, #tpu.memory_space<vmem>>, vector<128x128xf32>,
    %get3A_547 = arith.constant 0 : index
    %get3A_548 = arith.constant 19456 : index
    %get3A_549 = vector.load %arg1[%get3A_547, %get3A_548] : memref<16x65536xf32, #tpu.memory_space<vmem>>, vector<16x128xf32>
    %get3A_550 = arith.constant 0 : index
    %get3A_551 = arith.constant 19584 : index
    %get3A_552 = vector.load %arg1[%get3A_550, %get3A_551] : memref<16x65536xf32, #tpu.memory_space<vmem>>, vector<16x128xf32>
    %get3A_553 = arith.constant 0 : index
    %get3A_554 = arith.constant 19712 : index
    %get3A_555 = vector.load %arg1[%get3A_553, %get3A_554] : memref<16x65536xf32, #tpu.memory_space<vmem>>, vector<16x128xf32>
    %get3A_556 = arith.constant 0 : index
    %get3A_557 = arith.constant 19840 : index
    %get3A_558 = vector.load %arg1[%get3A_556, %get3A_557] : memref<16x65536xf32, #tpu.memory_space<vmem>>, vector<16x128xf32>
    %get3A_559 = arith.constant 0 : index
    %get3A_560 = arith.constant 19968 : index
    %get3A_561 = vector.load %arg1[%get3A_559, %get3A_560] : memref<16x65536xf32, #tpu.memory_space<vmem>>, vector<16x128xf32>
    %get3A_562 = arith.constant 0 : index
    %get3A_563 = arith.constant 20096 : index
    %get3A_564 = vector.load %arg1[%get3A_562, %get3A_563] : memref<16x65536xf32, #tpu.memory_space<vmem>>, vector<16x128xf32>
    %get3A_565 = arith.constant 0 : index
    %get3A_566 = arith.constant 20224 : index
    %get3A_567 = vector.load %arg1[%get3A_565, %get3A_566] : memref<16x65536xf32, #tpu.memory_space<vmem>>, vector<16x128xf32>
    %get3A_568 = arith.constant 0 : index
    %get3A_569 = arith.constant 20352 : index
    %get3A_570 = vector.load %arg1[%get3A_568, %get3A_569] : memref<16x65536xf32, #tpu.memory_space<vmem>>, vector<16x128xf32>
    %concatenate3A_571 = tpu.concatenate %get3A_549, %get3A_552, %get3A_555, %get3A_558, %get3A_561, %get3A_564, %get3A_567, %get3A_570 in 0 : vector<16x128xf32>, vector<16x128xf32>, vector<16x128xf32>, vector<16x128xf32>, vector<16x128xf32>, vector<16x128xf32>, vector<16x128xf32>, vector<16x128xf32> -> vector<128x128xf32>
    %transpose3A_572 = tpu.transpose %concatenate3A_571, [1, 0] : vector<128x128xf32> -> vector<128x128xf32>
    %swap3A_573 = arith.constant 2432 : index
    %swap3A_574 = arith.constant 0 : index
    %swap3A_575 = vector.load %arg2[%swap3A_573, %swap3A_574] : memref<8192x128xf32, #tpu.memory_space<vmem>>, vector<128x128xf32>
    tpu.vector_store %arg2[%swap3A_573, %swap3A_574], %transpose3A_572 {strides = array<i32>} : memref<8192x128xf32, #tpu.memory_space<vmem>>, vector<128x128xf32>,
    %get3A_576 = arith.constant 0 : index
    %get3A_577 = arith.constant 20480 : index
    %get3A_578 = vector.load %arg1[%get3A_576, %get3A_577] : memref<16x65536xf32, #tpu.memory_space<vmem>>, vector<16x128xf32>
    %get3A_579 = arith.constant 0 : index
    %get3A_580 = arith.constant 20608 : index
    %get3A_581 = vector.load %arg1[%get3A_579, %get3A_580] : memref<16x65536xf32, #tpu.memory_space<vmem>>, vector<16x128xf32>
    %get3A_582 = arith.constant 0 : index
    %get3A_583 = arith.constant 20736 : index
    %get3A_584 = vector.load %arg1[%get3A_582, %get3A_583] : memref<16x65536xf32, #tpu.memory_space<vmem>>, vector<16x128xf32>
    %get3A_585 = arith.constant 0 : index
    %get3A_586 = arith.constant 20864 : index
    %get3A_587 = vector.load %arg1[%get3A_585, %get3A_586] : memref<16x65536xf32, #tpu.memory_space<vmem>>, vector<16x128xf32>
    %get3A_588 = arith.constant 0 : index
    %get3A_589 = arith.constant 20992 : index
    %get3A_590 = vector.load %arg1[%get3A_588, %get3A_589] : memref<16x65536xf32, #tpu.memory_space<vmem>>, vector<16x128xf32>
    %get3A_591 = arith.constant 0 : index
    %get3A_592 = arith.constant 21120 : index
    %get3A_593 = vector.load %arg1[%get3A_591, %get3A_592] : memref<16x65536xf32, #tpu.memory_space<vmem>>, vector<16x128xf32>
    %get3A_594 = arith.constant 0 : index
    %get3A_595 = arith.constant 21248 : index
    %get3A_596 = vector.load %arg1[%get3A_594, %get3A_595] : memref<16x65536xf32, #tpu.memory_space<vmem>>, vector<16x128xf32>
    %get3A_597 = arith.constant 0 : index
    %get3A_598 = arith.constant 21376 : index
    %get3A_599 = vector.load %arg1[%get3A_597, %get3A_598] : memref<16x65536xf32, #tpu.memory_space<vmem>>, vector<16x128xf32>
    %concatenate3A_600 = tpu.concatenate %get3A_578, %get3A_581, %get3A_584, %get3A_587, %get3A_590, %get3A_593, %get3A_596, %get3A_599 in 0 : vector<16x128xf32>, vector<16x128xf32>, vector<16x128xf32>, vector<16x128xf32>, vector<16x128xf32>, vector<16x128xf32>, vector<16x128xf32>, vector<16x128xf32> -> vector<128x128xf32>
    %transpose3A_601 = tpu.transpose %concatenate3A_600, [1, 0] : vector<128x128xf32> -> vector<128x128xf32>
    %swap3A_602 = arith.constant 2560 : index
    %swap3A_603 = arith.constant 0 : index
    %swap3A_604 = vector.load %arg2[%swap3A_602, %swap3A_603] : memref<8192x128xf32, #tpu.memory_space<vmem>>, vector<128x128xf32>
    tpu.vector_store %arg2[%swap3A_602, %swap3A_603], %transpose3A_601 {strides = array<i32>} : memref<8192x128xf32, #tpu.memory_space<vmem>>, vector<128x128xf32>,
    %get3A_605 = arith.constant 0 : index
    %get3A_606 = arith.constant 21504 : index
    %get3A_607 = vector.load %arg1[%get3A_605, %get3A_606] : memref<16x65536xf32, #tpu.memory_space<vmem>>, vector<16x128xf32>
    %get3A_608 = arith.constant 0 : index
    %get3A_609 = arith.constant 21632 : index
    %get3A_610 = vector.load %arg1[%get3A_608, %get3A_609] : memref<16x65536xf32, #tpu.memory_space<vmem>>, vector<16x128xf32>
    %get3A_611 = arith.constant 0 : index
    %get3A_612 = arith.constant 21760 : index
    %get3A_613 = vector.load %arg1[%get3A_611, %get3A_612] : memref<16x65536xf32, #tpu.memory_space<vmem>>, vector<16x128xf32>
    %get3A_614 = arith.constant 0 : index
    %get3A_615 = arith.constant 21888 : index
    %get3A_616 = vector.load %arg1[%get3A_614, %get3A_615] : memref<16x65536xf32, #tpu.memory_space<vmem>>, vector<16x128xf32>
    %get3A_617 = arith.constant 0 : index
    %get3A_618 = arith.constant 22016 : index
    %get3A_619 = vector.load %arg1[%get3A_617, %get3A_618] : memref<16x65536xf32, #tpu.memory_space<vmem>>, vector<16x128xf32>
    %get3A_620 = arith.constant 0 : index
    %get3A_621 = arith.constant 22144 : index
    %get3A_622 = vector.load %arg1[%get3A_620, %get3A_621] : memref<16x65536xf32, #tpu.memory_space<vmem>>, vector<16x128xf32>
    %get3A_623 = arith.constant 0 : index
    %get3A_624 = arith.constant 22272 : index
    %get3A_625 = vector.load %arg1[%get3A_623, %get3A_624] : memref<16x65536xf32, #tpu.memory_space<vmem>>, vector<16x128xf32>
    %get3A_626 = arith.constant 0 : index
    %get3A_627 = arith.constant 22400 : index
    %get3A_628 = vector.load %arg1[%get3A_626, %get3A_627] : memref<16x65536xf32, #tpu.memory_space<vmem>>, vector<16x128xf32>
    %concatenate3A_629 = tpu.concatenate %get3A_607, %get3A_610, %get3A_613, %get3A_616, %get3A_619, %get3A_622, %get3A_625, %get3A_628 in 0 : vector<16x128xf32>, vector<16x128xf32>, vector<16x128xf32>, vector<16x128xf32>, vector<16x128xf32>, vector<16x128xf32>, vector<16x128xf32>, vector<16x128xf32> -> vector<128x128xf32>
    %transpose3A_630 = tpu.transpose %concatenate3A_629, [1, 0] : vector<128x128xf32> -> vector<128x128xf32>
    %swap3A_631 = arith.constant 2688 : index
    %swap3A_632 = arith.constant 0 : index
    %swap3A_633 = vector.load %arg2[%swap3A_631, %swap3A_632] : memref<8192x128xf32, #tpu.memory_space<vmem>>, vector<128x128xf32>
    tpu.vector_store %arg2[%swap3A_631, %swap3A_632], %transpose3A_630 {strides = array<i32>} : memref<8192x128xf32, #tpu.memory_space<vmem>>, vector<128x128xf32>,
    %get3A_634 = arith.constant 0 : index
    %get3A_635 = arith.constant 22528 : index
    %get3A_636 = vector.load %arg1[%get3A_634, %get3A_635] : memref<16x65536xf32, #tpu.memory_space<vmem>>, vector<16x128xf32>
    %get3A_637 = arith.constant 0 : index
    %get3A_638 = arith.constant 22656 : index
    %get3A_639 = vector.load %arg1[%get3A_637, %get3A_638] : memref<16x65536xf32, #tpu.memory_space<vmem>>, vector<16x128xf32>
    %get3A_640 = arith.constant 0 : index
    %get3A_641 = arith.constant 22784 : index
    %get3A_642 = vector.load %arg1[%get3A_640, %get3A_641] : memref<16x65536xf32, #tpu.memory_space<vmem>>, vector<16x128xf32>
    %get3A_643 = arith.constant 0 : index
    %get3A_644 = arith.constant 22912 : index
    %get3A_645 = vector.load %arg1[%get3A_643, %get3A_644] : memref<16x65536xf32, #tpu.memory_space<vmem>>, vector<16x128xf32>
    %get3A_646 = arith.constant 0 : index
    %get3A_647 = arith.constant 23040 : index
    %get3A_648 = vector.load %arg1[%get3A_646, %get3A_647] : memref<16x65536xf32, #tpu.memory_space<vmem>>, vector<16x128xf32>
    %get3A_649 = arith.constant 0 : index
    %get3A_650 = arith.constant 23168 : index
    %get3A_651 = vector.load %arg1[%get3A_649, %get3A_650] : memref<16x65536xf32, #tpu.memory_space<vmem>>, vector<16x128xf32>
    %get3A_652 = arith.constant 0 : index
    %get3A_653 = arith.constant 23296 : index
    %get3A_654 = vector.load %arg1[%get3A_652, %get3A_653] : memref<16x65536xf32, #tpu.memory_space<vmem>>, vector<16x128xf32>
    %get3A_655 = arith.constant 0 : index
    %get3A_656 = arith.constant 23424 : index
    %get3A_657 = vector.load %arg1[%get3A_655, %get3A_656] : memref<16x65536xf32, #tpu.memory_space<vmem>>, vector<16x128xf32>
    %concatenate3A_658 = tpu.concatenate %get3A_636, %get3A_639, %get3A_642, %get3A_645, %get3A_648, %get3A_651, %get3A_654, %get3A_657 in 0 : vector<16x128xf32>, vector<16x128xf32>, vector<16x128xf32>, vector<16x128xf32>, vector<16x128xf32>, vector<16x128xf32>, vector<16x128xf32>, vector<16x128xf32> -> vector<128x128xf32>
    %transpose3A_659 = tpu.transpose %concatenate3A_658, [1, 0] : vector<128x128xf32> -> vector<128x128xf32>
    %swap3A_660 = arith.constant 2816 : index
    %swap3A_661 = arith.constant 0 : index
    %swap3A_662 = vector.load %arg2[%swap3A_660, %swap3A_661] : memref<8192x128xf32, #tpu.memory_space<vmem>>, vector<128x128xf32>
    tpu.vector_store %arg2[%swap3A_660, %swap3A_661], %transpose3A_659 {strides = array<i32>} : memref<8192x128xf32, #tpu.memory_space<vmem>>, vector<128x128xf32>,
    %get3A_663 = arith.constant 0 : index
    %get3A_664 = arith.constant 23552 : index
    %get3A_665 = vector.load %arg1[%get3A_663, %get3A_664] : memref<16x65536xf32, #tpu.memory_space<vmem>>, vector<16x128xf32>
    %get3A_666 = arith.constant 0 : index
    %get3A_667 = arith.constant 23680 : index
    %get3A_668 = vector.load %arg1[%get3A_666, %get3A_667] : memref<16x65536xf32, #tpu.memory_space<vmem>>, vector<16x128xf32>
    %get3A_669 = arith.constant 0 : index
    %get3A_670 = arith.constant 23808 : index
    %get3A_671 = vector.load %arg1[%get3A_669, %get3A_670] : memref<16x65536xf32, #tpu.memory_space<vmem>>, vector<16x128xf32>
    %get3A_672 = arith.constant 0 : index
    %get3A_673 = arith.constant 23936 : index
    %get3A_674 = vector.load %arg1[%get3A_672, %get3A_673] : memref<16x65536xf32, #tpu.memory_space<vmem>>, vector<16x128xf32>
    %get3A_675 = arith.constant 0 : index
    %get3A_676 = arith.constant 24064 : index
    %get3A_677 = vector.load %arg1[%get3A_675, %get3A_676] : memref<16x65536xf32, #tpu.memory_space<vmem>>, vector<16x128xf32>
    %get3A_678 = arith.constant 0 : index
    %get3A_679 = arith.constant 24192 : index
    %get3A_680 = vector.load %arg1[%get3A_678, %get3A_679] : memref<16x65536xf32, #tpu.memory_space<vmem>>, vector<16x128xf32>
    %get3A_681 = arith.constant 0 : index
    %get3A_682 = arith.constant 24320 : index
    %get3A_683 = vector.load %arg1[%get3A_681, %get3A_682] : memref<16x65536xf32, #tpu.memory_space<vmem>>, vector<16x128xf32>
    %get3A_684 = arith.constant 0 : index
    %get3A_685 = arith.constant 24448 : index
    %get3A_686 = vector.load %arg1[%get3A_684, %get3A_685] : memref<16x65536xf32, #tpu.memory_space<vmem>>, vector<16x128xf32>
    %concatenate3A_687 = tpu.concatenate %get3A_665, %get3A_668, %get3A_671, %get3A_674, %get3A_677, %get3A_680, %get3A_683, %get3A_686 in 0 : vector<16x128xf32>, vector<16x128xf32>, vector<16x128xf32>, vector<16x128xf32>, vector<16x128xf32>, vector<16x128xf32>, vector<16x128xf32>, vector<16x128xf32> -> vector<128x128xf32>
    %transpose3A_688 = tpu.transpose %concatenate3A_687, [1, 0] : vector<128x128xf32> -> vector<128x128xf32>
    %swap3A_689 = arith.constant 2944 : index
    %swap3A_690 = arith.constant 0 : index
    %swap3A_691 = vector.load %arg2[%swap3A_689, %swap3A_690] : memref<8192x128xf32, #tpu.memory_space<vmem>>, vector<128x128xf32>
    tpu.vector_store %arg2[%swap3A_689, %swap3A_690], %transpose3A_688 {strides = array<i32>} : memref<8192x128xf32, #tpu.memory_space<vmem>>, vector<128x128xf32>,
    %get3A_692 = arith.constant 0 : index
    %get3A_693 = arith.constant 24576 : index
    %get3A_694 = vector.load %arg1[%get3A_692, %get3A_693] : memref<16x65536xf32, #tpu.memory_space<vmem>>, vector<16x128xf32>
    %get3A_695 = arith.constant 0 : index
    %get3A_696 = arith.constant 24704 : index
    %get3A_697 = vector.load %arg1[%get3A_695, %get3A_696] : memref<16x65536xf32, #tpu.memory_space<vmem>>, vector<16x128xf32>
    %get3A_698 = arith.constant 0 : index
    %get3A_699 = arith.constant 24832 : index
    %get3A_700 = vector.load %arg1[%get3A_698, %get3A_699] : memref<16x65536xf32, #tpu.memory_space<vmem>>, vector<16x128xf32>
    %get3A_701 = arith.constant 0 : index
    %get3A_702 = arith.constant 24960 : index
    %get3A_703 = vector.load %arg1[%get3A_701, %get3A_702] : memref<16x65536xf32, #tpu.memory_space<vmem>>, vector<16x128xf32>
    %get3A_704 = arith.constant 0 : index
    %get3A_705 = arith.constant 25088 : index
    %get3A_706 = vector.load %arg1[%get3A_704, %get3A_705] : memref<16x65536xf32, #tpu.memory_space<vmem>>, vector<16x128xf32>
    %get3A_707 = arith.constant 0 : index
    %get3A_708 = arith.constant 25216 : index
    %get3A_709 = vector.load %arg1[%get3A_707, %get3A_708] : memref<16x65536xf32, #tpu.memory_space<vmem>>, vector<16x128xf32>
    %get3A_710 = arith.constant 0 : index
    %get3A_711 = arith.constant 25344 : index
    %get3A_712 = vector.load %arg1[%get3A_710, %get3A_711] : memref<16x65536xf32, #tpu.memory_space<vmem>>, vector<16x128xf32>
    %get3A_713 = arith.constant 0 : index
    %get3A_714 = arith.constant 25472 : index
    %get3A_715 = vector.load %arg1[%get3A_713, %get3A_714] : memref<16x65536xf32, #tpu.memory_space<vmem>>, vector<16x128xf32>
    %concatenate3A_716 = tpu.concatenate %get3A_694, %get3A_697, %get3A_700, %get3A_703, %get3A_706, %get3A_709, %get3A_712, %get3A_715 in 0 : vector<16x128xf32>, vector<16x128xf32>, vector<16x128xf32>, vector<16x128xf32>, vector<16x128xf32>, vector<16x128xf32>, vector<16x128xf32>, vector<16x128xf32> -> vector<128x128xf32>
    %transpose3A_717 = tpu.transpose %concatenate3A_716, [1, 0] : vector<128x128xf32> -> vector<128x128xf32>
    %swap3A_718 = arith.constant 3072 : index
    %swap3A_719 = arith.constant 0 : index
    %swap3A_720 = vector.load %arg2[%swap3A_718, %swap3A_719] : memref<8192x128xf32, #tpu.memory_space<vmem>>, vector<128x128xf32>
    tpu.vector_store %arg2[%swap3A_718, %swap3A_719], %transpose3A_717 {strides = array<i32>} : memref<8192x128xf32, #tpu.memory_space<vmem>>, vector<128x128xf32>,
    %get3A_721 = arith.constant 0 : index
    %get3A_722 = arith.constant 25600 : index
    %get3A_723 = vector.load %arg1[%get3A_721, %get3A_722] : memref<16x65536xf32, #tpu.memory_space<vmem>>, vector<16x128xf32>
    %get3A_724 = arith.constant 0 : index
    %get3A_725 = arith.constant 25728 : index
    %get3A_726 = vector.load %arg1[%get3A_724, %get3A_725] : memref<16x65536xf32, #tpu.memory_space<vmem>>, vector<16x128xf32>
    %get3A_727 = arith.constant 0 : index
    %get3A_728 = arith.constant 25856 : index
    %get3A_729 = vector.load %arg1[%get3A_727, %get3A_728] : memref<16x65536xf32, #tpu.memory_space<vmem>>, vector<16x128xf32>
    %get3A_730 = arith.constant 0 : index
    %get3A_731 = arith.constant 25984 : index
    %get3A_732 = vector.load %arg1[%get3A_730, %get3A_731] : memref<16x65536xf32, #tpu.memory_space<vmem>>, vector<16x128xf32>
    %get3A_733 = arith.constant 0 : index
    %get3A_734 = arith.constant 26112 : index
    %get3A_735 = vector.load %arg1[%get3A_733, %get3A_734] : memref<16x65536xf32, #tpu.memory_space<vmem>>, vector<16x128xf32>
    %get3A_736 = arith.constant 0 : index
    %get3A_737 = arith.constant 26240 : index
    %get3A_738 = vector.load %arg1[%get3A_736, %get3A_737] : memref<16x65536xf32, #tpu.memory_space<vmem>>, vector<16x128xf32>
    %get3A_739 = arith.constant 0 : index
    %get3A_740 = arith.constant 26368 : index
    %get3A_741 = vector.load %arg1[%get3A_739, %get3A_740] : memref<16x65536xf32, #tpu.memory_space<vmem>>, vector<16x128xf32>
    %get3A_742 = arith.constant 0 : index
    %get3A_743 = arith.constant 26496 : index
    %get3A_744 = vector.load %arg1[%get3A_742, %get3A_743] : memref<16x65536xf32, #tpu.memory_space<vmem>>, vector<16x128xf32>
    %concatenate3A_745 = tpu.concatenate %get3A_723, %get3A_726, %get3A_729, %get3A_732, %get3A_735, %get3A_738, %get3A_741, %get3A_744 in 0 : vector<16x128xf32>, vector<16x128xf32>, vector<16x128xf32>, vector<16x128xf32>, vector<16x128xf32>, vector<16x128xf32>, vector<16x128xf32>, vector<16x128xf32> -> vector<128x128xf32>
    %transpose3A_746 = tpu.transpose %concatenate3A_745, [1, 0] : vector<128x128xf32> -> vector<128x128xf32>
    %swap3A_747 = arith.constant 3200 : index
    %swap3A_748 = arith.constant 0 : index
    %swap3A_749 = vector.load %arg2[%swap3A_747, %swap3A_748] : memref<8192x128xf32, #tpu.memory_space<vmem>>, vector<128x128xf32>
    tpu.vector_store %arg2[%swap3A_747, %swap3A_748], %transpose3A_746 {strides = array<i32>} : memref<8192x128xf32, #tpu.memory_space<vmem>>, vector<128x128xf32>,
    %get3A_750 = arith.constant 0 : index
    %get3A_751 = arith.constant 26624 : index
    %get3A_752 = vector.load %arg1[%get3A_750, %get3A_751] : memref<16x65536xf32, #tpu.memory_space<vmem>>, vector<16x128xf32>
    %get3A_753 = arith.constant 0 : index
    %get3A_754 = arith.constant 26752 : index
    %get3A_755 = vector.load %arg1[%get3A_753, %get3A_754] : memref<16x65536xf32, #tpu.memory_space<vmem>>, vector<16x128xf32>
    %get3A_756 = arith.constant 0 : index
    %get3A_757 = arith.constant 26880 : index
    %get3A_758 = vector.load %arg1[%get3A_756, %get3A_757] : memref<16x65536xf32, #tpu.memory_space<vmem>>, vector<16x128xf32>
    %get3A_759 = arith.constant 0 : index
    %get3A_760 = arith.constant 27008 : index
    %get3A_761 = vector.load %arg1[%get3A_759, %get3A_760] : memref<16x65536xf32, #tpu.memory_space<vmem>>, vector<16x128xf32>
    %get3A_762 = arith.constant 0 : index
    %get3A_763 = arith.constant 27136 : index
    %get3A_764 = vector.load %arg1[%get3A_762, %get3A_763] : memref<16x65536xf32, #tpu.memory_space<vmem>>, vector<16x128xf32>
    %get3A_765 = arith.constant 0 : index
    %get3A_766 = arith.constant 27264 : index
    %get3A_767 = vector.load %arg1[%get3A_765, %get3A_766] : memref<16x65536xf32, #tpu.memory_space<vmem>>, vector<16x128xf32>
    %get3A_768 = arith.constant 0 : index
    %get3A_769 = arith.constant 27392 : index
    %get3A_770 = vector.load %arg1[%get3A_768, %get3A_769] : memref<16x65536xf32, #tpu.memory_space<vmem>>, vector<16x128xf32>
    %get3A_771 = arith.constant 0 : index
    %get3A_772 = arith.constant 27520 : index
    %get3A_773 = vector.load %arg1[%get3A_771, %get3A_772] : memref<16x65536xf32, #tpu.memory_space<vmem>>, vector<16x128xf32>
    %concatenate3A_774 = tpu.concatenate %get3A_752, %get3A_755, %get3A_758, %get3A_761, %get3A_764, %get3A_767, %get3A_770, %get3A_773 in 0 : vector<16x128xf32>, vector<16x128xf32>, vector<16x128xf32>, vector<16x128xf32>, vector<16x128xf32>, vector<16x128xf32>, vector<16x128xf32>, vector<16x128xf32> -> vector<128x128xf32>
    %transpose3A_775 = tpu.transpose %concatenate3A_774, [1, 0] : vector<128x128xf32> -> vector<128x128xf32>
    %swap3A_776 = arith.constant 3328 : index
    %swap3A_777 = arith.constant 0 : index
    %swap3A_778 = vector.load %arg2[%swap3A_776, %swap3A_777] : memref<8192x128xf32, #tpu.memory_space<vmem>>, vector<128x128xf32>
    tpu.vector_store %arg2[%swap3A_776, %swap3A_777], %transpose3A_775 {strides = array<i32>} : memref<8192x128xf32, #tpu.memory_space<vmem>>, vector<128x128xf32>,
    %get3A_779 = arith.constant 0 : index
    %get3A_780 = arith.constant 27648 : index
    %get3A_781 = vector.load %arg1[%get3A_779, %get3A_780] : memref<16x65536xf32, #tpu.memory_space<vmem>>, vector<16x128xf32>
    %get3A_782 = arith.constant 0 : index
    %get3A_783 = arith.constant 27776 : index
    %get3A_784 = vector.load %arg1[%get3A_782, %get3A_783] : memref<16x65536xf32, #tpu.memory_space<vmem>>, vector<16x128xf32>
    %get3A_785 = arith.constant 0 : index
    %get3A_786 = arith.constant 27904 : index
    %get3A_787 = vector.load %arg1[%get3A_785, %get3A_786] : memref<16x65536xf32, #tpu.memory_space<vmem>>, vector<16x128xf32>
    %get3A_788 = arith.constant 0 : index
    %get3A_789 = arith.constant 28032 : index
    %get3A_790 = vector.load %arg1[%get3A_788, %get3A_789] : memref<16x65536xf32, #tpu.memory_space<vmem>>, vector<16x128xf32>
    %get3A_791 = arith.constant 0 : index
    %get3A_792 = arith.constant 28160 : index
    %get3A_793 = vector.load %arg1[%get3A_791, %get3A_792] : memref<16x65536xf32, #tpu.memory_space<vmem>>, vector<16x128xf32>
    %get3A_794 = arith.constant 0 : index
    %get3A_795 = arith.constant 28288 : index
    %get3A_796 = vector.load %arg1[%get3A_794, %get3A_795] : memref<16x65536xf32, #tpu.memory_space<vmem>>, vector<16x128xf32>
    %get3A_797 = arith.constant 0 : index
    %get3A_798 = arith.constant 28416 : index
    %get3A_799 = vector.load %arg1[%get3A_797, %get3A_798] : memref<16x65536xf32, #tpu.memory_space<vmem>>, vector<16x128xf32>
    %get3A_800 = arith.constant 0 : index
    %get3A_801 = arith.constant 28544 : index
    %get3A_802 = vector.load %arg1[%get3A_800, %get3A_801] : memref<16x65536xf32, #tpu.memory_space<vmem>>, vector<16x128xf32>
    %concatenate3A_803 = tpu.concatenate %get3A_781, %get3A_784, %get3A_787, %get3A_790, %get3A_793, %get3A_796, %get3A_799, %get3A_802 in 0 : vector<16x128xf32>, vector<16x128xf32>, vector<16x128xf32>, vector<16x128xf32>, vector<16x128xf32>, vector<16x128xf32>, vector<16x128xf32>, vector<16x128xf32> -> vector<128x128xf32>
    %transpose3A_804 = tpu.transpose %concatenate3A_803, [1, 0] : vector<128x128xf32> -> vector<128x128xf32>
    %swap3A_805 = arith.constant 3456 : index
    %swap3A_806 = arith.constant 0 : index
    %swap3A_807 = vector.load %arg2[%swap3A_805, %swap3A_806] : memref<8192x128xf32, #tpu.memory_space<vmem>>, vector<128x128xf32>
    tpu.vector_store %arg2[%swap3A_805, %swap3A_806], %transpose3A_804 {strides = array<i32>} : memref<8192x128xf32, #tpu.memory_space<vmem>>, vector<128x128xf32>,
    %get3A_808 = arith.constant 0 : index
    %get3A_809 = arith.constant 28672 : index
    %get3A_810 = vector.load %arg1[%get3A_808, %get3A_809] : memref<16x65536xf32, #tpu.memory_space<vmem>>, vector<16x128xf32>
    %get3A_811 = arith.constant 0 : index
    %get3A_812 = arith.constant 28800 : index
    %get3A_813 = vector.load %arg1[%get3A_811, %get3A_812] : memref<16x65536xf32, #tpu.memory_space<vmem>>, vector<16x128xf32>
    %get3A_814 = arith.constant 0 : index
    %get3A_815 = arith.constant 28928 : index
    %get3A_816 = vector.load %arg1[%get3A_814, %get3A_815] : memref<16x65536xf32, #tpu.memory_space<vmem>>, vector<16x128xf32>
    %get3A_817 = arith.constant 0 : index
    %get3A_818 = arith.constant 29056 : index
    %get3A_819 = vector.load %arg1[%get3A_817, %get3A_818] : memref<16x65536xf32, #tpu.memory_space<vmem>>, vector<16x128xf32>
    %get3A_820 = arith.constant 0 : index
    %get3A_821 = arith.constant 29184 : index
    %get3A_822 = vector.load %arg1[%get3A_820, %get3A_821] : memref<16x65536xf32, #tpu.memory_space<vmem>>, vector<16x128xf32>
    %get3A_823 = arith.constant 0 : index
    %get3A_824 = arith.constant 29312 : index
    %get3A_825 = vector.load %arg1[%get3A_823, %get3A_824] : memref<16x65536xf32, #tpu.memory_space<vmem>>, vector<16x128xf32>
    %get3A_826 = arith.constant 0 : index
    %get3A_827 = arith.constant 29440 : index
    %get3A_828 = vector.load %arg1[%get3A_826, %get3A_827] : memref<16x65536xf32, #tpu.memory_space<vmem>>, vector<16x128xf32>
    %get3A_829 = arith.constant 0 : index
    %get3A_830 = arith.constant 29568 : index
    %get3A_831 = vector.load %arg1[%get3A_829, %get3A_830] : memref<16x65536xf32, #tpu.memory_space<vmem>>, vector<16x128xf32>
    %concatenate3A_832 = tpu.concatenate %get3A_810, %get3A_813, %get3A_816, %get3A_819, %get3A_822, %get3A_825, %get3A_828, %get3A_831 in 0 : vector<16x128xf32>, vector<16x128xf32>, vector<16x128xf32>, vector<16x128xf32>, vector<16x128xf32>, vector<16x128xf32>, vector<16x128xf32>, vector<16x128xf32> -> vector<128x128xf32>
    %transpose3A_833 = tpu.transpose %concatenate3A_832, [1, 0] : vector<128x128xf32> -> vector<128x128xf32>
    %swap3A_834 = arith.constant 3584 : index
    %swap3A_835 = arith.constant 0 : index
    %swap3A_836 = vector.load %arg2[%swap3A_834, %swap3A_835] : memref<8192x128xf32, #tpu.memory_space<vmem>>, vector<128x128xf32>
    tpu.vector_store %arg2[%swap3A_834, %swap3A_835], %transpose3A_833 {strides = array<i32>} : memref<8192x128xf32, #tpu.memory_space<vmem>>, vector<128x128xf32>,
    %get3A_837 = arith.constant 0 : index
    %get3A_838 = arith.constant 29696 : index
    %get3A_839 = vector.load %arg1[%get3A_837, %get3A_838] : memref<16x65536xf32, #tpu.memory_space<vmem>>, vector<16x128xf32>
    %get3A_840 = arith.constant 0 : index
    %get3A_841 = arith.constant 29824 : index
    %get3A_842 = vector.load %arg1[%get3A_840, %get3A_841] : memref<16x65536xf32, #tpu.memory_space<vmem>>, vector<16x128xf32>
    %get3A_843 = arith.constant 0 : index
    %get3A_844 = arith.constant 29952 : index
    %get3A_845 = vector.load %arg1[%get3A_843, %get3A_844] : memref<16x65536xf32, #tpu.memory_space<vmem>>, vector<16x128xf32>
    %get3A_846 = arith.constant 0 : index
    %get3A_847 = arith.constant 30080 : index
    %get3A_848 = vector.load %arg1[%get3A_846, %get3A_847] : memref<16x65536xf32, #tpu.memory_space<vmem>>, vector<16x128xf32>
    %get3A_849 = arith.constant 0 : index
    %get3A_850 = arith.constant 30208 : index
    %get3A_851 = vector.load %arg1[%get3A_849, %get3A_850] : memref<16x65536xf32, #tpu.memory_space<vmem>>, vector<16x128xf32>
    %get3A_852 = arith.constant 0 : index
    %get3A_853 = arith.constant 30336 : index
    %get3A_854 = vector.load %arg1[%get3A_852, %get3A_853] : memref<16x65536xf32, #tpu.memory_space<vmem>>, vector<16x128xf32>
    %get3A_855 = arith.constant 0 : index
    %get3A_856 = arith.constant 30464 : index
    %get3A_857 = vector.load %arg1[%get3A_855, %get3A_856] : memref<16x65536xf32, #tpu.memory_space<vmem>>, vector<16x128xf32>
    %get3A_858 = arith.constant 0 : index
    %get3A_859 = arith.constant 30592 : index
    %get3A_860 = vector.load %arg1[%get3A_858, %get3A_859] : memref<16x65536xf32, #tpu.memory_space<vmem>>, vector<16x128xf32>
    %concatenate3A_861 = tpu.concatenate %get3A_839, %get3A_842, %get3A_845, %get3A_848, %get3A_851, %get3A_854, %get3A_857, %get3A_860 in 0 : vector<16x128xf32>, vector<16x128xf32>, vector<16x128xf32>, vector<16x128xf32>, vector<16x128xf32>, vector<16x128xf32>, vector<16x128xf32>, vector<16x128xf32> -> vector<128x128xf32>
    %transpose3A_862 = tpu.transpose %concatenate3A_861, [1, 0] : vector<128x128xf32> -> vector<128x128xf32>
    %swap3A_863 = arith.constant 3712 : index
    %swap3A_864 = arith.constant 0 : index
    %swap3A_865 = vector.load %arg2[%swap3A_863, %swap3A_864] : memref<8192x128xf32, #tpu.memory_space<vmem>>, vector<128x128xf32>
    tpu.vector_store %arg2[%swap3A_863, %swap3A_864], %transpose3A_862 {strides = array<i32>} : memref<8192x128xf32, #tpu.memory_space<vmem>>, vector<128x128xf32>,
    %get3A_866 = arith.constant 0 : index
    %get3A_867 = arith.constant 30720 : index
    %get3A_868 = vector.load %arg1[%get3A_866, %get3A_867] : memref<16x65536xf32, #tpu.memory_space<vmem>>, vector<16x128xf32>
    %get3A_869 = arith.constant 0 : index
    %get3A_870 = arith.constant 30848 : index
    %get3A_871 = vector.load %arg1[%get3A_869, %get3A_870] : memref<16x65536xf32, #tpu.memory_space<vmem>>, vector<16x128xf32>
    %get3A_872 = arith.constant 0 : index
    %get3A_873 = arith.constant 30976 : index
    %get3A_874 = vector.load %arg1[%get3A_872, %get3A_873] : memref<16x65536xf32, #tpu.memory_space<vmem>>, vector<16x128xf32>
    %get3A_875 = arith.constant 0 : index
    %get3A_876 = arith.constant 31104 : index
    %get3A_877 = vector.load %arg1[%get3A_875, %get3A_876] : memref<16x65536xf32, #tpu.memory_space<vmem>>, vector<16x128xf32>
    %get3A_878 = arith.constant 0 : index
    %get3A_879 = arith.constant 31232 : index
    %get3A_880 = vector.load %arg1[%get3A_878, %get3A_879] : memref<16x65536xf32, #tpu.memory_space<vmem>>, vector<16x128xf32>
    %get3A_881 = arith.constant 0 : index
    %get3A_882 = arith.constant 31360 : index
    %get3A_883 = vector.load %arg1[%get3A_881, %get3A_882] : memref<16x65536xf32, #tpu.memory_space<vmem>>, vector<16x128xf32>
    %get3A_884 = arith.constant 0 : index
    %get3A_885 = arith.constant 31488 : index
    %get3A_886 = vector.load %arg1[%get3A_884, %get3A_885] : memref<16x65536xf32, #tpu.memory_space<vmem>>, vector<16x128xf32>
    %get3A_887 = arith.constant 0 : index
    %get3A_888 = arith.constant 31616 : index
    %get3A_889 = vector.load %arg1[%get3A_887, %get3A_888] : memref<16x65536xf32, #tpu.memory_space<vmem>>, vector<16x128xf32>
    %concatenate3A_890 = tpu.concatenate %get3A_868, %get3A_871, %get3A_874, %get3A_877, %get3A_880, %get3A_883, %get3A_886, %get3A_889 in 0 : vector<16x128xf32>, vector<16x128xf32>, vector<16x128xf32>, vector<16x128xf32>, vector<16x128xf32>, vector<16x128xf32>, vector<16x128xf32>, vector<16x128xf32> -> vector<128x128xf32>
    %transpose3A_891 = tpu.transpose %concatenate3A_890, [1, 0] : vector<128x128xf32> -> vector<128x128xf32>
    %swap3A_892 = arith.constant 3840 : index
    %swap3A_893 = arith.constant 0 : index
    %swap3A_894 = vector.load %arg2[%swap3A_892, %swap3A_893] : memref<8192x128xf32, #tpu.memory_space<vmem>>, vector<128x128xf32>
    tpu.vector_store %arg2[%swap3A_892, %swap3A_893], %transpose3A_891 {strides = array<i32>} : memref<8192x128xf32, #tpu.memory_space<vmem>>, vector<128x128xf32>,
    %get3A_895 = arith.constant 0 : index
    %get3A_896 = arith.constant 31744 : index
    %get3A_897 = vector.load %arg1[%get3A_895, %get3A_896] : memref<16x65536xf32, #tpu.memory_space<vmem>>, vector<16x128xf32>
    %get3A_898 = arith.constant 0 : index
    %get3A_899 = arith.constant 31872 : index
    %get3A_900 = vector.load %arg1[%get3A_898, %get3A_899] : memref<16x65536xf32, #tpu.memory_space<vmem>>, vector<16x128xf32>
    %get3A_901 = arith.constant 0 : index
    %get3A_902 = arith.constant 32000 : index
    %get3A_903 = vector.load %arg1[%get3A_901, %get3A_902] : memref<16x65536xf32, #tpu.memory_space<vmem>>, vector<16x128xf32>
    %get3A_904 = arith.constant 0 : index
    %get3A_905 = arith.constant 32128 : index
    %get3A_906 = vector.load %arg1[%get3A_904, %get3A_905] : memref<16x65536xf32, #tpu.memory_space<vmem>>, vector<16x128xf32>
    %get3A_907 = arith.constant 0 : index
    %get3A_908 = arith.constant 32256 : index
    %get3A_909 = vector.load %arg1[%get3A_907, %get3A_908] : memref<16x65536xf32, #tpu.memory_space<vmem>>, vector<16x128xf32>
    %get3A_910 = arith.constant 0 : index
    %get3A_911 = arith.constant 32384 : index
    %get3A_912 = vector.load %arg1[%get3A_910, %get3A_911] : memref<16x65536xf32, #tpu.memory_space<vmem>>, vector<16x128xf32>
    %get3A_913 = arith.constant 0 : index
    %get3A_914 = arith.constant 32512 : index
    %get3A_915 = vector.load %arg1[%get3A_913, %get3A_914] : memref<16x65536xf32, #tpu.memory_space<vmem>>, vector<16x128xf32>
    %get3A_916 = arith.constant 0 : index
    %get3A_917 = arith.constant 32640 : index
    %get3A_918 = vector.load %arg1[%get3A_916, %get3A_917] : memref<16x65536xf32, #tpu.memory_space<vmem>>, vector<16x128xf32>
    %concatenate3A_919 = tpu.concatenate %get3A_897, %get3A_900, %get3A_903, %get3A_906, %get3A_909, %get3A_912, %get3A_915, %get3A_918 in 0 : vector<16x128xf32>, vector<16x128xf32>, vector<16x128xf32>, vector<16x128xf32>, vector<16x128xf32>, vector<16x128xf32>, vector<16x128xf32>, vector<16x128xf32> -> vector<128x128xf32>
    %transpose3A_920 = tpu.transpose %concatenate3A_919, [1, 0] : vector<128x128xf32> -> vector<128x128xf32>
    %swap3A_921 = arith.constant 3968 : index
    %swap3A_922 = arith.constant 0 : index
    %swap3A_923 = vector.load %arg2[%swap3A_921, %swap3A_922] : memref<8192x128xf32, #tpu.memory_space<vmem>>, vector<128x128xf32>
    tpu.vector_store %arg2[%swap3A_921, %swap3A_922], %transpose3A_920 {strides = array<i32>} : memref<8192x128xf32, #tpu.memory_space<vmem>>, vector<128x128xf32>,
    %get3A_924 = arith.constant 0 : index
    %get3A_925 = arith.constant 32768 : index
    %get3A_926 = vector.load %arg1[%get3A_924, %get3A_925] : memref<16x65536xf32, #tpu.memory_space<vmem>>, vector<16x128xf32>
    %get3A_927 = arith.constant 0 : index
    %get3A_928 = arith.constant 32896 : index
    %get3A_929 = vector.load %arg1[%get3A_927, %get3A_928] : memref<16x65536xf32, #tpu.memory_space<vmem>>, vector<16x128xf32>
    %get3A_930 = arith.constant 0 : index
    %get3A_931 = arith.constant 33024 : index
    %get3A_932 = vector.load %arg1[%get3A_930, %get3A_931] : memref<16x65536xf32, #tpu.memory_space<vmem>>, vector<16x128xf32>
    %get3A_933 = arith.constant 0 : index
    %get3A_934 = arith.constant 33152 : index
    %get3A_935 = vector.load %arg1[%get3A_933, %get3A_934] : memref<16x65536xf32, #tpu.memory_space<vmem>>, vector<16x128xf32>
    %get3A_936 = arith.constant 0 : index
    %get3A_937 = arith.constant 33280 : index
    %get3A_938 = vector.load %arg1[%get3A_936, %get3A_937] : memref<16x65536xf32, #tpu.memory_space<vmem>>, vector<16x128xf32>
    %get3A_939 = arith.constant 0 : index
    %get3A_940 = arith.constant 33408 : index
    %get3A_941 = vector.load %arg1[%get3A_939, %get3A_940] : memref<16x65536xf32, #tpu.memory_space<vmem>>, vector<16x128xf32>
    %get3A_942 = arith.constant 0 : index
    %get3A_943 = arith.constant 33536 : index
    %get3A_944 = vector.load %arg1[%get3A_942, %get3A_943] : memref<16x65536xf32, #tpu.memory_space<vmem>>, vector<16x128xf32>
    %get3A_945 = arith.constant 0 : index
    %get3A_946 = arith.constant 33664 : index
    %get3A_947 = vector.load %arg1[%get3A_945, %get3A_946] : memref<16x65536xf32, #tpu.memory_space<vmem>>, vector<16x128xf32>
    %concatenate3A_948 = tpu.concatenate %get3A_926, %get3A_929, %get3A_932, %get3A_935, %get3A_938, %get3A_941, %get3A_944, %get3A_947 in 0 : vector<16x128xf32>, vector<16x128xf32>, vector<16x128xf32>, vector<16x128xf32>, vector<16x128xf32>, vector<16x128xf32>, vector<16x128xf32>, vector<16x128xf32> -> vector<128x128xf32>
    %transpose3A_949 = tpu.transpose %concatenate3A_948, [1, 0] : vector<128x128xf32> -> vector<128x128xf32>
    %swap3A_950 = arith.constant 4096 : index
    %swap3A_951 = arith.constant 0 : index
    %swap3A_952 = vector.load %arg2[%swap3A_950, %swap3A_951] : memref<8192x128xf32, #tpu.memory_space<vmem>>, vector<128x128xf32>
    tpu.vector_store %arg2[%swap3A_950, %swap3A_951], %transpose3A_949 {strides = array<i32>} : memref<8192x128xf32, #tpu.memory_space<vmem>>, vector<128x128xf32>,
    %get3A_953 = arith.constant 0 : index
    %get3A_954 = arith.constant 33792 : index
    %get3A_955 = vector.load %arg1[%get3A_953, %get3A_954] : memref<16x65536xf32, #tpu.memory_space<vmem>>, vector<16x128xf32>
    %get3A_956 = arith.constant 0 : index
    %get3A_957 = arith.constant 33920 : index
    %get3A_958 = vector.load %arg1[%get3A_956, %get3A_957] : memref<16x65536xf32, #tpu.memory_space<vmem>>, vector<16x128xf32>
    %get3A_959 = arith.constant 0 : index
    %get3A_960 = arith.constant 34048 : index
    %get3A_961 = vector.load %arg1[%get3A_959, %get3A_960] : memref<16x65536xf32, #tpu.memory_space<vmem>>, vector<16x128xf32>
    %get3A_962 = arith.constant 0 : index
    %get3A_963 = arith.constant 34176 : index
    %get3A_964 = vector.load %arg1[%get3A_962, %get3A_963] : memref<16x65536xf32, #tpu.memory_space<vmem>>, vector<16x128xf32>
    %get3A_965 = arith.constant 0 : index
    %get3A_966 = arith.constant 34304 : index
    %get3A_967 = vector.load %arg1[%get3A_965, %get3A_966] : memref<16x65536xf32, #tpu.memory_space<vmem>>, vector<16x128xf32>
    %get3A_968 = arith.constant 0 : index
    %get3A_969 = arith.constant 34432 : index
    %get3A_970 = vector.load %arg1[%get3A_968, %get3A_969] : memref<16x65536xf32, #tpu.memory_space<vmem>>, vector<16x128xf32>
    %get3A_971 = arith.constant 0 : index
    %get3A_972 = arith.constant 34560 : index
    %get3A_973 = vector.load %arg1[%get3A_971, %get3A_972] : memref<16x65536xf32, #tpu.memory_space<vmem>>, vector<16x128xf32>
    %get3A_974 = arith.constant 0 : index
    %get3A_975 = arith.constant 34688 : index
    %get3A_976 = vector.load %arg1[%get3A_974, %get3A_975] : memref<16x65536xf32, #tpu.memory_space<vmem>>, vector<16x128xf32>
    %concatenate3A_977 = tpu.concatenate %get3A_955, %get3A_958, %get3A_961, %get3A_964, %get3A_967, %get3A_970, %get3A_973, %get3A_976 in 0 : vector<16x128xf32>, vector<16x128xf32>, vector<16x128xf32>, vector<16x128xf32>, vector<16x128xf32>, vector<16x128xf32>, vector<16x128xf32>, vector<16x128xf32> -> vector<128x128xf32>
    %transpose3A_978 = tpu.transpose %concatenate3A_977, [1, 0] : vector<128x128xf32> -> vector<128x128xf32>
    %swap3A_979 = arith.constant 4224 : index
    %swap3A_980 = arith.constant 0 : index
    %swap3A_981 = vector.load %arg2[%swap3A_979, %swap3A_980] : memref<8192x128xf32, #tpu.memory_space<vmem>>, vector<128x128xf32>
    tpu.vector_store %arg2[%swap3A_979, %swap3A_980], %transpose3A_978 {strides = array<i32>} : memref<8192x128xf32, #tpu.memory_space<vmem>>, vector<128x128xf32>,
    %get3A_982 = arith.constant 0 : index
    %get3A_983 = arith.constant 34816 : index
    %get3A_984 = vector.load %arg1[%get3A_982, %get3A_983] : memref<16x65536xf32, #tpu.memory_space<vmem>>, vector<16x128xf32>
    %get3A_985 = arith.constant 0 : index
    %get3A_986 = arith.constant 34944 : index
    %get3A_987 = vector.load %arg1[%get3A_985, %get3A_986] : memref<16x65536xf32, #tpu.memory_space<vmem>>, vector<16x128xf32>
    %get3A_988 = arith.constant 0 : index
    %get3A_989 = arith.constant 35072 : index
    %get3A_990 = vector.load %arg1[%get3A_988, %get3A_989] : memref<16x65536xf32, #tpu.memory_space<vmem>>, vector<16x128xf32>
    %get3A_991 = arith.constant 0 : index
    %get3A_992 = arith.constant 35200 : index
    %get3A_993 = vector.load %arg1[%get3A_991, %get3A_992] : memref<16x65536xf32, #tpu.memory_space<vmem>>, vector<16x128xf32>
    %get3A_994 = arith.constant 0 : index
    %get3A_995 = arith.constant 35328 : index
    %get3A_996 = vector.load %arg1[%get3A_994, %get3A_995] : memref<16x65536xf32, #tpu.memory_space<vmem>>, vector<16x128xf32>
    %get3A_997 = arith.constant 0 : index
    %get3A_998 = arith.constant 35456 : index
    %get3A_999 = vector.load %arg1[%get3A_997, %get3A_998] : memref<16x65536xf32, #tpu.memory_space<vmem>>, vector<16x128xf32>
    %get3A_1000 = arith.constant 0 : index
    %get3A_1001 = arith.constant 35584 : index
    %get3A_1002 = vector.load %arg1[%get3A_1000, %get3A_1001] : memref<16x65536xf32, #tpu.memory_space<vmem>>, vector<16x128xf32>
    %get3A_1003 = arith.constant 0 : index
    %get3A_1004 = arith.constant 35712 : index
    %get3A_1005 = vector.load %arg1[%get3A_1003, %get3A_1004] : memref<16x65536xf32, #tpu.memory_space<vmem>>, vector<16x128xf32>
    %concatenate3A_1006 = tpu.concatenate %get3A_984, %get3A_987, %get3A_990, %get3A_993, %get3A_996, %get3A_999, %get3A_1002, %get3A_1005 in 0 : vector<16x128xf32>, vector<16x128xf32>, vector<16x128xf32>, vector<16x128xf32>, vector<16x128xf32>, vector<16x128xf32>, vector<16x128xf32>, vector<16x128xf32> -> vector<128x128xf32>
    %transpose3A_1007 = tpu.transpose %concatenate3A_1006, [1, 0] : vector<128x128xf32> -> vector<128x128xf32>
    %swap3A_1008 = arith.constant 4352 : index
    %swap3A_1009 = arith.constant 0 : index
    %swap3A_1010 = vector.load %arg2[%swap3A_1008, %swap3A_1009] : memref<8192x128xf32, #tpu.memory_space<vmem>>, vector<128x128xf32>
    tpu.vector_store %arg2[%swap3A_1008, %swap3A_1009], %transpose3A_1007 {strides = array<i32>} : memref<8192x128xf32, #tpu.memory_space<vmem>>, vector<128x128xf32>,
    %get3A_1011 = arith.constant 0 : index
    %get3A_1012 = arith.constant 35840 : index
    %get3A_1013 = vector.load %arg1[%get3A_1011, %get3A_1012] : memref<16x65536xf32, #tpu.memory_space<vmem>>, vector<16x128xf32>
    %get3A_1014 = arith.constant 0 : index
    %get3A_1015 = arith.constant 35968 : index
    %get3A_1016 = vector.load %arg1[%get3A_1014, %get3A_1015] : memref<16x65536xf32, #tpu.memory_space<vmem>>, vector<16x128xf32>
    %get3A_1017 = arith.constant 0 : index
    %get3A_1018 = arith.constant 36096 : index
    %get3A_1019 = vector.load %arg1[%get3A_1017, %get3A_1018] : memref<16x65536xf32, #tpu.memory_space<vmem>>, vector<16x128xf32>
    %get3A_1020 = arith.constant 0 : index
    %get3A_1021 = arith.constant 36224 : index
    %get3A_1022 = vector.load %arg1[%get3A_1020, %get3A_1021] : memref<16x65536xf32, #tpu.memory_space<vmem>>, vector<16x128xf32>
    %get3A_1023 = arith.constant 0 : index
    %get3A_1024 = arith.constant 36352 : index
    %get3A_1025 = vector.load %arg1[%get3A_1023, %get3A_1024] : memref<16x65536xf32, #tpu.memory_space<vmem>>, vector<16x128xf32>
    %get3A_1026 = arith.constant 0 : index
    %get3A_1027 = arith.constant 36480 : index
    %get3A_1028 = vector.load %arg1[%get3A_1026, %get3A_1027] : memref<16x65536xf32, #tpu.memory_space<vmem>>, vector<16x128xf32>
    %get3A_1029 = arith.constant 0 : index
    %get3A_1030 = arith.constant 36608 : index
    %get3A_1031 = vector.load %arg1[%get3A_1029, %get3A_1030] : memref<16x65536xf32, #tpu.memory_space<vmem>>, vector<16x128xf32>
    %get3A_1032 = arith.constant 0 : index
    %get3A_1033 = arith.constant 36736 : index
    %get3A_1034 = vector.load %arg1[%get3A_1032, %get3A_1033] : memref<16x65536xf32, #tpu.memory_space<vmem>>, vector<16x128xf32>
    %concatenate3A_1035 = tpu.concatenate %get3A_1013, %get3A_1016, %get3A_1019, %get3A_1022, %get3A_1025, %get3A_1028, %get3A_1031, %get3A_1034 in 0 : vector<16x128xf32>, vector<16x128xf32>, vector<16x128xf32>, vector<16x128xf32>, vector<16x128xf32>, vector<16x128xf32>, vector<16x128xf32>, vector<16x128xf32> -> vector<128x128xf32>
    %transpose3A_1036 = tpu.transpose %concatenate3A_1035, [1, 0] : vector<128x128xf32> -> vector<128x128xf32>
    %swap3A_1037 = arith.constant 4480 : index
    %swap3A_1038 = arith.constant 0 : index
    %swap3A_1039 = vector.load %arg2[%swap3A_1037, %swap3A_1038] : memref<8192x128xf32, #tpu.memory_space<vmem>>, vector<128x128xf32>
    tpu.vector_store %arg2[%swap3A_1037, %swap3A_1038], %transpose3A_1036 {strides = array<i32>} : memref<8192x128xf32, #tpu.memory_space<vmem>>, vector<128x128xf32>,
    %get3A_1040 = arith.constant 0 : index
    %get3A_1041 = arith.constant 36864 : index
    %get3A_1042 = vector.load %arg1[%get3A_1040, %get3A_1041] : memref<16x65536xf32, #tpu.memory_space<vmem>>, vector<16x128xf32>
    %get3A_1043 = arith.constant 0 : index
    %get3A_1044 = arith.constant 36992 : index
    %get3A_1045 = vector.load %arg1[%get3A_1043, %get3A_1044] : memref<16x65536xf32, #tpu.memory_space<vmem>>, vector<16x128xf32>
    %get3A_1046 = arith.constant 0 : index
    %get3A_1047 = arith.constant 37120 : index
    %get3A_1048 = vector.load %arg1[%get3A_1046, %get3A_1047] : memref<16x65536xf32, #tpu.memory_space<vmem>>, vector<16x128xf32>
    %get3A_1049 = arith.constant 0 : index
    %get3A_1050 = arith.constant 37248 : index
    %get3A_1051 = vector.load %arg1[%get3A_1049, %get3A_1050] : memref<16x65536xf32, #tpu.memory_space<vmem>>, vector<16x128xf32>
    %get3A_1052 = arith.constant 0 : index
    %get3A_1053 = arith.constant 37376 : index
    %get3A_1054 = vector.load %arg1[%get3A_1052, %get3A_1053] : memref<16x65536xf32, #tpu.memory_space<vmem>>, vector<16x128xf32>
    %get3A_1055 = arith.constant 0 : index
    %get3A_1056 = arith.constant 37504 : index
    %get3A_1057 = vector.load %arg1[%get3A_1055, %get3A_1056] : memref<16x65536xf32, #tpu.memory_space<vmem>>, vector<16x128xf32>
    %get3A_1058 = arith.constant 0 : index
    %get3A_1059 = arith.constant 37632 : index
    %get3A_1060 = vector.load %arg1[%get3A_1058, %get3A_1059] : memref<16x65536xf32, #tpu.memory_space<vmem>>, vector<16x128xf32>
    %get3A_1061 = arith.constant 0 : index
    %get3A_1062 = arith.constant 37760 : index
    %get3A_1063 = vector.load %arg1[%get3A_1061, %get3A_1062] : memref<16x65536xf32, #tpu.memory_space<vmem>>, vector<16x128xf32>
    %concatenate3A_1064 = tpu.concatenate %get3A_1042, %get3A_1045, %get3A_1048, %get3A_1051, %get3A_1054, %get3A_1057, %get3A_1060, %get3A_1063 in 0 : vector<16x128xf32>, vector<16x128xf32>, vector<16x128xf32>, vector<16x128xf32>, vector<16x128xf32>, vector<16x128xf32>, vector<16x128xf32>, vector<16x128xf32> -> vector<128x128xf32>
    %transpose3A_1065 = tpu.transpose %concatenate3A_1064, [1, 0] : vector<128x128xf32> -> vector<128x128xf32>
    %swap3A_1066 = arith.constant 4608 : index
    %swap3A_1067 = arith.constant 0 : index
    %swap3A_1068 = vector.load %arg2[%swap3A_1066, %swap3A_1067] : memref<8192x128xf32, #tpu.memory_space<vmem>>, vector<128x128xf32>
    tpu.vector_store %arg2[%swap3A_1066, %swap3A_1067], %transpose3A_1065 {strides = array<i32>} : memref<8192x128xf32, #tpu.memory_space<vmem>>, vector<128x128xf32>,
    %get3A_1069 = arith.constant 0 : index
    %get3A_1070 = arith.constant 37888 : index
    %get3A_1071 = vector.load %arg1[%get3A_1069, %get3A_1070] : memref<16x65536xf32, #tpu.memory_space<vmem>>, vector<16x128xf32>
    %get3A_1072 = arith.constant 0 : index
    %get3A_1073 = arith.constant 38016 : index
    %get3A_1074 = vector.load %arg1[%get3A_1072, %get3A_1073] : memref<16x65536xf32, #tpu.memory_space<vmem>>, vector<16x128xf32>
    %get3A_1075 = arith.constant 0 : index
    %get3A_1076 = arith.constant 38144 : index
    %get3A_1077 = vector.load %arg1[%get3A_1075, %get3A_1076] : memref<16x65536xf32, #tpu.memory_space<vmem>>, vector<16x128xf32>
    %get3A_1078 = arith.constant 0 : index
    %get3A_1079 = arith.constant 38272 : index
    %get3A_1080 = vector.load %arg1[%get3A_1078, %get3A_1079] : memref<16x65536xf32, #tpu.memory_space<vmem>>, vector<16x128xf32>
    %get3A_1081 = arith.constant 0 : index
    %get3A_1082 = arith.constant 38400 : index
    %get3A_1083 = vector.load %arg1[%get3A_1081, %get3A_1082] : memref<16x65536xf32, #tpu.memory_space<vmem>>, vector<16x128xf32>
    %get3A_1084 = arith.constant 0 : index
    %get3A_1085 = arith.constant 38528 : index
    %get3A_1086 = vector.load %arg1[%get3A_1084, %get3A_1085] : memref<16x65536xf32, #tpu.memory_space<vmem>>, vector<16x128xf32>
    %get3A_1087 = arith.constant 0 : index
    %get3A_1088 = arith.constant 38656 : index
    %get3A_1089 = vector.load %arg1[%get3A_1087, %get3A_1088] : memref<16x65536xf32, #tpu.memory_space<vmem>>, vector<16x128xf32>
    %get3A_1090 = arith.constant 0 : index
    %get3A_1091 = arith.constant 38784 : index
    %get3A_1092 = vector.load %arg1[%get3A_1090, %get3A_1091] : memref<16x65536xf32, #tpu.memory_space<vmem>>, vector<16x128xf32>
    %concatenate3A_1093 = tpu.concatenate %get3A_1071, %get3A_1074, %get3A_1077, %get3A_1080, %get3A_1083, %get3A_1086, %get3A_1089, %get3A_1092 in 0 : vector<16x128xf32>, vector<16x128xf32>, vector<16x128xf32>, vector<16x128xf32>, vector<16x128xf32>, vector<16x128xf32>, vector<16x128xf32>, vector<16x128xf32> -> vector<128x128xf32>
    %transpose3A_1094 = tpu.transpose %concatenate3A_1093, [1, 0] : vector<128x128xf32> -> vector<128x128xf32>
    %swap3A_1095 = arith.constant 4736 : index
    %swap3A_1096 = arith.constant 0 : index
    %swap3A_1097 = vector.load %arg2[%swap3A_1095, %swap3A_1096] : memref<8192x128xf32, #tpu.memory_space<vmem>>, vector<128x128xf32>
    tpu.vector_store %arg2[%swap3A_1095, %swap3A_1096], %transpose3A_1094 {strides = array<i32>} : memref<8192x128xf32, #tpu.memory_space<vmem>>, vector<128x128xf32>,
    %get3A_1098 = arith.constant 0 : index
    %get3A_1099 = arith.constant 38912 : index
    %get3A_1100 = vector.load %arg1[%get3A_1098, %get3A_1099] : memref<16x65536xf32, #tpu.memory_space<vmem>>, vector<16x128xf32>
    %get3A_1101 = arith.constant 0 : index
    %get3A_1102 = arith.constant 39040 : index
    %get3A_1103 = vector.load %arg1[%get3A_1101, %get3A_1102] : memref<16x65536xf32, #tpu.memory_space<vmem>>, vector<16x128xf32>
    %get3A_1104 = arith.constant 0 : index
    %get3A_1105 = arith.constant 39168 : index
    %get3A_1106 = vector.load %arg1[%get3A_1104, %get3A_1105] : memref<16x65536xf32, #tpu.memory_space<vmem>>, vector<16x128xf32>
    %get3A_1107 = arith.constant 0 : index
    %get3A_1108 = arith.constant 39296 : index
    %get3A_1109 = vector.load %arg1[%get3A_1107, %get3A_1108] : memref<16x65536xf32, #tpu.memory_space<vmem>>, vector<16x128xf32>
    %get3A_1110 = arith.constant 0 : index
    %get3A_1111 = arith.constant 39424 : index
    %get3A_1112 = vector.load %arg1[%get3A_1110, %get3A_1111] : memref<16x65536xf32, #tpu.memory_space<vmem>>, vector<16x128xf32>
    %get3A_1113 = arith.constant 0 : index
    %get3A_1114 = arith.constant 39552 : index
    %get3A_1115 = vector.load %arg1[%get3A_1113, %get3A_1114] : memref<16x65536xf32, #tpu.memory_space<vmem>>, vector<16x128xf32>
    %get3A_1116 = arith.constant 0 : index
    %get3A_1117 = arith.constant 39680 : index
    %get3A_1118 = vector.load %arg1[%get3A_1116, %get3A_1117] : memref<16x65536xf32, #tpu.memory_space<vmem>>, vector<16x128xf32>
    %get3A_1119 = arith.constant 0 : index
    %get3A_1120 = arith.constant 39808 : index
    %get3A_1121 = vector.load %arg1[%get3A_1119, %get3A_1120] : memref<16x65536xf32, #tpu.memory_space<vmem>>, vector<16x128xf32>
    %concatenate3A_1122 = tpu.concatenate %get3A_1100, %get3A_1103, %get3A_1106, %get3A_1109, %get3A_1112, %get3A_1115, %get3A_1118, %get3A_1121 in 0 : vector<16x128xf32>, vector<16x128xf32>, vector<16x128xf32>, vector<16x128xf32>, vector<16x128xf32>, vector<16x128xf32>, vector<16x128xf32>, vector<16x128xf32> -> vector<128x128xf32>
    %transpose3A_1123 = tpu.transpose %concatenate3A_1122, [1, 0] : vector<128x128xf32> -> vector<128x128xf32>
    %swap3A_1124 = arith.constant 4864 : index
    %swap3A_1125 = arith.constant 0 : index
    %swap3A_1126 = vector.load %arg2[%swap3A_1124, %swap3A_1125] : memref<8192x128xf32, #tpu.memory_space<vmem>>, vector<128x128xf32>
    tpu.vector_store %arg2[%swap3A_1124, %swap3A_1125], %transpose3A_1123 {strides = array<i32>} : memref<8192x128xf32, #tpu.memory_space<vmem>>, vector<128x128xf32>,
    %get3A_1127 = arith.constant 0 : index
    %get3A_1128 = arith.constant 39936 : index
    %get3A_1129 = vector.load %arg1[%get3A_1127, %get3A_1128] : memref<16x65536xf32, #tpu.memory_space<vmem>>, vector<16x128xf32>
    %get3A_1130 = arith.constant 0 : index
    %get3A_1131 = arith.constant 40064 : index
    %get3A_1132 = vector.load %arg1[%get3A_1130, %get3A_1131] : memref<16x65536xf32, #tpu.memory_space<vmem>>, vector<16x128xf32>
    %get3A_1133 = arith.constant 0 : index
    %get3A_1134 = arith.constant 40192 : index
    %get3A_1135 = vector.load %arg1[%get3A_1133, %get3A_1134] : memref<16x65536xf32, #tpu.memory_space<vmem>>, vector<16x128xf32>
    %get3A_1136 = arith.constant 0 : index
    %get3A_1137 = arith.constant 40320 : index
    %get3A_1138 = vector.load %arg1[%get3A_1136, %get3A_1137] : memref<16x65536xf32, #tpu.memory_space<vmem>>, vector<16x128xf32>
    %get3A_1139 = arith.constant 0 : index
    %get3A_1140 = arith.constant 40448 : index
    %get3A_1141 = vector.load %arg1[%get3A_1139, %get3A_1140] : memref<16x65536xf32, #tpu.memory_space<vmem>>, vector<16x128xf32>
    %get3A_1142 = arith.constant 0 : index
    %get3A_1143 = arith.constant 40576 : index
    %get3A_1144 = vector.load %arg1[%get3A_1142, %get3A_1143] : memref<16x65536xf32, #tpu.memory_space<vmem>>, vector<16x128xf32>
    %get3A_1145 = arith.constant 0 : index
    %get3A_1146 = arith.constant 40704 : index
    %get3A_1147 = vector.load %arg1[%get3A_1145, %get3A_1146] : memref<16x65536xf32, #tpu.memory_space<vmem>>, vector<16x128xf32>
    %get3A_1148 = arith.constant 0 : index
    %get3A_1149 = arith.constant 40832 : index
    %get3A_1150 = vector.load %arg1[%get3A_1148, %get3A_1149] : memref<16x65536xf32, #tpu.memory_space<vmem>>, vector<16x128xf32>
    %concatenate3A_1151 = tpu.concatenate %get3A_1129, %get3A_1132, %get3A_1135, %get3A_1138, %get3A_1141, %get3A_1144, %get3A_1147, %get3A_1150 in 0 : vector<16x128xf32>, vector<16x128xf32>, vector<16x128xf32>, vector<16x128xf32>, vector<16x128xf32>, vector<16x128xf32>, vector<16x128xf32>, vector<16x128xf32> -> vector<128x128xf32>
    %transpose3A_1152 = tpu.transpose %concatenate3A_1151, [1, 0] : vector<128x128xf32> -> vector<128x128xf32>
    %swap3A_1153 = arith.constant 4992 : index
    %swap3A_1154 = arith.constant 0 : index
    %swap3A_1155 = vector.load %arg2[%swap3A_1153, %swap3A_1154] : memref<8192x128xf32, #tpu.memory_space<vmem>>, vector<128x128xf32>
    tpu.vector_store %arg2[%swap3A_1153, %swap3A_1154], %transpose3A_1152 {strides = array<i32>} : memref<8192x128xf32, #tpu.memory_space<vmem>>, vector<128x128xf32>,
    %get3A_1156 = arith.constant 0 : index
    %get3A_1157 = arith.constant 40960 : index
    %get3A_1158 = vector.load %arg1[%get3A_1156, %get3A_1157] : memref<16x65536xf32, #tpu.memory_space<vmem>>, vector<16x128xf32>
    %get3A_1159 = arith.constant 0 : index
    %get3A_1160 = arith.constant 41088 : index
    %get3A_1161 = vector.load %arg1[%get3A_1159, %get3A_1160] : memref<16x65536xf32, #tpu.memory_space<vmem>>, vector<16x128xf32>
    %get3A_1162 = arith.constant 0 : index
    %get3A_1163 = arith.constant 41216 : index
    %get3A_1164 = vector.load %arg1[%get3A_1162, %get3A_1163] : memref<16x65536xf32, #tpu.memory_space<vmem>>, vector<16x128xf32>
    %get3A_1165 = arith.constant 0 : index
    %get3A_1166 = arith.constant 41344 : index
    %get3A_1167 = vector.load %arg1[%get3A_1165, %get3A_1166] : memref<16x65536xf32, #tpu.memory_space<vmem>>, vector<16x128xf32>
    %get3A_1168 = arith.constant 0 : index
    %get3A_1169 = arith.constant 41472 : index
    %get3A_1170 = vector.load %arg1[%get3A_1168, %get3A_1169] : memref<16x65536xf32, #tpu.memory_space<vmem>>, vector<16x128xf32>
    %get3A_1171 = arith.constant 0 : index
    %get3A_1172 = arith.constant 41600 : index
    %get3A_1173 = vector.load %arg1[%get3A_1171, %get3A_1172] : memref<16x65536xf32, #tpu.memory_space<vmem>>, vector<16x128xf32>
    %get3A_1174 = arith.constant 0 : index
    %get3A_1175 = arith.constant 41728 : index
    %get3A_1176 = vector.load %arg1[%get3A_1174, %get3A_1175] : memref<16x65536xf32, #tpu.memory_space<vmem>>, vector<16x128xf32>
    %get3A_1177 = arith.constant 0 : index
    %get3A_1178 = arith.constant 41856 : index
    %get3A_1179 = vector.load %arg1[%get3A_1177, %get3A_1178] : memref<16x65536xf32, #tpu.memory_space<vmem>>, vector<16x128xf32>
    %concatenate3A_1180 = tpu.concatenate %get3A_1158, %get3A_1161, %get3A_1164, %get3A_1167, %get3A_1170, %get3A_1173, %get3A_1176, %get3A_1179 in 0 : vector<16x128xf32>, vector<16x128xf32>, vector<16x128xf32>, vector<16x128xf32>, vector<16x128xf32>, vector<16x128xf32>, vector<16x128xf32>, vector<16x128xf32> -> vector<128x128xf32>
    %transpose3A_1181 = tpu.transpose %concatenate3A_1180, [1, 0] : vector<128x128xf32> -> vector<128x128xf32>
    %swap3A_1182 = arith.constant 5120 : index
    %swap3A_1183 = arith.constant 0 : index
    %swap3A_1184 = vector.load %arg2[%swap3A_1182, %swap3A_1183] : memref<8192x128xf32, #tpu.memory_space<vmem>>, vector<128x128xf32>
    tpu.vector_store %arg2[%swap3A_1182, %swap3A_1183], %transpose3A_1181 {strides = array<i32>} : memref<8192x128xf32, #tpu.memory_space<vmem>>, vector<128x128xf32>,
    %get3A_1185 = arith.constant 0 : index
    %get3A_1186 = arith.constant 41984 : index
    %get3A_1187 = vector.load %arg1[%get3A_1185, %get3A_1186] : memref<16x65536xf32, #tpu.memory_space<vmem>>, vector<16x128xf32>
    %get3A_1188 = arith.constant 0 : index
    %get3A_1189 = arith.constant 42112 : index
    %get3A_1190 = vector.load %arg1[%get3A_1188, %get3A_1189] : memref<16x65536xf32, #tpu.memory_space<vmem>>, vector<16x128xf32>
    %get3A_1191 = arith.constant 0 : index
    %get3A_1192 = arith.constant 42240 : index
    %get3A_1193 = vector.load %arg1[%get3A_1191, %get3A_1192] : memref<16x65536xf32, #tpu.memory_space<vmem>>, vector<16x128xf32>
    %get3A_1194 = arith.constant 0 : index
    %get3A_1195 = arith.constant 42368 : index
    %get3A_1196 = vector.load %arg1[%get3A_1194, %get3A_1195] : memref<16x65536xf32, #tpu.memory_space<vmem>>, vector<16x128xf32>
    %get3A_1197 = arith.constant 0 : index
    %get3A_1198 = arith.constant 42496 : index
    %get3A_1199 = vector.load %arg1[%get3A_1197, %get3A_1198] : memref<16x65536xf32, #tpu.memory_space<vmem>>, vector<16x128xf32>
    %get3A_1200 = arith.constant 0 : index
    %get3A_1201 = arith.constant 42624 : index
    %get3A_1202 = vector.load %arg1[%get3A_1200, %get3A_1201] : memref<16x65536xf32, #tpu.memory_space<vmem>>, vector<16x128xf32>
    %get3A_1203 = arith.constant 0 : index
    %get3A_1204 = arith.constant 42752 : index
    %get3A_1205 = vector.load %arg1[%get3A_1203, %get3A_1204] : memref<16x65536xf32, #tpu.memory_space<vmem>>, vector<16x128xf32>
    %get3A_1206 = arith.constant 0 : index
    %get3A_1207 = arith.constant 42880 : index
    %get3A_1208 = vector.load %arg1[%get3A_1206, %get3A_1207] : memref<16x65536xf32, #tpu.memory_space<vmem>>, vector<16x128xf32>
    %concatenate3A_1209 = tpu.concatenate %get3A_1187, %get3A_1190, %get3A_1193, %get3A_1196, %get3A_1199, %get3A_1202, %get3A_1205, %get3A_1208 in 0 : vector<16x128xf32>, vector<16x128xf32>, vector<16x128xf32>, vector<16x128xf32>, vector<16x128xf32>, vector<16x128xf32>, vector<16x128xf32>, vector<16x128xf32> -> vector<128x128xf32>
    %transpose3A_1210 = tpu.transpose %concatenate3A_1209, [1, 0] : vector<128x128xf32> -> vector<128x128xf32>
    %swap3A_1211 = arith.constant 5248 : index
    %swap3A_1212 = arith.constant 0 : index
    %swap3A_1213 = vector.load %arg2[%swap3A_1211, %swap3A_1212] : memref<8192x128xf32, #tpu.memory_space<vmem>>, vector<128x128xf32>
    tpu.vector_store %arg2[%swap3A_1211, %swap3A_1212], %transpose3A_1210 {strides = array<i32>} : memref<8192x128xf32, #tpu.memory_space<vmem>>, vector<128x128xf32>,
    %get3A_1214 = arith.constant 0 : index
    %get3A_1215 = arith.constant 43008 : index
    %get3A_1216 = vector.load %arg1[%get3A_1214, %get3A_1215] : memref<16x65536xf32, #tpu.memory_space<vmem>>, vector<16x128xf32>
    %get3A_1217 = arith.constant 0 : index
    %get3A_1218 = arith.constant 43136 : index
    %get3A_1219 = vector.load %arg1[%get3A_1217, %get3A_1218] : memref<16x65536xf32, #tpu.memory_space<vmem>>, vector<16x128xf32>
    %get3A_1220 = arith.constant 0 : index
    %get3A_1221 = arith.constant 43264 : index
    %get3A_1222 = vector.load %arg1[%get3A_1220, %get3A_1221] : memref<16x65536xf32, #tpu.memory_space<vmem>>, vector<16x128xf32>
    %get3A_1223 = arith.constant 0 : index
    %get3A_1224 = arith.constant 43392 : index
    %get3A_1225 = vector.load %arg1[%get3A_1223, %get3A_1224] : memref<16x65536xf32, #tpu.memory_space<vmem>>, vector<16x128xf32>
    %get3A_1226 = arith.constant 0 : index
    %get3A_1227 = arith.constant 43520 : index
    %get3A_1228 = vector.load %arg1[%get3A_1226, %get3A_1227] : memref<16x65536xf32, #tpu.memory_space<vmem>>, vector<16x128xf32>
    %get3A_1229 = arith.constant 0 : index
    %get3A_1230 = arith.constant 43648 : index
    %get3A_1231 = vector.load %arg1[%get3A_1229, %get3A_1230] : memref<16x65536xf32, #tpu.memory_space<vmem>>, vector<16x128xf32>
    %get3A_1232 = arith.constant 0 : index
    %get3A_1233 = arith.constant 43776 : index
    %get3A_1234 = vector.load %arg1[%get3A_1232, %get3A_1233] : memref<16x65536xf32, #tpu.memory_space<vmem>>, vector<16x128xf32>
    %get3A_1235 = arith.constant 0 : index
    %get3A_1236 = arith.constant 43904 : index
    %get3A_1237 = vector.load %arg1[%get3A_1235, %get3A_1236] : memref<16x65536xf32, #tpu.memory_space<vmem>>, vector<16x128xf32>
    %concatenate3A_1238 = tpu.concatenate %get3A_1216, %get3A_1219, %get3A_1222, %get3A_1225, %get3A_1228, %get3A_1231, %get3A_1234, %get3A_1237 in 0 : vector<16x128xf32>, vector<16x128xf32>, vector<16x128xf32>, vector<16x128xf32>, vector<16x128xf32>, vector<16x128xf32>, vector<16x128xf32>, vector<16x128xf32> -> vector<128x128xf32>
    %transpose3A_1239 = tpu.transpose %concatenate3A_1238, [1, 0] : vector<128x128xf32> -> vector<128x128xf32>
    %swap3A_1240 = arith.constant 5376 : index
    %swap3A_1241 = arith.constant 0 : index
    %swap3A_1242 = vector.load %arg2[%swap3A_1240, %swap3A_1241] : memref<8192x128xf32, #tpu.memory_space<vmem>>, vector<128x128xf32>
    tpu.vector_store %arg2[%swap3A_1240, %swap3A_1241], %transpose3A_1239 {strides = array<i32>} : memref<8192x128xf32, #tpu.memory_space<vmem>>, vector<128x128xf32>,
    %get3A_1243 = arith.constant 0 : index
    %get3A_1244 = arith.constant 44032 : index
    %get3A_1245 = vector.load %arg1[%get3A_1243, %get3A_1244] : memref<16x65536xf32, #tpu.memory_space<vmem>>, vector<16x128xf32>
    %get3A_1246 = arith.constant 0 : index
    %get3A_1247 = arith.constant 44160 : index
    %get3A_1248 = vector.load %arg1[%get3A_1246, %get3A_1247] : memref<16x65536xf32, #tpu.memory_space<vmem>>, vector<16x128xf32>
    %get3A_1249 = arith.constant 0 : index
    %get3A_1250 = arith.constant 44288 : index
    %get3A_1251 = vector.load %arg1[%get3A_1249, %get3A_1250] : memref<16x65536xf32, #tpu.memory_space<vmem>>, vector<16x128xf32>
    %get3A_1252 = arith.constant 0 : index
    %get3A_1253 = arith.constant 44416 : index
    %get3A_1254 = vector.load %arg1[%get3A_1252, %get3A_1253] : memref<16x65536xf32, #tpu.memory_space<vmem>>, vector<16x128xf32>
    %get3A_1255 = arith.constant 0 : index
    %get3A_1256 = arith.constant 44544 : index
    %get3A_1257 = vector.load %arg1[%get3A_1255, %get3A_1256] : memref<16x65536xf32, #tpu.memory_space<vmem>>, vector<16x128xf32>
    %get3A_1258 = arith.constant 0 : index
    %get3A_1259 = arith.constant 44672 : index
    %get3A_1260 = vector.load %arg1[%get3A_1258, %get3A_1259] : memref<16x65536xf32, #tpu.memory_space<vmem>>, vector<16x128xf32>
    %get3A_1261 = arith.constant 0 : index
    %get3A_1262 = arith.constant 44800 : index
    %get3A_1263 = vector.load %arg1[%get3A_1261, %get3A_1262] : memref<16x65536xf32, #tpu.memory_space<vmem>>, vector<16x128xf32>
    %get3A_1264 = arith.constant 0 : index
    %get3A_1265 = arith.constant 44928 : index
    %get3A_1266 = vector.load %arg1[%get3A_1264, %get3A_1265] : memref<16x65536xf32, #tpu.memory_space<vmem>>, vector<16x128xf32>
    %concatenate3A_1267 = tpu.concatenate %get3A_1245, %get3A_1248, %get3A_1251, %get3A_1254, %get3A_1257, %get3A_1260, %get3A_1263, %get3A_1266 in 0 : vector<16x128xf32>, vector<16x128xf32>, vector<16x128xf32>, vector<16x128xf32>, vector<16x128xf32>, vector<16x128xf32>, vector<16x128xf32>, vector<16x128xf32> -> vector<128x128xf32>
    %transpose3A_1268 = tpu.transpose %concatenate3A_1267, [1, 0] : vector<128x128xf32> -> vector<128x128xf32>
    %swap3A_1269 = arith.constant 5504 : index
    %swap3A_1270 = arith.constant 0 : index
    %swap3A_1271 = vector.load %arg2[%swap3A_1269, %swap3A_1270] : memref<8192x128xf32, #tpu.memory_space<vmem>>, vector<128x128xf32>
    tpu.vector_store %arg2[%swap3A_1269, %swap3A_1270], %transpose3A_1268 {strides = array<i32>} : memref<8192x128xf32, #tpu.memory_space<vmem>>, vector<128x128xf32>,
    %get3A_1272 = arith.constant 0 : index
    %get3A_1273 = arith.constant 45056 : index
    %get3A_1274 = vector.load %arg1[%get3A_1272, %get3A_1273] : memref<16x65536xf32, #tpu.memory_space<vmem>>, vector<16x128xf32>
    %get3A_1275 = arith.constant 0 : index
    %get3A_1276 = arith.constant 45184 : index
    %get3A_1277 = vector.load %arg1[%get3A_1275, %get3A_1276] : memref<16x65536xf32, #tpu.memory_space<vmem>>, vector<16x128xf32>
    %get3A_1278 = arith.constant 0 : index
    %get3A_1279 = arith.constant 45312 : index
    %get3A_1280 = vector.load %arg1[%get3A_1278, %get3A_1279] : memref<16x65536xf32, #tpu.memory_space<vmem>>, vector<16x128xf32>
    %get3A_1281 = arith.constant 0 : index
    %get3A_1282 = arith.constant 45440 : index
    %get3A_1283 = vector.load %arg1[%get3A_1281, %get3A_1282] : memref<16x65536xf32, #tpu.memory_space<vmem>>, vector<16x128xf32>
    %get3A_1284 = arith.constant 0 : index
    %get3A_1285 = arith.constant 45568 : index
    %get3A_1286 = vector.load %arg1[%get3A_1284, %get3A_1285] : memref<16x65536xf32, #tpu.memory_space<vmem>>, vector<16x128xf32>
    %get3A_1287 = arith.constant 0 : index
    %get3A_1288 = arith.constant 45696 : index
    %get3A_1289 = vector.load %arg1[%get3A_1287, %get3A_1288] : memref<16x65536xf32, #tpu.memory_space<vmem>>, vector<16x128xf32>
    %get3A_1290 = arith.constant 0 : index
    %get3A_1291 = arith.constant 45824 : index
    %get3A_1292 = vector.load %arg1[%get3A_1290, %get3A_1291] : memref<16x65536xf32, #tpu.memory_space<vmem>>, vector<16x128xf32>
    %get3A_1293 = arith.constant 0 : index
    %get3A_1294 = arith.constant 45952 : index
    %get3A_1295 = vector.load %arg1[%get3A_1293, %get3A_1294] : memref<16x65536xf32, #tpu.memory_space<vmem>>, vector<16x128xf32>
    %concatenate3A_1296 = tpu.concatenate %get3A_1274, %get3A_1277, %get3A_1280, %get3A_1283, %get3A_1286, %get3A_1289, %get3A_1292, %get3A_1295 in 0 : vector<16x128xf32>, vector<16x128xf32>, vector<16x128xf32>, vector<16x128xf32>, vector<16x128xf32>, vector<16x128xf32>, vector<16x128xf32>, vector<16x128xf32> -> vector<128x128xf32>
    %transpose3A_1297 = tpu.transpose %concatenate3A_1296, [1, 0] : vector<128x128xf32> -> vector<128x128xf32>
    %swap3A_1298 = arith.constant 5632 : index
    %swap3A_1299 = arith.constant 0 : index
    %swap3A_1300 = vector.load %arg2[%swap3A_1298, %swap3A_1299] : memref<8192x128xf32, #tpu.memory_space<vmem>>, vector<128x128xf32>
    tpu.vector_store %arg2[%swap3A_1298, %swap3A_1299], %transpose3A_1297 {strides = array<i32>} : memref<8192x128xf32, #tpu.memory_space<vmem>>, vector<128x128xf32>,
    %get3A_1301 = arith.constant 0 : index
    %get3A_1302 = arith.constant 46080 : index
    %get3A_1303 = vector.load %arg1[%get3A_1301, %get3A_1302] : memref<16x65536xf32, #tpu.memory_space<vmem>>, vector<16x128xf32>
    %get3A_1304 = arith.constant 0 : index
    %get3A_1305 = arith.constant 46208 : index
    %get3A_1306 = vector.load %arg1[%get3A_1304, %get3A_1305] : memref<16x65536xf32, #tpu.memory_space<vmem>>, vector<16x128xf32>
    %get3A_1307 = arith.constant 0 : index
    %get3A_1308 = arith.constant 46336 : index
    %get3A_1309 = vector.load %arg1[%get3A_1307, %get3A_1308] : memref<16x65536xf32, #tpu.memory_space<vmem>>, vector<16x128xf32>
    %get3A_1310 = arith.constant 0 : index
    %get3A_1311 = arith.constant 46464 : index
    %get3A_1312 = vector.load %arg1[%get3A_1310, %get3A_1311] : memref<16x65536xf32, #tpu.memory_space<vmem>>, vector<16x128xf32>
    %get3A_1313 = arith.constant 0 : index
    %get3A_1314 = arith.constant 46592 : index
    %get3A_1315 = vector.load %arg1[%get3A_1313, %get3A_1314] : memref<16x65536xf32, #tpu.memory_space<vmem>>, vector<16x128xf32>
    %get3A_1316 = arith.constant 0 : index
    %get3A_1317 = arith.constant 46720 : index
    %get3A_1318 = vector.load %arg1[%get3A_1316, %get3A_1317] : memref<16x65536xf32, #tpu.memory_space<vmem>>, vector<16x128xf32>
    %get3A_1319 = arith.constant 0 : index
    %get3A_1320 = arith.constant 46848 : index
    %get3A_1321 = vector.load %arg1[%get3A_1319, %get3A_1320] : memref<16x65536xf32, #tpu.memory_space<vmem>>, vector<16x128xf32>
    %get3A_1322 = arith.constant 0 : index
    %get3A_1323 = arith.constant 46976 : index
    %get3A_1324 = vector.load %arg1[%get3A_1322, %get3A_1323] : memref<16x65536xf32, #tpu.memory_space<vmem>>, vector<16x128xf32>
    %concatenate3A_1325 = tpu.concatenate %get3A_1303, %get3A_1306, %get3A_1309, %get3A_1312, %get3A_1315, %get3A_1318, %get3A_1321, %get3A_1324 in 0 : vector<16x128xf32>, vector<16x128xf32>, vector<16x128xf32>, vector<16x128xf32>, vector<16x128xf32>, vector<16x128xf32>, vector<16x128xf32>, vector<16x128xf32> -> vector<128x128xf32>
    %transpose3A_1326 = tpu.transpose %concatenate3A_1325, [1, 0] : vector<128x128xf32> -> vector<128x128xf32>
    %swap3A_1327 = arith.constant 5760 : index
    %swap3A_1328 = arith.constant 0 : index
    %swap3A_1329 = vector.load %arg2[%swap3A_1327, %swap3A_1328] : memref<8192x128xf32, #tpu.memory_space<vmem>>, vector<128x128xf32>
    tpu.vector_store %arg2[%swap3A_1327, %swap3A_1328], %transpose3A_1326 {strides = array<i32>} : memref<8192x128xf32, #tpu.memory_space<vmem>>, vector<128x128xf32>,
    %get3A_1330 = arith.constant 0 : index
    %get3A_1331 = arith.constant 47104 : index
    %get3A_1332 = vector.load %arg1[%get3A_1330, %get3A_1331] : memref<16x65536xf32, #tpu.memory_space<vmem>>, vector<16x128xf32>
    %get3A_1333 = arith.constant 0 : index
    %get3A_1334 = arith.constant 47232 : index
    %get3A_1335 = vector.load %arg1[%get3A_1333, %get3A_1334] : memref<16x65536xf32, #tpu.memory_space<vmem>>, vector<16x128xf32>
    %get3A_1336 = arith.constant 0 : index
    %get3A_1337 = arith.constant 47360 : index
    %get3A_1338 = vector.load %arg1[%get3A_1336, %get3A_1337] : memref<16x65536xf32, #tpu.memory_space<vmem>>, vector<16x128xf32>
    %get3A_1339 = arith.constant 0 : index
    %get3A_1340 = arith.constant 47488 : index
    %get3A_1341 = vector.load %arg1[%get3A_1339, %get3A_1340] : memref<16x65536xf32, #tpu.memory_space<vmem>>, vector<16x128xf32>
    %get3A_1342 = arith.constant 0 : index
    %get3A_1343 = arith.constant 47616 : index
    %get3A_1344 = vector.load %arg1[%get3A_1342, %get3A_1343] : memref<16x65536xf32, #tpu.memory_space<vmem>>, vector<16x128xf32>
    %get3A_1345 = arith.constant 0 : index
    %get3A_1346 = arith.constant 47744 : index
    %get3A_1347 = vector.load %arg1[%get3A_1345, %get3A_1346] : memref<16x65536xf32, #tpu.memory_space<vmem>>, vector<16x128xf32>
    %get3A_1348 = arith.constant 0 : index
    %get3A_1349 = arith.constant 47872 : index
    %get3A_1350 = vector.load %arg1[%get3A_1348, %get3A_1349] : memref<16x65536xf32, #tpu.memory_space<vmem>>, vector<16x128xf32>
    %get3A_1351 = arith.constant 0 : index
    %get3A_1352 = arith.constant 48000 : index
    %get3A_1353 = vector.load %arg1[%get3A_1351, %get3A_1352] : memref<16x65536xf32, #tpu.memory_space<vmem>>, vector<16x128xf32>
    %concatenate3A_1354 = tpu.concatenate %get3A_1332, %get3A_1335, %get3A_1338, %get3A_1341, %get3A_1344, %get3A_1347, %get3A_1350, %get3A_1353 in 0 : vector<16x128xf32>, vector<16x128xf32>, vector<16x128xf32>, vector<16x128xf32>, vector<16x128xf32>, vector<16x128xf32>, vector<16x128xf32>, vector<16x128xf32> -> vector<128x128xf32>
    %transpose3A_1355 = tpu.transpose %concatenate3A_1354, [1, 0] : vector<128x128xf32> -> vector<128x128xf32>
    %swap3A_1356 = arith.constant 5888 : index
    %swap3A_1357 = arith.constant 0 : index
    %swap3A_1358 = vector.load %arg2[%swap3A_1356, %swap3A_1357] : memref<8192x128xf32, #tpu.memory_space<vmem>>, vector<128x128xf32>
    tpu.vector_store %arg2[%swap3A_1356, %swap3A_1357], %transpose3A_1355 {strides = array<i32>} : memref<8192x128xf32, #tpu.memory_space<vmem>>, vector<128x128xf32>,
    %get3A_1359 = arith.constant 0 : index
    %get3A_1360 = arith.constant 48128 : index
    %get3A_1361 = vector.load %arg1[%get3A_1359, %get3A_1360] : memref<16x65536xf32, #tpu.memory_space<vmem>>, vector<16x128xf32>
    %get3A_1362 = arith.constant 0 : index
    %get3A_1363 = arith.constant 48256 : index
    %get3A_1364 = vector.load %arg1[%get3A_1362, %get3A_1363] : memref<16x65536xf32, #tpu.memory_space<vmem>>, vector<16x128xf32>
    %get3A_1365 = arith.constant 0 : index
    %get3A_1366 = arith.constant 48384 : index
    %get3A_1367 = vector.load %arg1[%get3A_1365, %get3A_1366] : memref<16x65536xf32, #tpu.memory_space<vmem>>, vector<16x128xf32>
    %get3A_1368 = arith.constant 0 : index
    %get3A_1369 = arith.constant 48512 : index
    %get3A_1370 = vector.load %arg1[%get3A_1368, %get3A_1369] : memref<16x65536xf32, #tpu.memory_space<vmem>>, vector<16x128xf32>
    %get3A_1371 = arith.constant 0 : index
    %get3A_1372 = arith.constant 48640 : index
    %get3A_1373 = vector.load %arg1[%get3A_1371, %get3A_1372] : memref<16x65536xf32, #tpu.memory_space<vmem>>, vector<16x128xf32>
    %get3A_1374 = arith.constant 0 : index
    %get3A_1375 = arith.constant 48768 : index
    %get3A_1376 = vector.load %arg1[%get3A_1374, %get3A_1375] : memref<16x65536xf32, #tpu.memory_space<vmem>>, vector<16x128xf32>
    %get3A_1377 = arith.constant 0 : index
    %get3A_1378 = arith.constant 48896 : index
    %get3A_1379 = vector.load %arg1[%get3A_1377, %get3A_1378] : memref<16x65536xf32, #tpu.memory_space<vmem>>, vector<16x128xf32>
    %get3A_1380 = arith.constant 0 : index
    %get3A_1381 = arith.constant 49024 : index
    %get3A_1382 = vector.load %arg1[%get3A_1380, %get3A_1381] : memref<16x65536xf32, #tpu.memory_space<vmem>>, vector<16x128xf32>
    %concatenate3A_1383 = tpu.concatenate %get3A_1361, %get3A_1364, %get3A_1367, %get3A_1370, %get3A_1373, %get3A_1376, %get3A_1379, %get3A_1382 in 0 : vector<16x128xf32>, vector<16x128xf32>, vector<16x128xf32>, vector<16x128xf32>, vector<16x128xf32>, vector<16x128xf32>, vector<16x128xf32>, vector<16x128xf32> -> vector<128x128xf32>
    %transpose3A_1384 = tpu.transpose %concatenate3A_1383, [1, 0] : vector<128x128xf32> -> vector<128x128xf32>
    %swap3A_1385 = arith.constant 6016 : index
    %swap3A_1386 = arith.constant 0 : index
    %swap3A_1387 = vector.load %arg2[%swap3A_1385, %swap3A_1386] : memref<8192x128xf32, #tpu.memory_space<vmem>>, vector<128x128xf32>
    tpu.vector_store %arg2[%swap3A_1385, %swap3A_1386], %transpose3A_1384 {strides = array<i32>} : memref<8192x128xf32, #tpu.memory_space<vmem>>, vector<128x128xf32>,
    %get3A_1388 = arith.constant 0 : index
    %get3A_1389 = arith.constant 49152 : index
    %get3A_1390 = vector.load %arg1[%get3A_1388, %get3A_1389] : memref<16x65536xf32, #tpu.memory_space<vmem>>, vector<16x128xf32>
    %get3A_1391 = arith.constant 0 : index
    %get3A_1392 = arith.constant 49280 : index
    %get3A_1393 = vector.load %arg1[%get3A_1391, %get3A_1392] : memref<16x65536xf32, #tpu.memory_space<vmem>>, vector<16x128xf32>
    %get3A_1394 = arith.constant 0 : index
    %get3A_1395 = arith.constant 49408 : index
    %get3A_1396 = vector.load %arg1[%get3A_1394, %get3A_1395] : memref<16x65536xf32, #tpu.memory_space<vmem>>, vector<16x128xf32>
    %get3A_1397 = arith.constant 0 : index
    %get3A_1398 = arith.constant 49536 : index
    %get3A_1399 = vector.load %arg1[%get3A_1397, %get3A_1398] : memref<16x65536xf32, #tpu.memory_space<vmem>>, vector<16x128xf32>
    %get3A_1400 = arith.constant 0 : index
    %get3A_1401 = arith.constant 49664 : index
    %get3A_1402 = vector.load %arg1[%get3A_1400, %get3A_1401] : memref<16x65536xf32, #tpu.memory_space<vmem>>, vector<16x128xf32>
    %get3A_1403 = arith.constant 0 : index
    %get3A_1404 = arith.constant 49792 : index
    %get3A_1405 = vector.load %arg1[%get3A_1403, %get3A_1404] : memref<16x65536xf32, #tpu.memory_space<vmem>>, vector<16x128xf32>
    %get3A_1406 = arith.constant 0 : index
    %get3A_1407 = arith.constant 49920 : index
    %get3A_1408 = vector.load %arg1[%get3A_1406, %get3A_1407] : memref<16x65536xf32, #tpu.memory_space<vmem>>, vector<16x128xf32>
    %get3A_1409 = arith.constant 0 : index
    %get3A_1410 = arith.constant 50048 : index
    %get3A_1411 = vector.load %arg1[%get3A_1409, %get3A_1410] : memref<16x65536xf32, #tpu.memory_space<vmem>>, vector<16x128xf32>
    %concatenate3A_1412 = tpu.concatenate %get3A_1390, %get3A_1393, %get3A_1396, %get3A_1399, %get3A_1402, %get3A_1405, %get3A_1408, %get3A_1411 in 0 : vector<16x128xf32>, vector<16x128xf32>, vector<16x128xf32>, vector<16x128xf32>, vector<16x128xf32>, vector<16x128xf32>, vector<16x128xf32>, vector<16x128xf32> -> vector<128x128xf32>
    %transpose3A_1413 = tpu.transpose %concatenate3A_1412, [1, 0] : vector<128x128xf32> -> vector<128x128xf32>
    %swap3A_1414 = arith.constant 6144 : index
    %swap3A_1415 = arith.constant 0 : index
    %swap3A_1416 = vector.load %arg2[%swap3A_1414, %swap3A_1415] : memref<8192x128xf32, #tpu.memory_space<vmem>>, vector<128x128xf32>
    tpu.vector_store %arg2[%swap3A_1414, %swap3A_1415], %transpose3A_1413 {strides = array<i32>} : memref<8192x128xf32, #tpu.memory_space<vmem>>, vector<128x128xf32>,
    %get3A_1417 = arith.constant 0 : index
    %get3A_1418 = arith.constant 50176 : index
    %get3A_1419 = vector.load %arg1[%get3A_1417, %get3A_1418] : memref<16x65536xf32, #tpu.memory_space<vmem>>, vector<16x128xf32>
    %get3A_1420 = arith.constant 0 : index
    %get3A_1421 = arith.constant 50304 : index
    %get3A_1422 = vector.load %arg1[%get3A_1420, %get3A_1421] : memref<16x65536xf32, #tpu.memory_space<vmem>>, vector<16x128xf32>
    %get3A_1423 = arith.constant 0 : index
    %get3A_1424 = arith.constant 50432 : index
    %get3A_1425 = vector.load %arg1[%get3A_1423, %get3A_1424] : memref<16x65536xf32, #tpu.memory_space<vmem>>, vector<16x128xf32>
    %get3A_1426 = arith.constant 0 : index
    %get3A_1427 = arith.constant 50560 : index
    %get3A_1428 = vector.load %arg1[%get3A_1426, %get3A_1427] : memref<16x65536xf32, #tpu.memory_space<vmem>>, vector<16x128xf32>
    %get3A_1429 = arith.constant 0 : index
    %get3A_1430 = arith.constant 50688 : index
    %get3A_1431 = vector.load %arg1[%get3A_1429, %get3A_1430] : memref<16x65536xf32, #tpu.memory_space<vmem>>, vector<16x128xf32>
    %get3A_1432 = arith.constant 0 : index
    %get3A_1433 = arith.constant 50816 : index
    %get3A_1434 = vector.load %arg1[%get3A_1432, %get3A_1433] : memref<16x65536xf32, #tpu.memory_space<vmem>>, vector<16x128xf32>
    %get3A_1435 = arith.constant 0 : index
    %get3A_1436 = arith.constant 50944 : index
    %get3A_1437 = vector.load %arg1[%get3A_1435, %get3A_1436] : memref<16x65536xf32, #tpu.memory_space<vmem>>, vector<16x128xf32>
    %get3A_1438 = arith.constant 0 : index
    %get3A_1439 = arith.constant 51072 : index
    %get3A_1440 = vector.load %arg1[%get3A_1438, %get3A_1439] : memref<16x65536xf32, #tpu.memory_space<vmem>>, vector<16x128xf32>
    %concatenate3A_1441 = tpu.concatenate %get3A_1419, %get3A_1422, %get3A_1425, %get3A_1428, %get3A_1431, %get3A_1434, %get3A_1437, %get3A_1440 in 0 : vector<16x128xf32>, vector<16x128xf32>, vector<16x128xf32>, vector<16x128xf32>, vector<16x128xf32>, vector<16x128xf32>, vector<16x128xf32>, vector<16x128xf32> -> vector<128x128xf32>
    %transpose3A_1442 = tpu.transpose %concatenate3A_1441, [1, 0] : vector<128x128xf32> -> vector<128x128xf32>
    %swap3A_1443 = arith.constant 6272 : index
    %swap3A_1444 = arith.constant 0 : index
    %swap3A_1445 = vector.load %arg2[%swap3A_1443, %swap3A_1444] : memref<8192x128xf32, #tpu.memory_space<vmem>>, vector<128x128xf32>
    tpu.vector_store %arg2[%swap3A_1443, %swap3A_1444], %transpose3A_1442 {strides = array<i32>} : memref<8192x128xf32, #tpu.memory_space<vmem>>, vector<128x128xf32>,
    %get3A_1446 = arith.constant 0 : index
    %get3A_1447 = arith.constant 51200 : index
    %get3A_1448 = vector.load %arg1[%get3A_1446, %get3A_1447] : memref<16x65536xf32, #tpu.memory_space<vmem>>, vector<16x128xf32>
    %get3A_1449 = arith.constant 0 : index
    %get3A_1450 = arith.constant 51328 : index
    %get3A_1451 = vector.load %arg1[%get3A_1449, %get3A_1450] : memref<16x65536xf32, #tpu.memory_space<vmem>>, vector<16x128xf32>
    %get3A_1452 = arith.constant 0 : index
    %get3A_1453 = arith.constant 51456 : index
    %get3A_1454 = vector.load %arg1[%get3A_1452, %get3A_1453] : memref<16x65536xf32, #tpu.memory_space<vmem>>, vector<16x128xf32>
    %get3A_1455 = arith.constant 0 : index
    %get3A_1456 = arith.constant 51584 : index
    %get3A_1457 = vector.load %arg1[%get3A_1455, %get3A_1456] : memref<16x65536xf32, #tpu.memory_space<vmem>>, vector<16x128xf32>
    %get3A_1458 = arith.constant 0 : index
    %get3A_1459 = arith.constant 51712 : index
    %get3A_1460 = vector.load %arg1[%get3A_1458, %get3A_1459] : memref<16x65536xf32, #tpu.memory_space<vmem>>, vector<16x128xf32>
    %get3A_1461 = arith.constant 0 : index
    %get3A_1462 = arith.constant 51840 : index
    %get3A_1463 = vector.load %arg1[%get3A_1461, %get3A_1462] : memref<16x65536xf32, #tpu.memory_space<vmem>>, vector<16x128xf32>
    %get3A_1464 = arith.constant 0 : index
    %get3A_1465 = arith.constant 51968 : index
    %get3A_1466 = vector.load %arg1[%get3A_1464, %get3A_1465] : memref<16x65536xf32, #tpu.memory_space<vmem>>, vector<16x128xf32>
    %get3A_1467 = arith.constant 0 : index
    %get3A_1468 = arith.constant 52096 : index
    %get3A_1469 = vector.load %arg1[%get3A_1467, %get3A_1468] : memref<16x65536xf32, #tpu.memory_space<vmem>>, vector<16x128xf32>
    %concatenate3A_1470 = tpu.concatenate %get3A_1448, %get3A_1451, %get3A_1454, %get3A_1457, %get3A_1460, %get3A_1463, %get3A_1466, %get3A_1469 in 0 : vector<16x128xf32>, vector<16x128xf32>, vector<16x128xf32>, vector<16x128xf32>, vector<16x128xf32>, vector<16x128xf32>, vector<16x128xf32>, vector<16x128xf32> -> vector<128x128xf32>
    %transpose3A_1471 = tpu.transpose %concatenate3A_1470, [1, 0] : vector<128x128xf32> -> vector<128x128xf32>
    %swap3A_1472 = arith.constant 6400 : index
    %swap3A_1473 = arith.constant 0 : index
    %swap3A_1474 = vector.load %arg2[%swap3A_1472, %swap3A_1473] : memref<8192x128xf32, #tpu.memory_space<vmem>>, vector<128x128xf32>
    tpu.vector_store %arg2[%swap3A_1472, %swap3A_1473], %transpose3A_1471 {strides = array<i32>} : memref<8192x128xf32, #tpu.memory_space<vmem>>, vector<128x128xf32>,
    %get3A_1475 = arith.constant 0 : index
    %get3A_1476 = arith.constant 52224 : index
    %get3A_1477 = vector.load %arg1[%get3A_1475, %get3A_1476] : memref<16x65536xf32, #tpu.memory_space<vmem>>, vector<16x128xf32>
    %get3A_1478 = arith.constant 0 : index
    %get3A_1479 = arith.constant 52352 : index
    %get3A_1480 = vector.load %arg1[%get3A_1478, %get3A_1479] : memref<16x65536xf32, #tpu.memory_space<vmem>>, vector<16x128xf32>
    %get3A_1481 = arith.constant 0 : index
    %get3A_1482 = arith.constant 52480 : index
    %get3A_1483 = vector.load %arg1[%get3A_1481, %get3A_1482] : memref<16x65536xf32, #tpu.memory_space<vmem>>, vector<16x128xf32>
    %get3A_1484 = arith.constant 0 : index
    %get3A_1485 = arith.constant 52608 : index
    %get3A_1486 = vector.load %arg1[%get3A_1484, %get3A_1485] : memref<16x65536xf32, #tpu.memory_space<vmem>>, vector<16x128xf32>
    %get3A_1487 = arith.constant 0 : index
    %get3A_1488 = arith.constant 52736 : index
    %get3A_1489 = vector.load %arg1[%get3A_1487, %get3A_1488] : memref<16x65536xf32, #tpu.memory_space<vmem>>, vector<16x128xf32>
    %get3A_1490 = arith.constant 0 : index
    %get3A_1491 = arith.constant 52864 : index
    %get3A_1492 = vector.load %arg1[%get3A_1490, %get3A_1491] : memref<16x65536xf32, #tpu.memory_space<vmem>>, vector<16x128xf32>
    %get3A_1493 = arith.constant 0 : index
    %get3A_1494 = arith.constant 52992 : index
    %get3A_1495 = vector.load %arg1[%get3A_1493, %get3A_1494] : memref<16x65536xf32, #tpu.memory_space<vmem>>, vector<16x128xf32>
    %get3A_1496 = arith.constant 0 : index
    %get3A_1497 = arith.constant 53120 : index
    %get3A_1498 = vector.load %arg1[%get3A_1496, %get3A_1497] : memref<16x65536xf32, #tpu.memory_space<vmem>>, vector<16x128xf32>
    %concatenate3A_1499 = tpu.concatenate %get3A_1477, %get3A_1480, %get3A_1483, %get3A_1486, %get3A_1489, %get3A_1492, %get3A_1495, %get3A_1498 in 0 : vector<16x128xf32>, vector<16x128xf32>, vector<16x128xf32>, vector<16x128xf32>, vector<16x128xf32>, vector<16x128xf32>, vector<16x128xf32>, vector<16x128xf32> -> vector<128x128xf32>
    %transpose3A_1500 = tpu.transpose %concatenate3A_1499, [1, 0] : vector<128x128xf32> -> vector<128x128xf32>
    %swap3A_1501 = arith.constant 6528 : index
    %swap3A_1502 = arith.constant 0 : index
    %swap3A_1503 = vector.load %arg2[%swap3A_1501, %swap3A_1502] : memref<8192x128xf32, #tpu.memory_space<vmem>>, vector<128x128xf32>
    tpu.vector_store %arg2[%swap3A_1501, %swap3A_1502], %transpose3A_1500 {strides = array<i32>} : memref<8192x128xf32, #tpu.memory_space<vmem>>, vector<128x128xf32>,
    %get3A_1504 = arith.constant 0 : index
    %get3A_1505 = arith.constant 53248 : index
    %get3A_1506 = vector.load %arg1[%get3A_1504, %get3A_1505] : memref<16x65536xf32, #tpu.memory_space<vmem>>, vector<16x128xf32>
    %get3A_1507 = arith.constant 0 : index
    %get3A_1508 = arith.constant 53376 : index
    %get3A_1509 = vector.load %arg1[%get3A_1507, %get3A_1508] : memref<16x65536xf32, #tpu.memory_space<vmem>>, vector<16x128xf32>
    %get3A_1510 = arith.constant 0 : index
    %get3A_1511 = arith.constant 53504 : index
    %get3A_1512 = vector.load %arg1[%get3A_1510, %get3A_1511] : memref<16x65536xf32, #tpu.memory_space<vmem>>, vector<16x128xf32>
    %get3A_1513 = arith.constant 0 : index
    %get3A_1514 = arith.constant 53632 : index
    %get3A_1515 = vector.load %arg1[%get3A_1513, %get3A_1514] : memref<16x65536xf32, #tpu.memory_space<vmem>>, vector<16x128xf32>
    %get3A_1516 = arith.constant 0 : index
    %get3A_1517 = arith.constant 53760 : index
    %get3A_1518 = vector.load %arg1[%get3A_1516, %get3A_1517] : memref<16x65536xf32, #tpu.memory_space<vmem>>, vector<16x128xf32>
    %get3A_1519 = arith.constant 0 : index
    %get3A_1520 = arith.constant 53888 : index
    %get3A_1521 = vector.load %arg1[%get3A_1519, %get3A_1520] : memref<16x65536xf32, #tpu.memory_space<vmem>>, vector<16x128xf32>
    %get3A_1522 = arith.constant 0 : index
    %get3A_1523 = arith.constant 54016 : index
    %get3A_1524 = vector.load %arg1[%get3A_1522, %get3A_1523] : memref<16x65536xf32, #tpu.memory_space<vmem>>, vector<16x128xf32>
    %get3A_1525 = arith.constant 0 : index
    %get3A_1526 = arith.constant 54144 : index
    %get3A_1527 = vector.load %arg1[%get3A_1525, %get3A_1526] : memref<16x65536xf32, #tpu.memory_space<vmem>>, vector<16x128xf32>
    %concatenate3A_1528 = tpu.concatenate %get3A_1506, %get3A_1509, %get3A_1512, %get3A_1515, %get3A_1518, %get3A_1521, %get3A_1524, %get3A_1527 in 0 : vector<16x128xf32>, vector<16x128xf32>, vector<16x128xf32>, vector<16x128xf32>, vector<16x128xf32>, vector<16x128xf32>, vector<16x128xf32>, vector<16x128xf32> -> vector<128x128xf32>
    %transpose3A_1529 = tpu.transpose %concatenate3A_1528, [1, 0] : vector<128x128xf32> -> vector<128x128xf32>
    %swap3A_1530 = arith.constant 6656 : index
    %swap3A_1531 = arith.constant 0 : index
    %swap3A_1532 = vector.load %arg2[%swap3A_1530, %swap3A_1531] : memref<8192x128xf32, #tpu.memory_space<vmem>>, vector<128x128xf32>
    tpu.vector_store %arg2[%swap3A_1530, %swap3A_1531], %transpose3A_1529 {strides = array<i32>} : memref<8192x128xf32, #tpu.memory_space<vmem>>, vector<128x128xf32>,
    %get3A_1533 = arith.constant 0 : index
    %get3A_1534 = arith.constant 54272 : index
    %get3A_1535 = vector.load %arg1[%get3A_1533, %get3A_1534] : memref<16x65536xf32, #tpu.memory_space<vmem>>, vector<16x128xf32>
    %get3A_1536 = arith.constant 0 : index
    %get3A_1537 = arith.constant 54400 : index
    %get3A_1538 = vector.load %arg1[%get3A_1536, %get3A_1537] : memref<16x65536xf32, #tpu.memory_space<vmem>>, vector<16x128xf32>
    %get3A_1539 = arith.constant 0 : index
    %get3A_1540 = arith.constant 54528 : index
    %get3A_1541 = vector.load %arg1[%get3A_1539, %get3A_1540] : memref<16x65536xf32, #tpu.memory_space<vmem>>, vector<16x128xf32>
    %get3A_1542 = arith.constant 0 : index
    %get3A_1543 = arith.constant 54656 : index
    %get3A_1544 = vector.load %arg1[%get3A_1542, %get3A_1543] : memref<16x65536xf32, #tpu.memory_space<vmem>>, vector<16x128xf32>
    %get3A_1545 = arith.constant 0 : index
    %get3A_1546 = arith.constant 54784 : index
    %get3A_1547 = vector.load %arg1[%get3A_1545, %get3A_1546] : memref<16x65536xf32, #tpu.memory_space<vmem>>, vector<16x128xf32>
    %get3A_1548 = arith.constant 0 : index
    %get3A_1549 = arith.constant 54912 : index
    %get3A_1550 = vector.load %arg1[%get3A_1548, %get3A_1549] : memref<16x65536xf32, #tpu.memory_space<vmem>>, vector<16x128xf32>
    %get3A_1551 = arith.constant 0 : index
    %get3A_1552 = arith.constant 55040 : index
    %get3A_1553 = vector.load %arg1[%get3A_1551, %get3A_1552] : memref<16x65536xf32, #tpu.memory_space<vmem>>, vector<16x128xf32>
    %get3A_1554 = arith.constant 0 : index
    %get3A_1555 = arith.constant 55168 : index
    %get3A_1556 = vector.load %arg1[%get3A_1554, %get3A_1555] : memref<16x65536xf32, #tpu.memory_space<vmem>>, vector<16x128xf32>
    %concatenate3A_1557 = tpu.concatenate %get3A_1535, %get3A_1538, %get3A_1541, %get3A_1544, %get3A_1547, %get3A_1550, %get3A_1553, %get3A_1556 in 0 : vector<16x128xf32>, vector<16x128xf32>, vector<16x128xf32>, vector<16x128xf32>, vector<16x128xf32>, vector<16x128xf32>, vector<16x128xf32>, vector<16x128xf32> -> vector<128x128xf32>
    %transpose3A_1558 = tpu.transpose %concatenate3A_1557, [1, 0] : vector<128x128xf32> -> vector<128x128xf32>
    %swap3A_1559 = arith.constant 6784 : index
    %swap3A_1560 = arith.constant 0 : index
    %swap3A_1561 = vector.load %arg2[%swap3A_1559, %swap3A_1560] : memref<8192x128xf32, #tpu.memory_space<vmem>>, vector<128x128xf32>
    tpu.vector_store %arg2[%swap3A_1559, %swap3A_1560], %transpose3A_1558 {strides = array<i32>} : memref<8192x128xf32, #tpu.memory_space<vmem>>, vector<128x128xf32>,
    %get3A_1562 = arith.constant 0 : index
    %get3A_1563 = arith.constant 55296 : index
    %get3A_1564 = vector.load %arg1[%get3A_1562, %get3A_1563] : memref<16x65536xf32, #tpu.memory_space<vmem>>, vector<16x128xf32>
    %get3A_1565 = arith.constant 0 : index
    %get3A_1566 = arith.constant 55424 : index
    %get3A_1567 = vector.load %arg1[%get3A_1565, %get3A_1566] : memref<16x65536xf32, #tpu.memory_space<vmem>>, vector<16x128xf32>
    %get3A_1568 = arith.constant 0 : index
    %get3A_1569 = arith.constant 55552 : index
    %get3A_1570 = vector.load %arg1[%get3A_1568, %get3A_1569] : memref<16x65536xf32, #tpu.memory_space<vmem>>, vector<16x128xf32>
    %get3A_1571 = arith.constant 0 : index
    %get3A_1572 = arith.constant 55680 : index
    %get3A_1573 = vector.load %arg1[%get3A_1571, %get3A_1572] : memref<16x65536xf32, #tpu.memory_space<vmem>>, vector<16x128xf32>
    %get3A_1574 = arith.constant 0 : index
    %get3A_1575 = arith.constant 55808 : index
    %get3A_1576 = vector.load %arg1[%get3A_1574, %get3A_1575] : memref<16x65536xf32, #tpu.memory_space<vmem>>, vector<16x128xf32>
    %get3A_1577 = arith.constant 0 : index
    %get3A_1578 = arith.constant 55936 : index
    %get3A_1579 = vector.load %arg1[%get3A_1577, %get3A_1578] : memref<16x65536xf32, #tpu.memory_space<vmem>>, vector<16x128xf32>
    %get3A_1580 = arith.constant 0 : index
    %get3A_1581 = arith.constant 56064 : index
    %get3A_1582 = vector.load %arg1[%get3A_1580, %get3A_1581] : memref<16x65536xf32, #tpu.memory_space<vmem>>, vector<16x128xf32>
    %get3A_1583 = arith.constant 0 : index
    %get3A_1584 = arith.constant 56192 : index
    %get3A_1585 = vector.load %arg1[%get3A_1583, %get3A_1584] : memref<16x65536xf32, #tpu.memory_space<vmem>>, vector<16x128xf32>
    %concatenate3A_1586 = tpu.concatenate %get3A_1564, %get3A_1567, %get3A_1570, %get3A_1573, %get3A_1576, %get3A_1579, %get3A_1582, %get3A_1585 in 0 : vector<16x128xf32>, vector<16x128xf32>, vector<16x128xf32>, vector<16x128xf32>, vector<16x128xf32>, vector<16x128xf32>, vector<16x128xf32>, vector<16x128xf32> -> vector<128x128xf32>
    %transpose3A_1587 = tpu.transpose %concatenate3A_1586, [1, 0] : vector<128x128xf32> -> vector<128x128xf32>
    %swap3A_1588 = arith.constant 6912 : index
    %swap3A_1589 = arith.constant 0 : index
    %swap3A_1590 = vector.load %arg2[%swap3A_1588, %swap3A_1589] : memref<8192x128xf32, #tpu.memory_space<vmem>>, vector<128x128xf32>
    tpu.vector_store %arg2[%swap3A_1588, %swap3A_1589], %transpose3A_1587 {strides = array<i32>} : memref<8192x128xf32, #tpu.memory_space<vmem>>, vector<128x128xf32>,
    %get3A_1591 = arith.constant 0 : index
    %get3A_1592 = arith.constant 56320 : index
    %get3A_1593 = vector.load %arg1[%get3A_1591, %get3A_1592] : memref<16x65536xf32, #tpu.memory_space<vmem>>, vector<16x128xf32>
    %get3A_1594 = arith.constant 0 : index
    %get3A_1595 = arith.constant 56448 : index
    %get3A_1596 = vector.load %arg1[%get3A_1594, %get3A_1595] : memref<16x65536xf32, #tpu.memory_space<vmem>>, vector<16x128xf32>
    %get3A_1597 = arith.constant 0 : index
    %get3A_1598 = arith.constant 56576 : index
    %get3A_1599 = vector.load %arg1[%get3A_1597, %get3A_1598] : memref<16x65536xf32, #tpu.memory_space<vmem>>, vector<16x128xf32>
    %get3A_1600 = arith.constant 0 : index
    %get3A_1601 = arith.constant 56704 : index
    %get3A_1602 = vector.load %arg1[%get3A_1600, %get3A_1601] : memref<16x65536xf32, #tpu.memory_space<vmem>>, vector<16x128xf32>
    %get3A_1603 = arith.constant 0 : index
    %get3A_1604 = arith.constant 56832 : index
    %get3A_1605 = vector.load %arg1[%get3A_1603, %get3A_1604] : memref<16x65536xf32, #tpu.memory_space<vmem>>, vector<16x128xf32>
    %get3A_1606 = arith.constant 0 : index
    %get3A_1607 = arith.constant 56960 : index
    %get3A_1608 = vector.load %arg1[%get3A_1606, %get3A_1607] : memref<16x65536xf32, #tpu.memory_space<vmem>>, vector<16x128xf32>
    %get3A_1609 = arith.constant 0 : index
    %get3A_1610 = arith.constant 57088 : index
    %get3A_1611 = vector.load %arg1[%get3A_1609, %get3A_1610] : memref<16x65536xf32, #tpu.memory_space<vmem>>, vector<16x128xf32>
    %get3A_1612 = arith.constant 0 : index
    %get3A_1613 = arith.constant 57216 : index
    %get3A_1614 = vector.load %arg1[%get3A_1612, %get3A_1613] : memref<16x65536xf32, #tpu.memory_space<vmem>>, vector<16x128xf32>
    %concatenate3A_1615 = tpu.concatenate %get3A_1593, %get3A_1596, %get3A_1599, %get3A_1602, %get3A_1605, %get3A_1608, %get3A_1611, %get3A_1614 in 0 : vector<16x128xf32>, vector<16x128xf32>, vector<16x128xf32>, vector<16x128xf32>, vector<16x128xf32>, vector<16x128xf32>, vector<16x128xf32>, vector<16x128xf32> -> vector<128x128xf32>
    %transpose3A_1616 = tpu.transpose %concatenate3A_1615, [1, 0] : vector<128x128xf32> -> vector<128x128xf32>
    %swap3A_1617 = arith.constant 7040 : index
    %swap3A_1618 = arith.constant 0 : index
    %swap3A_1619 = vector.load %arg2[%swap3A_1617, %swap3A_1618] : memref<8192x128xf32, #tpu.memory_space<vmem>>, vector<128x128xf32>
    tpu.vector_store %arg2[%swap3A_1617, %swap3A_1618], %transpose3A_1616 {strides = array<i32>} : memref<8192x128xf32, #tpu.memory_space<vmem>>, vector<128x128xf32>,
    %get3A_1620 = arith.constant 0 : index
    %get3A_1621 = arith.constant 57344 : index
    %get3A_1622 = vector.load %arg1[%get3A_1620, %get3A_1621] : memref<16x65536xf32, #tpu.memory_space<vmem>>, vector<16x128xf32>
    %get3A_1623 = arith.constant 0 : index
    %get3A_1624 = arith.constant 57472 : index
    %get3A_1625 = vector.load %arg1[%get3A_1623, %get3A_1624] : memref<16x65536xf32, #tpu.memory_space<vmem>>, vector<16x128xf32>
    %get3A_1626 = arith.constant 0 : index
    %get3A_1627 = arith.constant 57600 : index
    %get3A_1628 = vector.load %arg1[%get3A_1626, %get3A_1627] : memref<16x65536xf32, #tpu.memory_space<vmem>>, vector<16x128xf32>
    %get3A_1629 = arith.constant 0 : index
    %get3A_1630 = arith.constant 57728 : index
    %get3A_1631 = vector.load %arg1[%get3A_1629, %get3A_1630] : memref<16x65536xf32, #tpu.memory_space<vmem>>, vector<16x128xf32>
    %get3A_1632 = arith.constant 0 : index
    %get3A_1633 = arith.constant 57856 : index
    %get3A_1634 = vector.load %arg1[%get3A_1632, %get3A_1633] : memref<16x65536xf32, #tpu.memory_space<vmem>>, vector<16x128xf32>
    %get3A_1635 = arith.constant 0 : index
    %get3A_1636 = arith.constant 57984 : index
    %get3A_1637 = vector.load %arg1[%get3A_1635, %get3A_1636] : memref<16x65536xf32, #tpu.memory_space<vmem>>, vector<16x128xf32>
    %get3A_1638 = arith.constant 0 : index
    %get3A_1639 = arith.constant 58112 : index
    %get3A_1640 = vector.load %arg1[%get3A_1638, %get3A_1639] : memref<16x65536xf32, #tpu.memory_space<vmem>>, vector<16x128xf32>
    %get3A_1641 = arith.constant 0 : index
    %get3A_1642 = arith.constant 58240 : index
    %get3A_1643 = vector.load %arg1[%get3A_1641, %get3A_1642] : memref<16x65536xf32, #tpu.memory_space<vmem>>, vector<16x128xf32>
    %concatenate3A_1644 = tpu.concatenate %get3A_1622, %get3A_1625, %get3A_1628, %get3A_1631, %get3A_1634, %get3A_1637, %get3A_1640, %get3A_1643 in 0 : vector<16x128xf32>, vector<16x128xf32>, vector<16x128xf32>, vector<16x128xf32>, vector<16x128xf32>, vector<16x128xf32>, vector<16x128xf32>, vector<16x128xf32> -> vector<128x128xf32>
    %transpose3A_1645 = tpu.transpose %concatenate3A_1644, [1, 0] : vector<128x128xf32> -> vector<128x128xf32>
    %swap3A_1646 = arith.constant 7168 : index
    %swap3A_1647 = arith.constant 0 : index
    %swap3A_1648 = vector.load %arg2[%swap3A_1646, %swap3A_1647] : memref<8192x128xf32, #tpu.memory_space<vmem>>, vector<128x128xf32>
    tpu.vector_store %arg2[%swap3A_1646, %swap3A_1647], %transpose3A_1645 {strides = array<i32>} : memref<8192x128xf32, #tpu.memory_space<vmem>>, vector<128x128xf32>,
    %get3A_1649 = arith.constant 0 : index
    %get3A_1650 = arith.constant 58368 : index
    %get3A_1651 = vector.load %arg1[%get3A_1649, %get3A_1650] : memref<16x65536xf32, #tpu.memory_space<vmem>>, vector<16x128xf32>
    %get3A_1652 = arith.constant 0 : index
    %get3A_1653 = arith.constant 58496 : index
    %get3A_1654 = vector.load %arg1[%get3A_1652, %get3A_1653] : memref<16x65536xf32, #tpu.memory_space<vmem>>, vector<16x128xf32>
    %get3A_1655 = arith.constant 0 : index
    %get3A_1656 = arith.constant 58624 : index
    %get3A_1657 = vector.load %arg1[%get3A_1655, %get3A_1656] : memref<16x65536xf32, #tpu.memory_space<vmem>>, vector<16x128xf32>
    %get3A_1658 = arith.constant 0 : index
    %get3A_1659 = arith.constant 58752 : index
    %get3A_1660 = vector.load %arg1[%get3A_1658, %get3A_1659] : memref<16x65536xf32, #tpu.memory_space<vmem>>, vector<16x128xf32>
    %get3A_1661 = arith.constant 0 : index
    %get3A_1662 = arith.constant 58880 : index
    %get3A_1663 = vector.load %arg1[%get3A_1661, %get3A_1662] : memref<16x65536xf32, #tpu.memory_space<vmem>>, vector<16x128xf32>
    %get3A_1664 = arith.constant 0 : index
    %get3A_1665 = arith.constant 59008 : index
    %get3A_1666 = vector.load %arg1[%get3A_1664, %get3A_1665] : memref<16x65536xf32, #tpu.memory_space<vmem>>, vector<16x128xf32>
    %get3A_1667 = arith.constant 0 : index
    %get3A_1668 = arith.constant 59136 : index
    %get3A_1669 = vector.load %arg1[%get3A_1667, %get3A_1668] : memref<16x65536xf32, #tpu.memory_space<vmem>>, vector<16x128xf32>
    %get3A_1670 = arith.constant 0 : index
    %get3A_1671 = arith.constant 59264 : index
    %get3A_1672 = vector.load %arg1[%get3A_1670, %get3A_1671] : memref<16x65536xf32, #tpu.memory_space<vmem>>, vector<16x128xf32>
    %concatenate3A_1673 = tpu.concatenate %get3A_1651, %get3A_1654, %get3A_1657, %get3A_1660, %get3A_1663, %get3A_1666, %get3A_1669, %get3A_1672 in 0 : vector<16x128xf32>, vector<16x128xf32>, vector<16x128xf32>, vector<16x128xf32>, vector<16x128xf32>, vector<16x128xf32>, vector<16x128xf32>, vector<16x128xf32> -> vector<128x128xf32>
    %transpose3A_1674 = tpu.transpose %concatenate3A_1673, [1, 0] : vector<128x128xf32> -> vector<128x128xf32>
    %swap3A_1675 = arith.constant 7296 : index
    %swap3A_1676 = arith.constant 0 : index
    %swap3A_1677 = vector.load %arg2[%swap3A_1675, %swap3A_1676] : memref<8192x128xf32, #tpu.memory_space<vmem>>, vector<128x128xf32>
    tpu.vector_store %arg2[%swap3A_1675, %swap3A_1676], %transpose3A_1674 {strides = array<i32>} : memref<8192x128xf32, #tpu.memory_space<vmem>>, vector<128x128xf32>,
    %get3A_1678 = arith.constant 0 : index
    %get3A_1679 = arith.constant 59392 : index
    %get3A_1680 = vector.load %arg1[%get3A_1678, %get3A_1679] : memref<16x65536xf32, #tpu.memory_space<vmem>>, vector<16x128xf32>
    %get3A_1681 = arith.constant 0 : index
    %get3A_1682 = arith.constant 59520 : index
    %get3A_1683 = vector.load %arg1[%get3A_1681, %get3A_1682] : memref<16x65536xf32, #tpu.memory_space<vmem>>, vector<16x128xf32>
    %get3A_1684 = arith.constant 0 : index
    %get3A_1685 = arith.constant 59648 : index
    %get3A_1686 = vector.load %arg1[%get3A_1684, %get3A_1685] : memref<16x65536xf32, #tpu.memory_space<vmem>>, vector<16x128xf32>
    %get3A_1687 = arith.constant 0 : index
    %get3A_1688 = arith.constant 59776 : index
    %get3A_1689 = vector.load %arg1[%get3A_1687, %get3A_1688] : memref<16x65536xf32, #tpu.memory_space<vmem>>, vector<16x128xf32>
    %get3A_1690 = arith.constant 0 : index
    %get3A_1691 = arith.constant 59904 : index
    %get3A_1692 = vector.load %arg1[%get3A_1690, %get3A_1691] : memref<16x65536xf32, #tpu.memory_space<vmem>>, vector<16x128xf32>
    %get3A_1693 = arith.constant 0 : index
    %get3A_1694 = arith.constant 60032 : index
    %get3A_1695 = vector.load %arg1[%get3A_1693, %get3A_1694] : memref<16x65536xf32, #tpu.memory_space<vmem>>, vector<16x128xf32>
    %get3A_1696 = arith.constant 0 : index
    %get3A_1697 = arith.constant 60160 : index
    %get3A_1698 = vector.load %arg1[%get3A_1696, %get3A_1697] : memref<16x65536xf32, #tpu.memory_space<vmem>>, vector<16x128xf32>
    %get3A_1699 = arith.constant 0 : index
    %get3A_1700 = arith.constant 60288 : index
    %get3A_1701 = vector.load %arg1[%get3A_1699, %get3A_1700] : memref<16x65536xf32, #tpu.memory_space<vmem>>, vector<16x128xf32>
    %concatenate3A_1702 = tpu.concatenate %get3A_1680, %get3A_1683, %get3A_1686, %get3A_1689, %get3A_1692, %get3A_1695, %get3A_1698, %get3A_1701 in 0 : vector<16x128xf32>, vector<16x128xf32>, vector<16x128xf32>, vector<16x128xf32>, vector<16x128xf32>, vector<16x128xf32>, vector<16x128xf32>, vector<16x128xf32> -> vector<128x128xf32>
    %transpose3A_1703 = tpu.transpose %concatenate3A_1702, [1, 0] : vector<128x128xf32> -> vector<128x128xf32>
    %swap3A_1704 = arith.constant 7424 : index
    %swap3A_1705 = arith.constant 0 : index
    %swap3A_1706 = vector.load %arg2[%swap3A_1704, %swap3A_1705] : memref<8192x128xf32, #tpu.memory_space<vmem>>, vector<128x128xf32>
    tpu.vector_store %arg2[%swap3A_1704, %swap3A_1705], %transpose3A_1703 {strides = array<i32>} : memref<8192x128xf32, #tpu.memory_space<vmem>>, vector<128x128xf32>,
    %get3A_1707 = arith.constant 0 : index
    %get3A_1708 = arith.constant 60416 : index
    %get3A_1709 = vector.load %arg1[%get3A_1707, %get3A_1708] : memref<16x65536xf32, #tpu.memory_space<vmem>>, vector<16x128xf32>
    %get3A_1710 = arith.constant 0 : index
    %get3A_1711 = arith.constant 60544 : index
    %get3A_1712 = vector.load %arg1[%get3A_1710, %get3A_1711] : memref<16x65536xf32, #tpu.memory_space<vmem>>, vector<16x128xf32>
    %get3A_1713 = arith.constant 0 : index
    %get3A_1714 = arith.constant 60672 : index
    %get3A_1715 = vector.load %arg1[%get3A_1713, %get3A_1714] : memref<16x65536xf32, #tpu.memory_space<vmem>>, vector<16x128xf32>
    %get3A_1716 = arith.constant 0 : index
    %get3A_1717 = arith.constant 60800 : index
    %get3A_1718 = vector.load %arg1[%get3A_1716, %get3A_1717] : memref<16x65536xf32, #tpu.memory_space<vmem>>, vector<16x128xf32>
    %get3A_1719 = arith.constant 0 : index
    %get3A_1720 = arith.constant 60928 : index
    %get3A_1721 = vector.load %arg1[%get3A_1719, %get3A_1720] : memref<16x65536xf32, #tpu.memory_space<vmem>>, vector<16x128xf32>
    %get3A_1722 = arith.constant 0 : index
    %get3A_1723 = arith.constant 61056 : index
    %get3A_1724 = vector.load %arg1[%get3A_1722, %get3A_1723] : memref<16x65536xf32, #tpu.memory_space<vmem>>, vector<16x128xf32>
    %get3A_1725 = arith.constant 0 : index
    %get3A_1726 = arith.constant 61184 : index
    %get3A_1727 = vector.load %arg1[%get3A_1725, %get3A_1726] : memref<16x65536xf32, #tpu.memory_space<vmem>>, vector<16x128xf32>
    %get3A_1728 = arith.constant 0 : index
    %get3A_1729 = arith.constant 61312 : index
    %get3A_1730 = vector.load %arg1[%get3A_1728, %get3A_1729] : memref<16x65536xf32, #tpu.memory_space<vmem>>, vector<16x128xf32>
    %concatenate3A_1731 = tpu.concatenate %get3A_1709, %get3A_1712, %get3A_1715, %get3A_1718, %get3A_1721, %get3A_1724, %get3A_1727, %get3A_1730 in 0 : vector<16x128xf32>, vector<16x128xf32>, vector<16x128xf32>, vector<16x128xf32>, vector<16x128xf32>, vector<16x128xf32>, vector<16x128xf32>, vector<16x128xf32> -> vector<128x128xf32>
    %transpose3A_1732 = tpu.transpose %concatenate3A_1731, [1, 0] : vector<128x128xf32> -> vector<128x128xf32>
    %swap3A_1733 = arith.constant 7552 : index
    %swap3A_1734 = arith.constant 0 : index
    %swap3A_1735 = vector.load %arg2[%swap3A_1733, %swap3A_1734] : memref<8192x128xf32, #tpu.memory_space<vmem>>, vector<128x128xf32>
    tpu.vector_store %arg2[%swap3A_1733, %swap3A_1734], %transpose3A_1732 {strides = array<i32>} : memref<8192x128xf32, #tpu.memory_space<vmem>>, vector<128x128xf32>,
    %get3A_1736 = arith.constant 0 : index
    %get3A_1737 = arith.constant 61440 : index
    %get3A_1738 = vector.load %arg1[%get3A_1736, %get3A_1737] : memref<16x65536xf32, #tpu.memory_space<vmem>>, vector<16x128xf32>
    %get3A_1739 = arith.constant 0 : index
    %get3A_1740 = arith.constant 61568 : index
    %get3A_1741 = vector.load %arg1[%get3A_1739, %get3A_1740] : memref<16x65536xf32, #tpu.memory_space<vmem>>, vector<16x128xf32>
    %get3A_1742 = arith.constant 0 : index
    %get3A_1743 = arith.constant 61696 : index
    %get3A_1744 = vector.load %arg1[%get3A_1742, %get3A_1743] : memref<16x65536xf32, #tpu.memory_space<vmem>>, vector<16x128xf32>
    %get3A_1745 = arith.constant 0 : index
    %get3A_1746 = arith.constant 61824 : index
    %get3A_1747 = vector.load %arg1[%get3A_1745, %get3A_1746] : memref<16x65536xf32, #tpu.memory_space<vmem>>, vector<16x128xf32>
    %get3A_1748 = arith.constant 0 : index
    %get3A_1749 = arith.constant 61952 : index
    %get3A_1750 = vector.load %arg1[%get3A_1748, %get3A_1749] : memref<16x65536xf32, #tpu.memory_space<vmem>>, vector<16x128xf32>
    %get3A_1751 = arith.constant 0 : index
    %get3A_1752 = arith.constant 62080 : index
    %get3A_1753 = vector.load %arg1[%get3A_1751, %get3A_1752] : memref<16x65536xf32, #tpu.memory_space<vmem>>, vector<16x128xf32>
    %get3A_1754 = arith.constant 0 : index
    %get3A_1755 = arith.constant 62208 : index
    %get3A_1756 = vector.load %arg1[%get3A_1754, %get3A_1755] : memref<16x65536xf32, #tpu.memory_space<vmem>>, vector<16x128xf32>
    %get3A_1757 = arith.constant 0 : index
    %get3A_1758 = arith.constant 62336 : index
    %get3A_1759 = vector.load %arg1[%get3A_1757, %get3A_1758] : memref<16x65536xf32, #tpu.memory_space<vmem>>, vector<16x128xf32>
    %concatenate3A_1760 = tpu.concatenate %get3A_1738, %get3A_1741, %get3A_1744, %get3A_1747, %get3A_1750, %get3A_1753, %get3A_1756, %get3A_1759 in 0 : vector<16x128xf32>, vector<16x128xf32>, vector<16x128xf32>, vector<16x128xf32>, vector<16x128xf32>, vector<16x128xf32>, vector<16x128xf32>, vector<16x128xf32> -> vector<128x128xf32>
    %transpose3A_1761 = tpu.transpose %concatenate3A_1760, [1, 0] : vector<128x128xf32> -> vector<128x128xf32>
    %swap3A_1762 = arith.constant 7680 : index
    %swap3A_1763 = arith.constant 0 : index
    %swap3A_1764 = vector.load %arg2[%swap3A_1762, %swap3A_1763] : memref<8192x128xf32, #tpu.memory_space<vmem>>, vector<128x128xf32>
    tpu.vector_store %arg2[%swap3A_1762, %swap3A_1763], %transpose3A_1761 {strides = array<i32>} : memref<8192x128xf32, #tpu.memory_space<vmem>>, vector<128x128xf32>,
    %get3A_1765 = arith.constant 0 : index
    %get3A_1766 = arith.constant 62464 : index
    %get3A_1767 = vector.load %arg1[%get3A_1765, %get3A_1766] : memref<16x65536xf32, #tpu.memory_space<vmem>>, vector<16x128xf32>
    %get3A_1768 = arith.constant 0 : index
    %get3A_1769 = arith.constant 62592 : index
    %get3A_1770 = vector.load %arg1[%get3A_1768, %get3A_1769] : memref<16x65536xf32, #tpu.memory_space<vmem>>, vector<16x128xf32>
    %get3A_1771 = arith.constant 0 : index
    %get3A_1772 = arith.constant 62720 : index
    %get3A_1773 = vector.load %arg1[%get3A_1771, %get3A_1772] : memref<16x65536xf32, #tpu.memory_space<vmem>>, vector<16x128xf32>
    %get3A_1774 = arith.constant 0 : index
    %get3A_1775 = arith.constant 62848 : index
    %get3A_1776 = vector.load %arg1[%get3A_1774, %get3A_1775] : memref<16x65536xf32, #tpu.memory_space<vmem>>, vector<16x128xf32>
    %get3A_1777 = arith.constant 0 : index
    %get3A_1778 = arith.constant 62976 : index
    %get3A_1779 = vector.load %arg1[%get3A_1777, %get3A_1778] : memref<16x65536xf32, #tpu.memory_space<vmem>>, vector<16x128xf32>
    %get3A_1780 = arith.constant 0 : index
    %get3A_1781 = arith.constant 63104 : index
    %get3A_1782 = vector.load %arg1[%get3A_1780, %get3A_1781] : memref<16x65536xf32, #tpu.memory_space<vmem>>, vector<16x128xf32>
    %get3A_1783 = arith.constant 0 : index
    %get3A_1784 = arith.constant 63232 : index
    %get3A_1785 = vector.load %arg1[%get3A_1783, %get3A_1784] : memref<16x65536xf32, #tpu.memory_space<vmem>>, vector<16x128xf32>
    %get3A_1786 = arith.constant 0 : index
    %get3A_1787 = arith.constant 63360 : index
    %get3A_1788 = vector.load %arg1[%get3A_1786, %get3A_1787] : memref<16x65536xf32, #tpu.memory_space<vmem>>, vector<16x128xf32>
    %concatenate3A_1789 = tpu.concatenate %get3A_1767, %get3A_1770, %get3A_1773, %get3A_1776, %get3A_1779, %get3A_1782, %get3A_1785, %get3A_1788 in 0 : vector<16x128xf32>, vector<16x128xf32>, vector<16x128xf32>, vector<16x128xf32>, vector<16x128xf32>, vector<16x128xf32>, vector<16x128xf32>, vector<16x128xf32> -> vector<128x128xf32>
    %transpose3A_1790 = tpu.transpose %concatenate3A_1789, [1, 0] : vector<128x128xf32> -> vector<128x128xf32>
    %swap3A_1791 = arith.constant 7808 : index
    %swap3A_1792 = arith.constant 0 : index
    %swap3A_1793 = vector.load %arg2[%swap3A_1791, %swap3A_1792] : memref<8192x128xf32, #tpu.memory_space<vmem>>, vector<128x128xf32>
    tpu.vector_store %arg2[%swap3A_1791, %swap3A_1792], %transpose3A_1790 {strides = array<i32>} : memref<8192x128xf32, #tpu.memory_space<vmem>>, vector<128x128xf32>,
    %get3A_1794 = arith.constant 0 : index
    %get3A_1795 = arith.constant 63488 : index
    %get3A_1796 = vector.load %arg1[%get3A_1794, %get3A_1795] : memref<16x65536xf32, #tpu.memory_space<vmem>>, vector<16x128xf32>
    %get3A_1797 = arith.constant 0 : index
    %get3A_1798 = arith.constant 63616 : index
    %get3A_1799 = vector.load %arg1[%get3A_1797, %get3A_1798] : memref<16x65536xf32, #tpu.memory_space<vmem>>, vector<16x128xf32>
    %get3A_1800 = arith.constant 0 : index
    %get3A_1801 = arith.constant 63744 : index
    %get3A_1802 = vector.load %arg1[%get3A_1800, %get3A_1801] : memref<16x65536xf32, #tpu.memory_space<vmem>>, vector<16x128xf32>
    %get3A_1803 = arith.constant 0 : index
    %get3A_1804 = arith.constant 63872 : index
    %get3A_1805 = vector.load %arg1[%get3A_1803, %get3A_1804] : memref<16x65536xf32, #tpu.memory_space<vmem>>, vector<16x128xf32>
    %get3A_1806 = arith.constant 0 : index
    %get3A_1807 = arith.constant 64000 : index
    %get3A_1808 = vector.load %arg1[%get3A_1806, %get3A_1807] : memref<16x65536xf32, #tpu.memory_space<vmem>>, vector<16x128xf32>
    %get3A_1809 = arith.constant 0 : index
    %get3A_1810 = arith.constant 64128 : index
    %get3A_1811 = vector.load %arg1[%get3A_1809, %get3A_1810] : memref<16x65536xf32, #tpu.memory_space<vmem>>, vector<16x128xf32>
    %get3A_1812 = arith.constant 0 : index
    %get3A_1813 = arith.constant 64256 : index
    %get3A_1814 = vector.load %arg1[%get3A_1812, %get3A_1813] : memref<16x65536xf32, #tpu.memory_space<vmem>>, vector<16x128xf32>
    %get3A_1815 = arith.constant 0 : index
    %get3A_1816 = arith.constant 64384 : index
    %get3A_1817 = vector.load %arg1[%get3A_1815, %get3A_1816] : memref<16x65536xf32, #tpu.memory_space<vmem>>, vector<16x128xf32>
    %concatenate3A_1818 = tpu.concatenate %get3A_1796, %get3A_1799, %get3A_1802, %get3A_1805, %get3A_1808, %get3A_1811, %get3A_1814, %get3A_1817 in 0 : vector<16x128xf32>, vector<16x128xf32>, vector<16x128xf32>, vector<16x128xf32>, vector<16x128xf32>, vector<16x128xf32>, vector<16x128xf32>, vector<16x128xf32> -> vector<128x128xf32>
    %transpose3A_1819 = tpu.transpose %concatenate3A_1818, [1, 0] : vector<128x128xf32> -> vector<128x128xf32>
    %swap3A_1820 = arith.constant 7936 : index
    %swap3A_1821 = arith.constant 0 : index
    %swap3A_1822 = vector.load %arg2[%swap3A_1820, %swap3A_1821] : memref<8192x128xf32, #tpu.memory_space<vmem>>, vector<128x128xf32>
    tpu.vector_store %arg2[%swap3A_1820, %swap3A_1821], %transpose3A_1819 {strides = array<i32>} : memref<8192x128xf32, #tpu.memory_space<vmem>>, vector<128x128xf32>,
    %get3A_1823 = arith.constant 0 : index
    %get3A_1824 = arith.constant 64512 : index
    %get3A_1825 = vector.load %arg1[%get3A_1823, %get3A_1824] : memref<16x65536xf32, #tpu.memory_space<vmem>>, vector<16x128xf32>
    %get3A_1826 = arith.constant 0 : index
    %get3A_1827 = arith.constant 64640 : index
    %get3A_1828 = vector.load %arg1[%get3A_1826, %get3A_1827] : memref<16x65536xf32, #tpu.memory_space<vmem>>, vector<16x128xf32>
    %get3A_1829 = arith.constant 0 : index
    %get3A_1830 = arith.constant 64768 : index
    %get3A_1831 = vector.load %arg1[%get3A_1829, %get3A_1830] : memref<16x65536xf32, #tpu.memory_space<vmem>>, vector<16x128xf32>
    %get3A_1832 = arith.constant 0 : index
    %get3A_1833 = arith.constant 64896 : index
    %get3A_1834 = vector.load %arg1[%get3A_1832, %get3A_1833] : memref<16x65536xf32, #tpu.memory_space<vmem>>, vector<16x128xf32>
    %get3A_1835 = arith.constant 0 : index
    %get3A_1836 = arith.constant 65024 : index
    %get3A_1837 = vector.load %arg1[%get3A_1835, %get3A_1836] : memref<16x65536xf32, #tpu.memory_space<vmem>>, vector<16x128xf32>
    %get3A_1838 = arith.constant 0 : index
    %get3A_1839 = arith.constant 65152 : index
    %get3A_1840 = vector.load %arg1[%get3A_1838, %get3A_1839] : memref<16x65536xf32, #tpu.memory_space<vmem>>, vector<16x128xf32>
    %get3A_1841 = arith.constant 0 : index
    %get3A_1842 = arith.constant 65280 : index
    %get3A_1843 = vector.load %arg1[%get3A_1841, %get3A_1842] : memref<16x65536xf32, #tpu.memory_space<vmem>>, vector<16x128xf32>
    %get3A_1844 = arith.constant 0 : index
    %get3A_1845 = arith.constant 65408 : index
    %get3A_1846 = vector.load %arg1[%get3A_1844, %get3A_1845] : memref<16x65536xf32, #tpu.memory_space<vmem>>, vector<16x128xf32>
    %concatenate3A_1847 = tpu.concatenate %get3A_1825, %get3A_1828, %get3A_1831, %get3A_1834, %get3A_1837, %get3A_1840, %get3A_1843, %get3A_1846 in 0 : vector<16x128xf32>, vector<16x128xf32>, vector<16x128xf32>, vector<16x128xf32>, vector<16x128xf32>, vector<16x128xf32>, vector<16x128xf32>, vector<16x128xf32> -> vector<128x128xf32>
    %transpose3A_1848 = tpu.transpose %concatenate3A_1847, [1, 0] : vector<128x128xf32> -> vector<128x128xf32>
    %swap3A_1849 = arith.constant 8064 : index
    %swap3A_1850 = arith.constant 0 : index
    %swap3A_1851 = vector.load %arg2[%swap3A_1849, %swap3A_1850] : memref<8192x128xf32, #tpu.memory_space<vmem>>, vector<128x128xf32>
    tpu.vector_store %arg2[%swap3A_1849, %swap3A_1850], %transpose3A_1848 {strides = array<i32>} : memref<8192x128xf32, #tpu.memory_space<vmem>>, vector<128x128xf32>,
    return
  }
  func.func @transform_0(%arg0: i32) -> (i32, i32) {
    %c0_i32 = arith.constant 0 : i32
    %c0_i32_0 = arith.constant 0 : i32
    return %c0_i32, %arg0 : i32, i32
  }
  func.func @transform_1(%arg0: i32) -> (i32, i32) {
    %c0_i32 = arith.constant 0 : i32
    %c0_i32_0 = arith.constant 0 : i32
    return %arg0, %c0_i32 : i32, i32
  }
}

module attributes {stable_mosaic.version = 14 : i64} {
  func.func @_t2_body(%arg0: i32, %arg1: memref<512x3200xf32, #tpu.memory_space<vmem>>, %arg2: memref<200x16x512xf32, #tpu.memory_space<vmem>>) attributes {dimension_semantics = [#tpu.dimension_semantics<arbitrary>], iteration_bounds = array<i64: 8>, scalar_prefetch = 0 : i64, scratch_operands = 0 : i64, tpu.core_type = #tpu.core_type<tc>, window_params = [{transform_indices = @transform_0, window_bounds = array<i64: 512, 3200>}, {transform_indices = @transform_1, window_bounds = array<i64: 200, 16, 512>}]} {
    %get3A = arith.constant 0 : index
    %get3A_0 = arith.constant 0 : index
    %get3A_1 = vector.load %arg1[%get3A, %get3A_0] : memref<512x3200xf32, #tpu.memory_space<vmem>>, vector<512x3200xf32>
    %transpose3A = tpu.transpose %get3A_1, [1, 0] : vector<512x3200xf32> -> vector<3200x512xf32>
    %reshape3A = vector.shape_cast %transpose3A : vector<3200x512xf32> to vector<200x16x512xf32>
    %swap3A = arith.constant 0 : index
    %swap3A_2 = arith.constant 0 : index
    %swap3A_3 = arith.constant 0 : index
    %swap3A_4 = vector.load %arg2[%swap3A, %swap3A_2, %swap3A_3] : memref<200x16x512xf32, #tpu.memory_space<vmem>>, vector<200x16x512xf32>
    tpu.vector_store %arg2[%swap3A, %swap3A_2, %swap3A_3], %reshape3A {strides = array<i32>} : memref<200x16x512xf32, #tpu.memory_space<vmem>>, vector<200x16x512xf32>,
    return
  }
  func.func @transform_0(%arg0: i32) -> (i32, i32) {
    %c0_i32 = arith.constant 0 : i32
    %c0_i32_0 = arith.constant 0 : i32
    return %arg0, %c0_i32 : i32, i32
  }
  func.func @transform_1(%arg0: i32) -> (i32, i32, i32) {
    %c0_i32 = arith.constant 0 : i32
    %c0_i32_0 = arith.constant 0 : i32
    %c0_i32_1 = arith.constant 0 : i32
    return %c0_i32, %c0_i32_0, %arg0 : i32, i32, i32
  }
}

</mosaic_0001>

<sc_bundles>
// kernel: kernel.6.cloned.1.call-start
scs
__scs_entry_jumppad:
0x0: {  	(pc) =	sbr.rel $0x88, $3  }
0x1: {  	(tag) =	ssettag $0x0;
	lr =	simm.s32 $0x1  }
0x2: {  	[smem:$0x3F9F] =	sst lr;
	_ =	strace $0xD0000000  }
0x3: {  	_ = 	snop  }
0x4: {  	_ = 	snop  }
0x5: {  	_ = 	snop  }
0x6: {  	_ = 	snop  }
0x7: {  	_ = 	snop  }
__scs_overlays_trampoline_lowered:
0x8: {  	[smem:$0x3FAE] =	sst s0  }
0x9: {  	[smem:$0x3FAF] =	sst s1  }
0xa: {  	[smem:$0x3FB0] =	sst s2  }
0xb: {  	[smem:$0x3FB1] =	sst s3  }
0xc: {  	[smem:$0x3FB2] =	sst s4  }
0xd: {  	[smem:$0x3FB3] =	sst s5  }
0xe: {  	[smem:$0x3FB4] =	sst s6  }
0xf: {  	[smem:$0x3FB5] =	sst s7  }
0x10: {  	[smem:$0x3FB6] =	sst s8  }
0x11: {  	[smem:$0x3FB7] =	sst s9;
	s0 =	simm.s32 @!p0 $0x0  }
0x12: {  	s1 =	sld [smem:$0x3F9D];
	s0 =	simm.s32 @p0 $0x1  }
0x13: {  	[smem:$0x3FB8] =	sst s0;
	s0 =	simm.s32 @!p1 $0x0  }
0x14: {  	s2 =	sld [smem:$0x3F9C];
	s0 =	simm.s32 @p1 $0x1  }
0x15: {  	[smem:$0x3FB9] =	sst s0;
	s0 =	simm.s32 @!p2 $0x0  }
0x16: {  	s3 =	sld [smem:$0x3FDB];
	s0 =	simm.s32 @p2 $0x1  }
0x17: {  	s4 =	simm.s32 $0x1BF5;
	[smem:$0x3FBB] =	sst s0  }
0x18: {  	s0 =	sld [smem:$0x3F9E];
	_ =	swait.ge [sflag:s4], $0x0  }
0x19: {  	s7 =	sld [smem:$0x3F9F]  }
0x1a: {  	s8 =	sadd.s32 $0xFFFFE003, lr  }
0x1b: {  	s9 =	sadd.s32 $0xFFFFFEF7, lr;
	s5 =	simm.s32 $0xFFFFFFFF;
	p2 =	slt.u32 s8, $0xFFFFF086  }
0x1c: {  	p1 =	slt.u32 s9, $0xF7A;
	s5 =	simm.s32 @!p2 $0x0  }
0x1d: {  	s5 =	simm.s32 @p1 $0x1;
	p0 =	seq.s32 s7, s2  }
0x1e: {  	s7 =	smul.u32 @!p0 $0xF7A, s2;
	p2 =	seq.s32 @!p0 s5, $0x0  }
0x1f: {  	s9 =	smul.u32 $0xF7A, s1;
	s8 =	simm.s32 @!p0 $0x1BF5;
	p2 =	por !p2, p0  }
0x20: {  	[sflag:s8] =	ssyncset.s32 @!p0 $0xFFFFF086;
	s6 =	sadd.s32 @!p0 s3, s7;
	s7 =	simm.s32 @!p0 $0x108  }
0x21: {  	s3 =	sadd.s32 s3, s9;
	s6 =	sadd.s32 @!p0 $0x88, s6;
	s7 =	simm.s32 @p2 $0x1082  }
0x22: {  	[simem:s7], [sflag:s8] =	dma.local @!p0 [hbm:s6], $0xF7A  }
0x23: {  	s9 =	sor.u32 $0xD0000000, s2;
	s6 =	simm.s32 $0x108;
	_ =	swait.ge @!p0 [sflag:s8], $0x0  }
0x24: {  	s3 =	sadd.s32 $0x88, s3;
	s6 =	simm.s32 @!p1 $0x1082;
	[sflag:s4] =	ssyncset.s32 $0xFFFFF086  }
0x25: {  	[simem:s6], [sflag:s4] =	dma.local [hbm:s3], $0xF7A  }
0x26: {  	[smem:$0x3F9F] =	sst s1;
	(tag) =	ssettag s2;
	_ =	strace s9  }
0x27: {  	s1 =	sld [smem:$0x3FAF]  }
0x28: {  	s2 =	sld [smem:$0x3FB0]  }
0x29: {  	s4 =	sld [smem:$0x3FB2]  }
0x2a: {  	p0 =	seq.s32 s5, $0x0;
	s5 =	sld [smem:$0x3FB3]  }
0x2b: {  	s6 =	sld [smem:$0x3FB4]  }
0x2c: {  	s7 =	sld [smem:$0x3FB5]  }
0x2d: {  	s3 =	simm.s32 $0x108;
	s8 =	sld [smem:$0x3FB6]  }
0x2e: {  	s3 =	simm.s32 @!p0 $0x1082;
	s9 =	sld [smem:$0x3FB7]  }
0x2f: {  	lr =	sadd.s32 s0, s3;
	s0 =	sld [smem:$0x3FAE]  }
0x30: {  	s3 =	sld [smem:$0x3FB1]  }
0x31: {  	[smem:$0x3FBA] =	sst s10  }
0x32: {  	s10 =	sld [smem:$0x3FB8];
	_ =	sdelay $0x3  }
0x33: {  	p0 =	seq.s32 s10, $0x1;
	s10 =	sld [smem:$0x3FBA];
	_ =	sdelay $0x3  }
0x34: {  	[smem:$0x3FBA] =	sst s10  }
0x35: {  	s10 =	sld [smem:$0x3FB9];
	_ =	sdelay $0x3  }
0x36: {  	p1 =	seq.s32 s10, $0x1;
	s10 =	sld [smem:$0x3FBA];
	_ =	sdelay $0x3  }
0x37: {  	[smem:$0x3FBA] =	sst s10  }
0x38: {  	s10 =	sld [smem:$0x3FBB]  }
0x39: {  	_ = 	snop;
	(pc) =	sbr.ind lr, $3  }
0x3a: {  	_ = 	snop  }
0x3b: {  	_ = 	snop  }
0x3c: {  	p2 =	seq.s32 s10, $0x1;
	s10 =	sld [smem:$0x3FBA]  }
0x3d: {  	_ =	shalt  }
0x3e: {  	_ =	shalt  }
0x3f: {  	_ =	shalt  }
0x40: {  	_ =	shalt  }
0x41: {  	_ =	shalt  }
0x42: {  	_ =	shalt  }
0x43: {  	_ =	shalt  }
0x44: {  	_ =	shalt  }
0x45: {  	_ =	shalt  }
0x46: {  	_ =	shalt  }
0x47: {  	_ =	shalt  }
0x48: {  	_ =	shalt  }
0x49: {  	_ =	shalt  }
0x4a: {  	_ =	shalt  }
0x4b: {  	_ =	shalt  }
0x4c: {  	_ =	shalt  }
0x4d: {  	_ =	shalt  }
0x4e: {  	_ =	shalt  }
0x4f: {  	_ =	shalt  }
0x50: {  	_ =	shalt  }
0x51: {  	_ =	shalt  }
0x52: {  	_ =	shalt  }
0x53: {  	_ =	shalt  }
0x54: {  	_ =	shalt  }
0x55: {  	_ =	shalt  }
0x56: {  	_ =	shalt  }
0x57: {  	_ =	shalt  }
0x58: {  	_ =	shalt  }
0x59: {  	_ =	shalt  }
0x5a: {  	_ =	shalt  }
0x5b: {  	_ =	shalt  }
0x5c: {  	_ =	shalt  }
0x5d: {  	_ =	shalt  }
0x5e: {  	_ =	shalt  }
0x5f: {  	_ =	shalt  }
0x60: {  	_ =	shalt  }
0x61: {  	_ =	shalt  }
0x62: {  	_ =	shalt  }
0x63: {  	_ =	shalt  }
0x64: {  	_ =	shalt  }
0x65: {  	_ =	shalt  }
0x66: {  	_ =	shalt  }
0x67: {  	_ =	shalt  }
0x68: {  	_ =	shalt  }
0x69: {  	_ =	shalt  }
0x6a: {  	_ =	shalt  }
0x6b: {  	_ =	shalt  }
0x6c: {  	_ =	shalt  }
0x6d: {  	_ =	shalt  }
0x6e: {  	_ =	shalt  }
0x6f: {  	_ =	shalt  }
0x70: {  	_ =	shalt  }
0x71: {  	_ =	shalt  }
0x72: {  	_ =	shalt  }
0x73: {  	_ =	shalt  }
0x74: {  	_ =	shalt  }
0x75: {  	_ =	shalt  }
0x76: {  	_ =	shalt  }
0x77: {  	_ =	shalt  }
0x78: {  	_ =	shalt  }
0x79: {  	_ =	shalt  }
0x7a: {  	_ =	shalt  }
0x7b: {  	_ =	shalt  }
0x7c: {  	_ =	shalt  }
0x7d: {  	_ =	shalt  }
0x7e: {  	_ =	shalt  }
0x7f: {  	_ =	shalt  }
0x80: {  	_ =	shalt  }
0x81: {  	_ =	shalt  }
0x82: {  	_ =	shalt  }
0x83: {  	_ =	shalt  }
0x84: {  	_ =	shalt  }
0x85: {  	_ =	shalt  }
0x86: {  	_ =	shalt  }
0x87: {  	_ =	shalt  }
.Lfunc_end0:
.L_simem_size_0:
called_computation_lowered:
.L_overlay_start_0:
0x88: {  	s2 =	sld [smem:$0x3FD9]  }
0x89: {  	s3 =	sld [smem:$0x3FFE];
	_ =	sdelay $0x1  }
0x8a: {  	s1 =	srdreg.scid  }
0x8b: {  	s0 =	sand.u32 $0x1, s1  }
0x8c: {  	s14 =	sshll.u32 s0, $0xA;
	s2 =	sadd.s32 s3, s2  }
0x8d: {  	s2 =	sadd.s32 s2, s14  }
0x8e: {  	[smem:$0x3FC6] =	sst s2  }
0x8f: {  	_ = 	snop  }
0x90: {  	s2 =	sld [smem:$0x3FD0];
	_ =	sdelay $0x2  }
0x91: {  	s15 =	simm.s32 $0xA;
	s4 =	simm.s32 $0x10  }
0x92: {  	[smem:s4], [sflag:s15] =	dma.local [hbm:s2], $0x1  }
0x93: {  	_ =	swait.eq [sflag:s15], $0x1  }
0x94: {  	[sflag:s15] =	ssyncset.done $0x0  }
0x95: {  	[sflag:s15] =	ssyncadd.s32 $0xFFFFFFFF  }
0x96: {  	s16 =	sld [smem:$0x10];
	(tm) =	ssettm $0x1  }
0x97: {  	s17 =	sld [smem:$0x3FFB];
	_ =	sdelay $0x3  }
0x98: {  	_ =	strace s17  }
0x99: {  	s3 =	sld [smem:$0x3FFC];
	_ =	sdelay $0x3  }
0x9a: {  	_ =	strace s3  }
0x9b: {  	s3 =	sld [smem:$0x3FFD];
	_ =	sdelay $0x3  }
0x9c: {  	_ =	strace s3  }
0x9d: {  	_ =	strace $0x8FFFFFFF  }
0x9e: {  	s18 =	sld [smem:$0x3FDB];
	_ =	sdelay $0x1  }
0x9f: {  	s19 =	simm.s32 $_scs_section_size  }
0xa0: {  	s5 =	simm.s32 $_size__tile_overlayer_lowered;
	s6 =	simm.s32 $_tile_overlayer_lowered  }
0xa1: {  	s22 =	simm.s32 $0x1BFF;
	s21 =	sshll.u32 s6, $0x1;
	s3 =	sadd.s32 s19, s18  }
0xa2: {  	s7 =	simm.s32 $0x0;
	s20 =	sshll.u32 s5, $0x1;
	s5 =	sadd.s32 s21, s3  }
0xa3: {  	[timem:s7], [sflag:s22] =	dma.local [hbm:s5], s20  }
0xa4: {  	_ =	swait.ge [sflag:s22], s20  }
0xa5: {  	s4 =	ssub.s32 $0x0, s20;
	[sflag:s22] =	ssyncset.done $0x0  }
0xa6: {  	[sflag:s22] =	ssyncadd.s32 s4;
	_ =	sdelay $0x1  }
0xa7: {  	s23 =	simm.s32 $0x1B8B  }
0xa8: {  	_ =	swait.ge [sflag:s23], $0x1  }
0xa9: {  	[sflag:s23] =	ssyncset.done $0x0  }
0xaa: {  	s25 =	simm.s32 $0x1B8E;
	s24 =	sld [smem:$0x3FFE];
	[sflag:s23] =	ssyncadd.s32 $0xFFFFFFFF  }
0xab: {  	s26 =	simm.s32 $execute0_lowered;
	[smem:$0x3FD2] =	sst s25  }
0xac: {  	s5 =	sshll.u32 s26, $0x1;
	_ =	strace $0x80000046;
	[dreg:$0x1] =	wrdreg $0xFFFFFFFF  }
0xad: {  	s28 =	simm.s32 $_size_execute0_lowered;
	s3 =	sadd.s32 s3, s5;
	[dreg:$0x0] =	wrdreg $0x0  }
0xae: {  	s5 =	sshll.u32 s28, $0x1;
	[dreg:$0x2] =	wrdreg s3  }
0xaf: {  	[dreg:$0x3] =	wrdreg s5  }
0xb0: {  	[dreg:$0x4] =	wrdreg $0xC0  }
0xb1: {  	_ =	task [dreg:s7], $0x5FFFF  }
0xb2: {  	[dreg:$0x1] =	wrdreg $0xFFFFFFFF  }
0xb3: {  	[dreg:$0x0] =	wrdreg $0x60  }
0xb4: {  	[dreg:$0x2] =	wrdreg s24  }
0xb5: {  	[dreg:$0x3] =	wrdreg s16  }
0xb6: {  	[dreg:$0x4] =	wrdreg $0x9  }
0xb7: {  	_ =	task.clear_ibuf [dreg:s7], $0x5FFFF;
	_ =	strace $0x90000046  }
0xb8: {  	s29 =	simm.s32 $0x9;
	_ =	strace $0x80000048  }
0xb9: {  	_ =	swait.ge [sflag:s29], $0x1  }
0xba: {  	[sflag:s29] =	ssyncadd.s32 $0xFFFFFFFF  }
0xbb: {  	_ =	strace $0x90000048  }
0xbc: {  	_ =	sfence  }
0xbd: {  	s30 =	sld [smem:$0x0];
	_ =	sdelay $0x2  }
0xbe: {  	s31 =	sshll.u32 s1, $0xD;
	s1 =	sshrl.u32 s1, $0x2  }
0xbf: {  	s3 =	sand.u32 $0x4000, s31;
	s1 =	sadd.s32 s1, s30  }
0xc0: {  	s0 =	sor.u32 s3, s0;
	s1 =	sshll.u32 s1, $0x11  }
0xc1: {  	s0 =	sor.u32 s1, s0  }
0xc2: {  	s0 =	sadd.s32 $0x8F2B, s0  }
0xc3: {  	[sflag:s0] =	ssyncadd.remote.s32 $0x1  }
0xc4: {  	_ =	sfence.sel $0xFFFF  }
0xc5: {  	[dreg:$0x0] =	wrdreg $0xFFFFFFFF;
	(pc) =	sbr.abs _section_cstart, $3  }
0xc6: {  	[dreg:$0x1] =	wrdreg $0xFFFFFFFF  }
0xc7: {  	_ =	task.clear_ibuf [dreg:s7], $0x2FFFF;
	_ =	strace $0x9FFFFFFF  }
0xc8: {  	(tm) =	ssettm $0x7FFFFFFF  }
0xc9: {  	_ =	shalt  }
tec
execute0_lowered:
.L_overlay_start_1:
0x0: {  	(tag) =	ssettag $0x1  }
0x1: {  	s0 =	rddreg [dreg:$0x0]  }
0x2: {  	s1 =	srdreg.scid;
	s2 =	stileid.u32  }
0x3: {  	s5 =	rddreg [dreg:$0x1];
	s14 =	simm.s32 $0x5;
	s15 =	simm.s32 $0xC80  }
0x4: {  	s16 =	simm.s32 $0x6400;
	s17 =	simm.s32 $0x12C00;
	s18 =	simm.s32 $0x1  }
0x5: {  	s19 =	simm.s32 $0x3;
	s20 =	simm.s32 $0x1900;
	s21 =	simm.s32 $0x2  }
0x6: {  	s22 =	simm.s32 $0x4;
	s23 =	simm.s32 $0x2580;
	s24 =	simm.s32 $0x3200  }
0x7: {  	s25 =	simm.s32 $0x3E80;
	s1 =	sand.u32 $0x1, s1;
	s3 =	sshll.u32 s2, $0x1  }
0x8: {  	s26 =	simm.s32 $0x4B00;
	s28 =	simm.s32 $0x5780;
	s4 =	sor.u32 s1, s3  }
0x9: {  	s29 =	simm.s32 $0x0;
	s2 =	simm.s32 $0x0;
	s3 =	smul.u32 $0xC80, s4  }
0xa: {  	[smem:$0x7FF] =	sst s2;
	s30 =	ssub.s32 $0x2, s1;
	s6 =	smul.u32 $0x64000, s4  }
0xb: {  	_ =	strace $0x80000047;
	s1 =	sshrl.u32 s30, $0x1;
	s8 =	smul.u32 $0xC800, s4  }
0xc: {  	s7 =	sadd.s32 s3, s0;
	s3 =	sadd.s32 $0x39A00, s0;
	s6 =	sshrl.u32 s6, $0x3  }
0xd: {  	s0 =	ssub.s32 s30, s1;
	s4 =	sadd.s32 $0x20A00, s7;
	s31 =	sadd.s32 s5, s6  }
0xe: {  	s5 =	sadd.s32 s5, s8;
	s13 =	smax.u32 s0, $0x1;
	s6 =	sadd.s32 $0x1900, s31  }
0xf: {  	s7 =	sadd.s32 $0x3200, s31;
	s8 =	sadd.s32 $0x4B00, s31;
	s9 =	sadd.s32 $0x6400, s31  }
0x10: {  	s10 =	sadd.s32 $0x7D00, s31;
	s11 =	sadd.s32 $0x9600, s31;
	s12 =	sadd.s32 $0xAF00, s31  }
.LBB2_1:
0x11: {  	[tilespmem:s2], [sflag:$0x5] =	stream.linear.gather [hbm4b:s4+s2], $0x6400, $0x38;
	[tilespmem:$0x1F400] =	vst v63  }
0x12: {  	_ =	swait.ge [sflag:s14], $0x6400  }
0x13: {  	[sflag:s14] =	ssyncset.done $0x0  }
0x14: {  	s30 =	simm.s32 $0x40;
	[sflag:s14] =	ssyncadd.s32 $0xFFFF9C00  }
0x15: {  	v0 =	vld [tilespmem:s30+$0xFFFFFFC0]  }
0x16: {  	v2 =	vld [tilespmem:s30+$0xFFFFFFD0]  }
0x17: {  	v3 =	vld [tilespmem:s30+$0xFFFFFFE0]  }
0x18: {  	v10 =	vld [tilespmem:s30+$0x10];
	_ =	sdelay $0x1  }
0x19: {  	v4 =	vshll.u32 v0, $0x3;
	v5 =	vand.u32 $0xFFFFFC00, v0  }
0x1a: {  	v1 =	vld [tilespmem:s30+$0xFFFFFFF0];
	v0 =	vshrl.u32 v0, $0x7;
	v6 =	vshll.u32 v2, $0x3;
	v8 =	vand.u32 $0xFFFFFC00, v2  }
0x1b: {  	v2 =	vshrl.u32 v2, $0x7;
	v9 =	vshll.u32 v3, $0x3;
	v11 =	vand.u32 $0xFFFFFC00, v3  }
0x1c: {  	v7 =	vld [tilespmem:s30+$0x0];
	v3 =	vshrl.u32 v3, $0x7;
	v12 =	vand.u32 $0xFFFFFC00, v10;
	v4 =	vand.u32 $0x3F8, v4  }
0x1d: {  	v0 =	vand.u32 $0x7, v0;
	v6 =	vand.u32 $0x3F8, v6;
	v2 =	vand.u32 $0x7, v2  }
0x1e: {  	v9 =	vand.u32 $0x3F8, v9;
	v3 =	vand.u32 $0x7, v3;
	v4 =	vor.u32 v5, v4  }
0x1f: {  	v5 =	vshll.u32 v1, $0x3;
	v6 =	vor.u32 v8, v6;
	v8 =	vor.u32 v11, v9  }
0x20: {  	v9 =	vshll.u32 v10, $0x3;
	v10 =	vshrl.u32 v10, $0x7;
	v0 =	vor.u32 v0, v4;
	v4 =	vld [tilespmem:s30+$0x20]  }
0x21: {  	v2 =	vor.u32 v2, v6;
	v3 =	vor.u32 v3, v8;
	v6 =	vshll.u32 v7, $0x3  }
0x22: {  	v11 =	vld [tilespmem:s30+$0x30];
	v8 =	vand.u32 $0xFFFFFC00, v7;
	v7 =	vshrl.u32 v7, $0x7;
	v9 =	vand.u32 $0x3F8, v9  }
0x23: {  	v5 =	vand.u32 $0x3F8, v5;
	v6 =	vand.u32 $0x3F8, v6;
	v7 =	vand.u32 $0x7, v7  }
0x24: {  	[tilespmem:s30+$0xFFFFFFC0] =	vst v0;
	v0 =	vor.u32 v12, v9;
	v6 =	vor.u32 v8, v6;
	v8 =	vand.u32 $0x7, v10  }
0x25: {  	s31 =	simm.s32 $0xC0;
	[tilespmem:s30+$0xFFFFFFD0] =	vst v2;
	v2 =	vor.u32 v7, v6;
	v8 =	vor.u32 v8, v0;
	v9 =	vshll.u32 v4, $0x3  }
0x26: {  	v6 =	vand.u32 $0xFFFFFC00, v4;
	v0 =	vshrl.u32 v4, $0x7;
	v7 =	vand.u32 $0x3F8, v9;
	v9 =	vld [tilespmem:s31+$0xFFFFFFC0];
	[tilespmem:s30+$0xFFFFFFE0] =	vst v3  }
0x27: {  	v4 =	vand.u32 $0x7, v0;
	v3 =	vor.u32 v6, v7;
	v6 =	vshll.u32 v11, $0x3;
	v0 =	vld [tilespmem:s31+$0xFFFFFFF0];
	[tilespmem:s30+$0x0] =	vst v2  }
0x28: {  	v7 =	vand.u32 $0xFFFFFC00, v11;
	[tilespmem:s30+$0x10] =	vst v8;
	v2 =	vand.u32 $0x3F8, v6;
	v6 =	vshrl.u32 v11, $0x7  }
0x29: {  	v3 =	vor.u32 v4, v3;
	v8 =	vld [tilespmem:s31+$0xFFFFFFE0];
	v2 =	vor.u32 v7, v2;
	v4 =	vand.u32 $0x7, v6  }
0x2a: {  	v6 =	vld [tilespmem:s31+$0xFFFFFFD0];
	v7 =	vand.u32 $0xFFFFFC00, v1;
	v4 =	vor.u32 v4, v2;
	v2 =	vshrl.u32 v1, $0x7  }
0x2b: {  	v1 =	vor.u32 v7, v5;
	v5 =	vshll.u32 v9, $0x3;
	v2 =	vand.u32 $0x7, v2  }
0x2c: {  	[tilespmem:s30+$0x20] =	vst v3;
	v3 =	vand.u32 $0xFFFFFC00, v9;
	v7 =	vshrl.u32 v9, $0x7;
	v5 =	vand.u32 $0x3F8, v5  }
0x2d: {  	[tilespmem:s30+$0x30] =	vst v4;
	v4 =	vor.u32 v3, v5;
	v5 =	vand.u32 $0x7, v7;
	v3 =	vshll.u32 v0, $0x3  }
0x2e: {  	v10 =	vld [tilespmem:s31+$0x0];
	v11 =	vshll.u32 v8, $0x3;
	v13 =	vand.u32 $0xFFFFFC00, v8;
	v8 =	vshrl.u32 v8, $0x7  }
0x2f: {  	v62 =	vld [tilespmem:s31+$0x10];
	v7 =	vand.u32 $0xFFFFFC00, v6;
	v9 =	vshll.u32 v6, $0x3;
	v6 =	vshrl.u32 v6, $0x7  }
0x30: {  	v11 =	vand.u32 $0x3F8, v11;
	v8 =	vand.u32 $0x7, v8;
	v9 =	vand.u32 $0x3F8, v9  }
0x31: {  	v6 =	vand.u32 $0x7, v6;
	v7 =	vor.u32 v7, v9;
	v9 =	vor.u32 v13, v11  }
0x32: {  	v5 =	vor.u32 v5, v4;
	v11 =	vor.u32 v6, v7;
	v4 =	vor.u32 v8, v9;
	v9 =	vld [tilespmem:s31+$0x20]  }
0x33: {  	v6 =	vand.u32 $0xFFFFFC00, v10;
	v7 =	vshll.u32 v10, $0x3;
	v8 =	vshrl.u32 v10, $0x7  }
0x34: {  	[tilespmem:s31+$0xFFFFFFC0] =	vst v5;
	v5 =	vld [tilespmem:s31+$0x30];
	v10 =	vshll.u32 v62, $0x3;
	v63 =	vand.u32 $0xFFFFFC00, v62;
	v12 =	vshrl.u32 v62, $0x7  }
0x35: {  	v7 =	vand.u32 $0x3F8, v7;
	v8 =	vand.u32 $0x7, v8;
	v10 =	vand.u32 $0x3F8, v10  }
0x36: {  	v12 =	vand.u32 $0x7, v12;
	v6 =	vor.u32 v6, v7;
	v10 =	vor.u32 v63, v10  }
0x37: {  	v7 =	vor.u32 v8, v6;
	v6 =	vor.u32 v12, v10;
	v10 =	vshll.u32 v9, $0x3  }
0x38: {  	s1 =	simm.s32 $0x8;
	s0 =	simm.s32 $0x140;
	[tilespmem:s31+$0xFFFFFFD0] =	vst v11;
	v8 =	vand.u32 $0xFFFFFC00, v9;
	v9 =	vshrl.u32 v9, $0x7;
	v10 =	vand.u32 $0x3F8, v10  }
.LBB2_2:
0x39: {  	v11 =	vld [tilespmem:s0+$0xFFFFFFC0];
	[tilespmem:s31+$0xFFFFFFE0] =	vst v4;
	v4 =	vor.u32 v8, v10;
	v8 =	vand.u32 $0x7, v9;
	v9 =	vshll.u32 v5, $0x3  }
0x3a: {  	v10 =	vld [tilespmem:s0+$0xFFFFFFF0];
	[tilespmem:s31+$0x0] =	vst v7;
	v7 =	vand.u32 $0xFFFFFC00, v5;
	v9 =	vand.u32 $0x3F8, v9;
	v5 =	vshrl.u32 v5, $0x7  }
0x3b: {  	v4 =	vor.u32 v8, v4;
	[tilespmem:s31+$0x10] =	vst v6;
	v6 =	vor.u32 v7, v9;
	v5 =	vand.u32 $0x7, v5  }
0x3c: {  	v3 =	vand.u32 $0x3F8, v3;
	v8 =	vand.u32 $0xFFFFFC00, v0;
	v7 =	vld [tilespmem:s0+$0xFFFFFFD0];
	[tilespmem:s31+$0x20] =	vst v4;
	v4 =	vor.u32 v5, v6  }
0x3d: {  	v9 =	vshrl.u32 v0, $0x7;
	v5 =	vld [tilespmem:s0+$0xFFFFFFE0];
	[tilespmem:s31+$0x30] =	vst v4;
	v4 =	vor.u32 v2, v1;
	v1 =	vor.u32 v8, v3  }
0x3e: {  	v2 =	vand.u32 $0x7, v9;
	v3 =	vshll.u32 v11, $0x3;
	[tilespmem:s30+$0xFFFFFFF0] =	vst v4;
	s30 =	smov.u32 s31;
	s31 =	smov.u32 s0  }
0x3f: {  	v4 =	vand.u32 $0xFFFFFC00, v11;
	v6 =	vshrl.u32 v11, $0x7;
	v3 =	vand.u32 $0x3F8, v3;
	v0 =	vmovc v10  }
0x40: {  	v6 =	vand.u32 $0x7, v6;
	v4 =	vor.u32 v4, v3;
	v3 =	vshll.u32 v0, $0x3  }
0x41: {  	v8 =	vand.u32 $0xFFFFFC00, v7;
	v9 =	vshll.u32 v7, $0x3;
	v7 =	vshrl.u32 v7, $0x7;
	v10 =	vld [tilespmem:s0+$0x0]  }
0x42: {  	v9 =	vand.u32 $0x3F8, v9;
	v7 =	vand.u32 $0x7, v7;
	v11 =	vshll.u32 v5, $0x3;
	v12 =	vld [tilespmem:s0+$0x10]  }
0x43: {  	v13 =	vand.u32 $0xFFFFFC00, v5;
	v5 =	vshrl.u32 v5, $0x7;
	v11 =	vand.u32 $0x3F8, v11  }
0x44: {  	v8 =	vor.u32 v8, v9;
	v5 =	vand.u32 $0x7, v5;
	v9 =	vor.u32 v13, v11  }
0x45: {  	s1 =	sadd.s32 $0x8, s1;
	v6 =	vor.u32 v6, v4;
	v8 =	vor.u32 v7, v8;
	v4 =	vor.u32 v5, v9;
	v9 =	vld [tilespmem:s0+$0x20]  }
0x46: {  	p0 =	slt.u32 s1, $0x638;
	v7 =	vand.u32 $0xFFFFFC00, v10;
	v5 =	vshll.u32 v10, $0x3;
	v10 =	vshrl.u32 v10, $0x7  }
.Ltmp0:
0x47: {  	v11 =	vand.u32 $0x3F8, v5;
	v10 =	vand.u32 $0x7, v10;
	v13 =	vshll.u32 v12, $0x3;
	v5 =	vld [tilespmem:s0+$0x30];
	(pc) =	sbr.rel @p0 .LBB2_2-.Ltmp0, $4  }
0x48: {  	v14 =	vand.u32 $0xFFFFFC00, v12;
	v12 =	vshrl.u32 v12, $0x7;
	v13 =	vand.u32 $0x3F8, v13  }
0x49: {  	v7 =	vor.u32 v7, v11;
	v12 =	vand.u32 $0x7, v12;
	v11 =	vor.u32 v14, v13  }
0x4a: {  	v7 =	vor.u32 v10, v7;
	[tilespmem:s0+$0xFFFFFFC0] =	vst v6;
	v6 =	vor.u32 v12, v11;
	v10 =	vshll.u32 v9, $0x3  }
0x4b: {  	s0 =	sadd.s32 $0x80, s0;
	[tilespmem:s31+$0xFFFFFFD0] =	vst v8;
	v8 =	vand.u32 $0xFFFFFC00, v9;
	v10 =	vand.u32 $0x3F8, v10;
	v9 =	vshrl.u32 v9, $0x7  }
0x4c: {  	v8 =	vor.u32 v8, v10  }
0x4d: {  	[tilespmem:s31+$0xFFFFFFE0] =	vst v4;
	v54 =	vand.u32 $0x7, v9;
	v55 =	vshll.u32 v5, $0x3;
	v56 =	vand.u32 $0xFFFFFC00, v5  }
0x4e: {  	[tilespmem:s31+$0x0] =	vst v7;
	v58 =	vshrl.u32 v5, $0x7;
	v60 =	vand.u32 $0xFFFFFC00, v0;
	v3 =	vand.u32 $0x3F8, v3  }
0x4f: {  	[tilespmem:s31+$0x10] =	vst v6;
	v61 =	vshrl.u32 v0, $0x7;
	v57 =	vand.u32 $0x3F8, v55;
	v4 =	vor.u32 v54, v8  }
0x50: {  	v1 =	vor.u32 v2, v1;
	v5 =	vand.u32 $0x7, v58;
	v59 =	vor.u32 v56, v57;
	[tilespmem:s31+$0x20] =	vst v4  }
0x51: {  	v63 =	vor.u32 v60, v3;
	v0 =	vand.u32 $0x7, v61;
	[tilespmem:s30+$0xFFFFFFF0] =	vst v1;
	v62 =	vor.u32 v5, v59  }
0x52: {  	v0 =	vor.u32 v0, v63;
	[tilespmem:s31+$0x30] =	vst v62  }
0x53: {  	[tilespmem:s31+$0xFFFFFFF0] =	vst v0  }
0x54: {  	[tilespmem:s16], [sflag:$0x1] =	stream.indirect.gather [hbm4b:s3+s15], $0x10, s2, s15, $0xb8;
	[tilespmem:$0x1F400] =	vst v63  }
0x55: {  	_ = 	snop  }
0x56: {  	[tilespmem:s17], [sflag:$0x2] =	stream.indirect.gather [hbm4b:s3+s15], $0x10, s15, s15, $0xb8;
	[tilespmem:$0x1F400] =	vst v63  }
0x57: {  	_ =	swait.ge [sflag:s18], $0xC800  }
0x58: {  	[sflag:s18] =	ssyncset.done $0x0  }
0x59: {  	[sflag:s18] =	ssyncadd.s32 $0xFFFF3800  }
0x5a: {  	[hbm4b:s5+s2] =	stream.linear.scatter [tilespmem:s16], [sflag:$0x3], $0xC800, $0x38;
	[tilespmem:$0x1F400] =	vst v63  }
0x5b: {  	_ =	swait.ge [sflag:s19], $0xC800  }
0x5c: {  	[sflag:s19] =	ssyncset.done $0x0  }
0x5d: {  	[sflag:s19] =	ssyncadd.s32 $0xFFFF3800  }
0x5e: {  	[tilespmem:s16], [sflag:$0x1] =	stream.indirect.gather [hbm4b:s3+s15], $0x10, s20, s15, $0xb8;
	[tilespmem:$0x1F400] =	vst v63  }
0x5f: {  	_ =	swait.ge [sflag:s21], $0xC800  }
0x60: {  	[sflag:s21] =	ssyncset.done $0x0  }
0x61: {  	[sflag:s21] =	ssyncadd.s32 $0xFFFF3800  }
0x62: {  	[hbm4b:s6+s2] =	stream.linear.scatter [tilespmem:s17], [sflag:$0x4], $0xC800, $0x38;
	[tilespmem:$0x1F400] =	vst v63  }
0x63: {  	_ =	swait.ge [sflag:s22], $0xC800  }
0x64: {  	[sflag:s22] =	ssyncset.done $0x0  }
0x65: {  	[sflag:s22] =	ssyncadd.s32 $0xFFFF3800  }
0x66: {  	[tilespmem:s17], [sflag:$0x2] =	stream.indirect.gather [hbm4b:s3+s15], $0x10, s23, s15, $0xb8;
	[tilespmem:$0x1F400] =	vst v63  }
0x67: {  	_ =	swait.ge [sflag:s18], $0xC800  }
0x68: {  	[sflag:s18] =	ssyncset.done $0x0  }
0x69: {  	[sflag:s18] =	ssyncadd.s32 $0xFFFF3800  }
0x6a: {  	[hbm4b:s7+s2] =	stream.linear.scatter [tilespmem:s16], [sflag:$0x3], $0xC800, $0x38;
	[tilespmem:$0x1F400] =	vst v63  }
0x6b: {  	_ =	swait.ge [sflag:s19], $0xC800  }
0x6c: {  	[sflag:s19] =	ssyncset.done $0x0  }
0x6d: {  	[sflag:s19] =	ssyncadd.s32 $0xFFFF3800  }
0x6e: {  	[tilespmem:s16], [sflag:$0x1] =	stream.indirect.gather [hbm4b:s3+s15], $0x10, s24, s15, $0xb8;
	[tilespmem:$0x1F400] =	vst v63  }
0x6f: {  	_ =	swait.ge [sflag:s21], $0xC800  }
0x70: {  	[sflag:s21] =	ssyncset.done $0x0  }
0x71: {  	[sflag:s21] =	ssyncadd.s32 $0xFFFF3800  }
0x72: {  	[hbm4b:s8+s2] =	stream.linear.scatter [tilespmem:s17], [sflag:$0x4], $0xC800, $0x38;
	[tilespmem:$0x1F400] =	vst v63  }
0x73: {  	_ =	swait.ge [sflag:s22], $0xC800  }
0x74: {  	[sflag:s22] =	ssyncset.done $0x0  }
0x75: {  	[sflag:s22] =	ssyncadd.s32 $0xFFFF3800  }
0x76: {  	[tilespmem:s17], [sflag:$0x2] =	stream.indirect.gather [hbm4b:s3+s15], $0x10, s25, s15, $0xb8;
	[tilespmem:$0x1F400] =	vst v63  }
0x77: {  	_ =	swait.ge [sflag:s18], $0xC800  }
0x78: {  	[sflag:s18] =	ssyncset.done $0x0  }
0x79: {  	[sflag:s18] =	ssyncadd.s32 $0xFFFF3800  }
0x7a: {  	[hbm4b:s9+s2] =	stream.linear.scatter [tilespmem:s16], [sflag:$0x3], $0xC800, $0x38;
	[tilespmem:$0x1F400] =	vst v63  }
0x7b: {  	_ =	swait.ge [sflag:s19], $0xC800  }
0x7c: {  	[sflag:s19] =	ssyncset.done $0x0  }
0x7d: {  	[sflag:s19] =	ssyncadd.s32 $0xFFFF3800  }
0x7e: {  	[tilespmem:s16], [sflag:$0x1] =	stream.indirect.gather [hbm4b:s3+s15], $0x10, s26, s15, $0xb8;
	[tilespmem:$0x1F400] =	vst v63  }
0x7f: {  	_ =	swait.ge [sflag:s21], $0xC800  }
0x80: {  	[sflag:s21] =	ssyncset.done $0x0  }
0x81: {  	[sflag:s21] =	ssyncadd.s32 $0xFFFF3800  }
0x82: {  	[hbm4b:s10+s2] =	stream.linear.scatter [tilespmem:s17], [sflag:$0x4], $0xC800, $0x38;
	[tilespmem:$0x1F400] =	vst v63  }
0x83: {  	_ =	swait.ge [sflag:s22], $0xC800  }
0x84: {  	[sflag:s22] =	ssyncset.done $0x0  }
0x85: {  	[sflag:s22] =	ssyncadd.s32 $0xFFFF3800  }
0x86: {  	[tilespmem:s17], [sflag:$0x2] =	stream.indirect.gather [hbm4b:s3+s15], $0x10, s28, s15, $0xb8;
	[tilespmem:$0x1F400] =	vst v63  }
0x87: {  	_ =	swait.ge [sflag:s18], $0xC800  }
0x88: {  	[sflag:s18] =	ssyncset.done $0x0  }
0x89: {  	[sflag:s18] =	ssyncadd.s32 $0xFFFF3800  }
0x8a: {  	[hbm4b:s11+s2] =	stream.linear.scatter [tilespmem:s16], [sflag:$0x3], $0xC800, $0x38;
	[tilespmem:$0x1F400] =	vst v63  }
0x8b: {  	_ =	swait.ge [sflag:s21], $0xC800  }
0x8c: {  	[sflag:s21] =	ssyncset.done $0x0  }
0x8d: {  	s29 =	sadd.s32 $0x1, s29;
	[sflag:s21] =	ssyncadd.s32 $0xFFFF3800  }
0x8e: {  	[hbm4b:s12+s2] =	stream.linear.scatter [tilespmem:s17], [sflag:$0x4], $0xC800, $0x38;
	[tilespmem:$0x1F400] =	vst v63  }
0x8f: {  	p0 =	sne.s32 s29, s13;
	_ =	swait.ge [sflag:s19], $0xC800  }
.Ltmp1:
0x90: {  	[sflag:s19] =	ssyncset.done $0x0;
	(pc) =	sbr.rel @p0 .LBB2_1-.Ltmp1, $4  }
0x91: {  	[sflag:s19] =	ssyncadd.s32 $0xFFFF3800  }
0x92: {  	_ =	swait.ge [sflag:s22], $0xC800  }
0x93: {  	[sflag:s22] =	ssyncset.done $0x0  }
0x94: {  	[sflag:s22] =	ssyncadd.s32 $0xFFFF3800  }
0x95: {  	_ =	sfence.sel $0x180000  }
0x96: {  	[bflag:$0x0] =	sbarrier.arrive $0xFFFF  }
0x97: {  	_ =	strace $0x90000047  }
0x98: {  	s0 =	stileid.u32;
	[bflag:$0x2] =	sbarrier.arrive $0xFFFF  }
0x99: {  	p0 =	sne.s32 s0, $0x0;
	s0 =	rddreg [dreg:$0x2]  }
0x9a: {  	s0 =	sadd.s32 @!p0 $0x100000, s0  }
0x9b: {  	[sflag:s0] =	ssyncadd.tile.s32 @!p0 $0x1;
	_ =	shalt  }
.Lfunc_end2:
_tile_overlayer_lowered:
.L_overlay_start_2:
0x9c: {  	(tag) =	ssettag $0x2  }
0x9d: {  	s0 =	rddreg [dreg:$0x0];
	s2 =	stileid.u32  }
0x9e: {  	s1 =	rddreg [dreg:$0x1];
	p0 =	sne.s32 s2, $0x0  }
0x9f: {  	s3 =	rddreg [dreg:$0x2];
	[bflag:$0x3] =	sbarrier.arrive $0xFFFF;
	s2 =	simm.s32 @!p0 $0x1C05  }
0xa0: {  	[timem:s3], [sflag:s2] =	dma.local @!p0 [hbm:s0], s1  }
0xa1: {  	s0 =	simm.s32 @!p0 $0x5  }
0xa2: {  	_ =	swait.ge @!p0 [sflag:s0], s1  }
0xa3: {  	s1 =	ssub.s32 @!p0 $0x0, s1;
	[sflag:s0] =	ssyncset.done @!p0 $0x0  }
0xa4: {  	[sflag:s0] =	ssyncadd.s32 @!p0 s1  }
0xa5: {  	[bflag:$0x3] =	sbarrier.arrive $0xFFFF  }
0xa6: {  	_ =	shalt  }

</sc_bundles>
